<compile_context>
chip_gen: v7x
topology: tpu7x:2x2x1
jax: 0.10.2.dev20260603
libtpu: 0.0.44.dev20260713+nightly
codegen_flags: <defaults>
</compile_context>

<pallas_src>
import functools

import jax
import jax.numpy as jnp
from jax import lax
from jax.experimental import pallas as pl
from jax.experimental.pallas import tpu as pltpu
from jax.experimental.pallas import tpu_sc as plsc

N_NODES_K = 10000
N_EDGES_K = 320000
D_FEAT_K = 128
D_EDGE_K = 16
D_OUT_K = 128



def _tables_body(nodes_ref, wr_ref, ws_ref, wg_ref, g_ref, b_ref,
                 prer_ref, pres_ref):
    gvec = jnp.dot(g_ref[...], wg_ref[...],
                   preferred_element_type=jnp.float32) + b_ref[...]
    n = nodes_ref[...]
    prer_ref[...] = jnp.dot(n, wr_ref[...],
                            preferred_element_type=jnp.float32) + gvec
    pres_ref[...] = jnp.dot(n, ws_ref[...],
                            preferred_element_type=jnp.float32)


def _make_tables(nodes, w_r, w_s, w_g, g, b):
    blk = 2000
    grid = N_NODES_K // blk
    return pl.pallas_call(
        _tables_body,
        grid=(grid,),
        in_specs=[
            pl.BlockSpec((blk, D_FEAT_K), lambda i: (i, 0)),
            pl.BlockSpec((D_FEAT_K, D_OUT_K), lambda i: (0, 0)),
            pl.BlockSpec((D_FEAT_K, D_OUT_K), lambda i: (0, 0)),
            pl.BlockSpec((D_FEAT_K, D_OUT_K), lambda i: (0, 0)),
            pl.BlockSpec((1, D_FEAT_K), lambda i: (0, 0)),
            pl.BlockSpec((1, D_OUT_K), lambda i: (0, 0)),
        ],
        out_specs=[
            pl.BlockSpec((blk, D_OUT_K), lambda i: (i, 0)),
            pl.BlockSpec((blk, D_OUT_K), lambda i: (i, 0)),
        ],
        out_shape=[
            jax.ShapeDtypeStruct((N_NODES_K, D_OUT_K), jnp.float32),
            jax.ShapeDtypeStruct((N_NODES_K, D_OUT_K), jnp.float32),
        ],
    )(nodes, w_r, w_s, w_g, g, b)



_SC_CHUNK = 40


_SLICES = (160000, 160000)


def _gsum_sc(pre_r, pre_s, receivers, senders, slice_e):
    info = plsc.get_sparse_core_info()
    nc, ns = info.num_cores, info.num_subcores
    nw = nc * ns
    e_per_w = slice_e // nw
    n_chunks = e_per_w // _SC_CHUNK
    n_pairs = n_chunks // 2
    mesh = plsc.VectorSubcoreMesh(core_axis_name="c", subcore_axis_name="s")
    C = _SC_CHUNK

    @functools.partial(
        pl.kernel,
        mesh=mesh,
        out_type=jax.ShapeDtypeStruct((slice_e, D_OUT_K), jnp.float32),
        scratch_types=[
            pltpu.VMEM((e_per_w,), jnp.int32),
            pltpu.VMEM((e_per_w,), jnp.int32),
            [pltpu.VMEM((C, D_OUT_K), jnp.float32) for _ in range(2)],
            [pltpu.VMEM((C, D_OUT_K), jnp.float32) for _ in range(2)],
            [pltpu.VMEM((C, D_OUT_K), jnp.float32) for _ in range(2)],
            [pltpu.SemaphoreType.DMA for _ in range(2)],
            [pltpu.SemaphoreType.DMA for _ in range(2)],
            [pltpu.SemaphoreType.DMA for _ in range(2)],
        ],
    )
    def gsum_kernel(prer_hbm, pres_hbm, recv_hbm, send_hbm, out_hbm,
                    idx_r, idx_s, rows_r, rows_s, outb, sem_r, sem_s,
                    sem_o):
        wid = lax.axis_index("s") * nc + lax.axis_index("c")
        base = wid * e_per_w

        def fire_gathers(c, b):
            pltpu.async_copy(prer_hbm.at[idx_r.at[pl.ds(c * C, C)]],
                             rows_r[b], sem_r[b])
            pltpu.async_copy(pres_hbm.at[idx_s.at[pl.ds(c * C, C)]],
                             rows_s[b], sem_s[b])

        def wait_gathers(c, b):
            pltpu.make_async_copy(prer_hbm.at[idx_r.at[pl.ds(c * C, C)]],
                                  rows_r[b], sem_r[b]).wait()
            pltpu.make_async_copy(pres_hbm.at[idx_s.at[pl.ds(c * C, C)]],
                                  rows_s[b], sem_s[b]).wait()

        def compute(b):
            @plsc.parallel_loop(0, C, step=1, unroll=4)
            def row_body(i):
                for j in range(D_OUT_K // 16):
                    sl = pl.ds(j * 16, 16)
                    outb[b][i, sl] = rows_r[b][i, sl] + rows_s[b][i, sl]

        def fire_out(c, b):
            pltpu.async_copy(outb[b], out_hbm.at[pl.ds(base + c * C, C)],
                             sem_o[b])

        def wait_out(c, b):
            pltpu.make_async_copy(outb[b],
                                  out_hbm.at[pl.ds(base + c * C, C)],
                                  sem_o[b]).wait()

        pltpu.sync_copy(recv_hbm.at[pl.ds(base, e_per_w)], idx_r)
        pltpu.sync_copy(send_hbm.at[pl.ds(base, e_per_w)], idx_s)
        fire_gathers(0, 0)

        def pair_body(g, carry):
            c0 = 2 * g
            c1 = c0 + 1
            fire_gathers(c1, 1)
            wait_gathers(c0, 0)

            @pl.when(g > 0)
            def _():
                wait_out(c0 - 2, 0)

            compute(0)
            fire_out(c0, 0)

            @pl.when(c0 + 2 < n_chunks)
            def _():
                fire_gathers(c0 + 2, 0)

            wait_gathers(c1, 1)

            @pl.when(g > 0)
            def _():
                wait_out(c1 - 2, 1)

            compute(1)
            fire_out(c1, 1)
            return carry

        lax.fori_loop(0, n_pairs, pair_body, 0)
        if n_chunks % 2:
            wait_gathers(n_chunks - 1, 0)
            wait_out(n_chunks - 3, 0)
            compute(0)
            fire_out(n_chunks - 1, 0)
            wait_out(n_chunks - 2, 1)
            wait_out(n_chunks - 1, 0)
        else:
            wait_out(n_chunks - 2, 0)
            wait_out(n_chunks - 1, 1)

    return gsum_kernel(pre_r, pre_s, receivers, senders)




def _combine_body(edges_ref, we_ref, gsum_ref, out_ref):
    ep = jnp.dot(edges_ref[...], we_ref[...],
                 preferred_element_type=jnp.float32)
    out_ref[...] = jnp.maximum(ep + gsum_ref[...], 0.0)


def _combine_first(edges, w_e, gsum0):
    blk = 4000
    grid = _SLICES[0] // blk
    return pl.pallas_call(
        _combine_body,
        grid=(grid,),
        in_specs=[
            pl.BlockSpec((blk, D_EDGE_K), lambda i: (i, 0)),
            pl.BlockSpec((D_EDGE_K, D_OUT_K), lambda i: (0, 0)),
            pl.BlockSpec((blk, D_OUT_K), lambda i: (i, 0)),
        ],
        out_specs=pl.BlockSpec((blk, D_OUT_K), lambda i: (i, 0)),
        out_shape=jax.ShapeDtypeStruct((N_EDGES_K, D_OUT_K), jnp.float32),
    )(edges, w_e, gsum0)


def _combine_slice(edges, w_e, gsum_k, out_prev, row_off, slice_e):
    blk = 4000
    grid = slice_e // blk
    off = row_off // blk

    def _body(edges_ref, we_ref, gsum_ref, _, out_ref):
        _combine_body(edges_ref, we_ref, gsum_ref, out_ref)

    return pl.pallas_call(
        _body,
        grid=(grid,),
        in_specs=[
            pl.BlockSpec((blk, D_EDGE_K), lambda i: (off + i, 0)),
            pl.BlockSpec((D_EDGE_K, D_OUT_K), lambda i: (0, 0)),
            pl.BlockSpec((blk, D_OUT_K), lambda i: (i, 0)),
            pl.BlockSpec(memory_space=pl.ANY),
        ],
        out_specs=pl.BlockSpec((blk, D_OUT_K), lambda i: (off + i, 0)),
        out_shape=jax.ShapeDtypeStruct((N_EDGES_K, D_OUT_K), jnp.float32),
        input_output_aliases={3: 0},
    )(edges, w_e, gsum_k, out_prev)




def kernel(nodes, edges, globals_attr, senders, receivers, W, b):
    w_e = W[:D_EDGE_K]
    w_r = W[D_EDGE_K:D_EDGE_K + D_FEAT_K]
    w_s = W[D_EDGE_K + D_FEAT_K:D_EDGE_K + 2 * D_FEAT_K]
    w_g = W[D_EDGE_K + 2 * D_FEAT_K:]
    b2 = b.reshape(1, D_OUT_K)
    pre_r, pre_s = _make_tables(nodes, w_r, w_s, w_g, globals_attr, b2)
    offs = [0]
    for se in _SLICES[:-1]:
        offs.append(offs[-1] + se)
    gsums = [
        _gsum_sc(pre_r, pre_s,
                 lax.slice(receivers, (o,), (o + se,)),
                 lax.slice(senders, (o,), (o + se,)), se)
        for o, se in zip(offs, _SLICES)
    ]
    out = _combine_first(edges, w_e, gsums[0])
    for k in range(1, len(_SLICES)):
        out = _combine_slice(edges, w_e, gsums[k], out, offs[k], _SLICES[k])
    return out

# --- scband reference (transcript-rebuilt; emitter-appended) ---
"""Pipeline reference for scband-edge-processor-17386027614328 (READ-ONLY COPY).

The authoritative reference and input builder live on the scoring server;
editing this copy changes nothing except your own understanding.
"""

import jax, jax.numpy as jnp
import numpy as np

N_NODES = 10000
N_EDGES = 320000
D_FEAT = 128
D_EDGE = 16
D_GLOBAL = 128
D_OUT = 128
D_IN = D_EDGE + 2 * D_FEAT + D_GLOBAL  # edges + receivers + senders + globals


def setup_inputs(seed: int = 0) -> dict:
    key = jax.random.key(seed)
    ks = jax.random.split(key, 7)
    nodes = jax.random.normal(ks[0], (N_NODES, D_FEAT), dtype=jnp.float32)
    edges = jax.random.normal(ks[1], (N_EDGES, D_EDGE), dtype=jnp.float32)
    globals_attr = jax.random.normal(ks[2], (1, D_GLOBAL), dtype=jnp.float32)
    senders = jax.random.randint(ks[3], (N_EDGES,), 0, N_NODES, dtype=jnp.int32)
    receivers = jax.random.randint(ks[4], (N_EDGES,), 0, N_NODES, dtype=jnp.int32)
    # Parameters of the edge-update net (modeled as Dense(D_OUT) + ReLU)
    W = jax.random.normal(ks[5], (D_IN, D_OUT), dtype=jnp.float32) * 0.05
    b = jnp.zeros((D_OUT,), dtype=jnp.float32)
    return {"nodes": nodes, "edges": edges, "globals_attr": globals_attr,
            "senders": senders, "receivers": receivers, "W": W, "b": b}


def reference(nodes, edges, globals_attr, senders, receivers, W, b):
    # use_edges: previous edge features
    feats = [edges]
    # use_receivers: broadcast receiver node features to edges (gather)
    feats.append(jnp.take(nodes, receivers, axis=0))
    # use_senders: broadcast sender node features to edges (gather)
    feats.append(jnp.take(nodes, senders, axis=0))
    # use_globals: broadcast global features to every edge
    feats.append(jnp.broadcast_to(globals_attr, (edges.shape[0], globals_attr.shape[-1])))
    concat = jnp.concatenate(feats, axis=-1)
    # net(concat): Dense + ReLU
    new_edges = jax.nn.relu(concat @ W + b)
    return new_edges

if __name__ == "__main__":
    import jax
    _d = setup_inputs()
    print(jax.jit(kernel)(*tuple(_d.values())))

</pallas_src>

<mosaic_0001>
#map = affine_map<(d0, d1) -> (0, 0)>
#map1 = affine_map<(d0, d1) -> (0)>
module attributes {stable_mosaic.version = 14 : i64} {
  func.func @gsum_kernel(%arg0: i32, %arg1: i32, %arg2: memref<10000x128xf32, #tpu.memory_space<hbm>>, %arg3: memref<10000x128xf32, #tpu.memory_space<hbm>>, %arg4: memref<160000xi32, #tpu.memory_space<hbm>>, %arg5: memref<160000xi32, #tpu.memory_space<hbm>>, %arg6: memref<160000x128xf32, #tpu.memory_space<hbm>>, %arg7: memref<5000xi32, #tpu.memory_space<vmem>>, %arg8: memref<5000xi32, #tpu.memory_space<vmem>>, %arg9: memref<40x128xf32, #tpu.memory_space<vmem>>, %arg10: memref<40x128xf32, #tpu.memory_space<vmem>>, %arg11: memref<40x128xf32, #tpu.memory_space<vmem>>, %arg12: memref<40x128xf32, #tpu.memory_space<vmem>>, %arg13: memref<40x128xf32, #tpu.memory_space<vmem>>, %arg14: memref<40x128xf32, #tpu.memory_space<vmem>>, %arg15: memref<!tpu.dma_semaphore, #tpu.memory_space<semaphore_mem>>, %arg16: memref<!tpu.dma_semaphore, #tpu.memory_space<semaphore_mem>>, %arg17: memref<!tpu.dma_semaphore, #tpu.memory_space<semaphore_mem>>, %arg18: memref<!tpu.dma_semaphore, #tpu.memory_space<semaphore_mem>>, %arg19: memref<!tpu.dma_semaphore, #tpu.memory_space<semaphore_mem>>, %arg20: memref<!tpu.dma_semaphore, #tpu.memory_space<semaphore_mem>>) attributes {dimension_semantics = [#tpu.dimension_semantics<core_parallel>, #tpu.dimension_semantics<subcore_parallel>], iteration_bounds = array<i64: 2, 16>, scalar_prefetch = 0 : i64, scratch_operands = 14 : i64, tpu.core_type = #tpu.core_type<sc_vector_subcore>, window_params = [{transform_indices = #map}, {transform_indices = #map}, {transform_indices = #map1}, {transform_indices = #map1}, {transform_indices = #map}]} {
    %mul3A = arith.constant 2 : i32
    %mul3A_0 = arith.muli %arg1, %mul3A : i32
    %add3A = arith.addi %mul3A_0, %arg0 : i32
    %mul3A_1 = arith.constant 5000 : i32
    %mul3A_2 = arith.muli %add3A, %mul3A_1 : i32
    "tpu.region"() ({
      %run_scoped3A = tpu.sem_alloc : memref<!tpu.dma_semaphore, #tpu.memory_space<semaphore_mem>>
      %dma_start3A_52 = tpu.memref_slice %arg4[%mul3A_2] : memref<160000xi32, #tpu.memory_space<hbm>> -> memref<5000xi32, #tpu.memory_space<hbm>>
      %dma_start3A_53 = tpu.memref_slice %arg4[%mul3A_2] : memref<160000xi32, #tpu.memory_space<hbm>> -> memref<5000xi32, #tpu.memory_space<hbm>>
      tpu.enqueue_dma source(%dma_start3A_53 : memref<5000xi32, #tpu.memory_space<hbm>>) target(%arg7 : memref<5000xi32, #tpu.memory_space<vmem>>) target_semaphore(%run_scoped3A : memref<!tpu.dma_semaphore, #tpu.memory_space<semaphore_mem>>)
      %dma_wait3A_54 = tpu.memref_slice %arg4[%mul3A_2] : memref<160000xi32, #tpu.memory_space<hbm>> -> memref<5000xi32, #tpu.memory_space<hbm>>
      %dma_wait3A_55 = tpu.memref_slice %arg4[%mul3A_2] : memref<160000xi32, #tpu.memory_space<hbm>> -> memref<5000xi32, #tpu.memory_space<hbm>>
      tpu.wait_dma2 semaphore(%run_scoped3A : memref<!tpu.dma_semaphore, #tpu.memory_space<semaphore_mem>>) src(%dma_wait3A_55 : memref<5000xi32, #tpu.memory_space<hbm>>) dst(%arg7 : memref<5000xi32, #tpu.memory_space<vmem>>)
      tpu.yield
    }) : () -> ()
    "tpu.region"() ({
      %run_scoped3A = tpu.sem_alloc : memref<!tpu.dma_semaphore, #tpu.memory_space<semaphore_mem>>
      %dma_start3A_52 = tpu.memref_slice %arg5[%mul3A_2] : memref<160000xi32, #tpu.memory_space<hbm>> -> memref<5000xi32, #tpu.memory_space<hbm>>
      %dma_start3A_53 = tpu.memref_slice %arg5[%mul3A_2] : memref<160000xi32, #tpu.memory_space<hbm>> -> memref<5000xi32, #tpu.memory_space<hbm>>
      tpu.enqueue_dma source(%dma_start3A_53 : memref<5000xi32, #tpu.memory_space<hbm>>) target(%arg8 : memref<5000xi32, #tpu.memory_space<vmem>>) target_semaphore(%run_scoped3A : memref<!tpu.dma_semaphore, #tpu.memory_space<semaphore_mem>>)
      %dma_wait3A_54 = tpu.memref_slice %arg5[%mul3A_2] : memref<160000xi32, #tpu.memory_space<hbm>> -> memref<5000xi32, #tpu.memory_space<hbm>>
      %dma_wait3A_55 = tpu.memref_slice %arg5[%mul3A_2] : memref<160000xi32, #tpu.memory_space<hbm>> -> memref<5000xi32, #tpu.memory_space<hbm>>
      tpu.wait_dma2 semaphore(%run_scoped3A : memref<!tpu.dma_semaphore, #tpu.memory_space<semaphore_mem>>) src(%dma_wait3A_55 : memref<5000xi32, #tpu.memory_space<hbm>>) dst(%arg8 : memref<5000xi32, #tpu.memory_space<vmem>>)
      tpu.yield
    }) : () -> ()
    %dma_start3A = arith.constant 0 : i32
    %dma_start3A_3 = tpu.memref_slice %arg7[%dma_start3A] : memref<5000xi32, #tpu.memory_space<vmem>> -> memref<40xi32, #tpu.memory_space<vmem>>
    %dma_start3A_4 = arith.constant 0 : i32
    %dma_start3A_5 = arith.constant 0 : i32
    %dma_start3A_6 = tpu.memref_slice %arg2[%dma_start3A_4, %dma_start3A_5] : memref<10000x128xf32, #tpu.memory_space<hbm>> -> memref<10000x128xf32, #tpu.memory_space<hbm>>
    tpu.enqueue_indirect_dma source(%dma_start3A_6 : memref<10000x128xf32, #tpu.memory_space<hbm>>) target(%arg9 : memref<40x128xf32, #tpu.memory_space<vmem>>) offsets(%dma_start3A_3 : memref<40xi32, #tpu.memory_space<vmem>>) semaphore(%arg15 : memref<!tpu.dma_semaphore, #tpu.memory_space<semaphore_mem>>)
    %dma_start3A_7 = arith.constant 0 : i32
    %dma_start3A_8 = tpu.memref_slice %arg8[%dma_start3A_7] : memref<5000xi32, #tpu.memory_space<vmem>> -> memref<40xi32, #tpu.memory_space<vmem>>
    %dma_start3A_9 = arith.constant 0 : i32
    %dma_start3A_10 = arith.constant 0 : i32
    %dma_start3A_11 = tpu.memref_slice %arg3[%dma_start3A_9, %dma_start3A_10] : memref<10000x128xf32, #tpu.memory_space<hbm>> -> memref<10000x128xf32, #tpu.memory_space<hbm>>
    tpu.enqueue_indirect_dma source(%dma_start3A_11 : memref<10000x128xf32, #tpu.memory_space<hbm>>) target(%arg11 : memref<40x128xf32, #tpu.memory_space<vmem>>) offsets(%dma_start3A_8 : memref<40xi32, #tpu.memory_space<vmem>>) semaphore(%arg17 : memref<!tpu.dma_semaphore, #tpu.memory_space<semaphore_mem>>)
    %scan3A = arith.constant 0 : i32
    %scan3A_12 = arith.constant 0 : i32
    %scan3A_13 = arith.constant 62 : i32
    %scan3A_14 = arith.addi %scan3A_12, %scan3A_13 : i32
    %scan3A_15 = arith.constant 1 : i32
    scf.for %scan3A_52 = %scan3A_12 to %scan3A_14 step %scan3A_15  : i32 {
      %mul3A_53 = arith.constant 2 : i32
      %mul3A_54 = arith.muli %mul3A_53, %scan3A_52 : i32
      %add3A_55 = arith.constant 1 : i32
      %add3A_56 = arith.addi %mul3A_54, %add3A_55 : i32
      %mul3A_57 = arith.constant 40 : i32
      %mul3A_58 = arith.muli %add3A_56, %mul3A_57 : i32
      %dma_start3A_59 = tpu.memref_slice %arg7[%mul3A_58] : memref<5000xi32, #tpu.memory_space<vmem>> -> memref<40xi32, #tpu.memory_space<vmem>>
      %dma_start3A_60 = arith.constant 0 : i32
      %dma_start3A_61 = arith.constant 0 : i32
      %dma_start3A_62 = tpu.memref_slice %arg2[%dma_start3A_60, %dma_start3A_61] : memref<10000x128xf32, #tpu.memory_space<hbm>> -> memref<10000x128xf32, #tpu.memory_space<hbm>>
      tpu.enqueue_indirect_dma source(%dma_start3A_62 : memref<10000x128xf32, #tpu.memory_space<hbm>>) target(%arg10 : memref<40x128xf32, #tpu.memory_space<vmem>>) offsets(%dma_start3A_59 : memref<40xi32, #tpu.memory_space<vmem>>) semaphore(%arg16 : memref<!tpu.dma_semaphore, #tpu.memory_space<semaphore_mem>>)
      %mul3A_63 = arith.constant 40 : i32
      %mul3A_64 = arith.muli %add3A_56, %mul3A_63 : i32
      %dma_start3A_65 = tpu.memref_slice %arg8[%mul3A_64] : memref<5000xi32, #tpu.memory_space<vmem>> -> memref<40xi32, #tpu.memory_space<vmem>>
      %dma_start3A_66 = arith.constant 0 : i32
      %dma_start3A_67 = arith.constant 0 : i32
      %dma_start3A_68 = tpu.memref_slice %arg3[%dma_start3A_66, %dma_start3A_67] : memref<10000x128xf32, #tpu.memory_space<hbm>> -> memref<10000x128xf32, #tpu.memory_space<hbm>>
      tpu.enqueue_indirect_dma source(%dma_start3A_68 : memref<10000x128xf32, #tpu.memory_space<hbm>>) target(%arg12 : memref<40x128xf32, #tpu.memory_space<vmem>>) offsets(%dma_start3A_65 : memref<40xi32, #tpu.memory_space<vmem>>) semaphore(%arg18 : memref<!tpu.dma_semaphore, #tpu.memory_space<semaphore_mem>>)
      %mul3A_69 = arith.constant 40 : i32
      %mul3A_70 = arith.muli %mul3A_54, %mul3A_69 : i32
      %dma_wait3A_71 = tpu.memref_slice %arg7[%mul3A_70] : memref<5000xi32, #tpu.memory_space<vmem>> -> memref<40xi32, #tpu.memory_space<vmem>>
      %dma_wait3A_72 = arith.constant 0 : i32
      %dma_wait3A_73 = arith.constant 0 : i32
      %dma_wait3A_74 = tpu.memref_slice %arg2[%dma_wait3A_72, %dma_wait3A_73] : memref<10000x128xf32, #tpu.memory_space<hbm>> -> memref<10000x128xf32, #tpu.memory_space<hbm>>
      tpu.wait_indirect_dma semaphore(%arg15 : memref<!tpu.dma_semaphore, #tpu.memory_space<semaphore_mem>>) src(%dma_wait3A_74 : memref<10000x128xf32, #tpu.memory_space<hbm>>) dst(%arg9 : memref<40x128xf32, #tpu.memory_space<vmem>>)
      %mul3A_75 = arith.constant 40 : i32
      %mul3A_76 = arith.muli %mul3A_54, %mul3A_75 : i32
      %dma_wait3A_77 = tpu.memref_slice %arg8[%mul3A_76] : memref<5000xi32, #tpu.memory_space<vmem>> -> memref<40xi32, #tpu.memory_space<vmem>>
      %dma_wait3A_78 = arith.constant 0 : i32
      %dma_wait3A_79 = arith.constant 0 : i32
      %dma_wait3A_80 = tpu.memref_slice %arg3[%dma_wait3A_78, %dma_wait3A_79] : memref<10000x128xf32, #tpu.memory_space<hbm>> -> memref<10000x128xf32, #tpu.memory_space<hbm>>
      tpu.wait_indirect_dma semaphore(%arg17 : memref<!tpu.dma_semaphore, #tpu.memory_space<semaphore_mem>>) src(%dma_wait3A_80 : memref<10000x128xf32, #tpu.memory_space<hbm>>) dst(%arg11 : memref<40x128xf32, #tpu.memory_space<vmem>>)
      %gt3A = arith.constant 0 : i32
      %gt3A_81 = arith.cmpi sgt, %scan3A_52, %gt3A : i32
      %convert_element_type3A = arith.extui %gt3A_81 : i1 to i32
      %cond3A = arith.constant 0 : i32
      %cond3A_82 = arith.cmpi ne, %convert_element_type3A, %cond3A : i32
      scf.if %cond3A_82 {
        %sub3A = arith.constant 2 : i32
        %sub3A_126 = arith.subi %mul3A_54, %sub3A : i32
        %mul3A_127 = arith.constant 40 : i32
        %mul3A_128 = arith.muli %sub3A_126, %mul3A_127 : i32
        %add3A_129 = arith.addi %mul3A_2, %mul3A_128 : i32
        %dma_wait3A_130 = arith.constant 0 : i32
        %dma_wait3A_131 = tpu.memref_slice %arg6[%add3A_129, %dma_wait3A_130] : memref<160000x128xf32, #tpu.memory_space<hbm>> -> memref<40x128xf32, #tpu.memory_space<hbm>>
        %dma_wait3A_132 = arith.constant 0 : i32
        %dma_wait3A_133 = tpu.memref_slice %arg6[%add3A_129, %dma_wait3A_132] : memref<160000x128xf32, #tpu.memory_space<hbm>> -> memref<40x128xf32, #tpu.memory_space<hbm>>
        tpu.wait_dma2 semaphore(%arg19 : memref<!tpu.dma_semaphore, #tpu.memory_space<semaphore_mem>>) src(%arg13 : memref<40x128xf32, #tpu.memory_space<vmem>>) dst(%dma_wait3A_133 : memref<40x128xf32, #tpu.memory_space<hbm>>)
      } else {
      }
      %parallel_loop3A_83 = arith.constant 0 : i32
      %parallel_loop3A_84 = arith.constant 40 : i32
      %parallel_loop3A_85 = arith.constant 1 : i32
      scf.for %parallel_loop3A_126 = %parallel_loop3A_83 to %parallel_loop3A_84 step %parallel_loop3A_85  : i32 {
        %parallel_loop3A_127 = arith.index_cast %parallel_loop3A_126 : i32 to index
        %parallel_loop3A_128 = arith.constant 0 : index
        %parallel_loop3A_129 = tpu.vector_load %arg9[%parallel_loop3A_127, %parallel_loop3A_128] {strides = array<i32>} : memref<40x128xf32, #tpu.memory_space<vmem>>, vector<1x16xf32>,
        %parallel_loop3A_130 = vector.shape_cast %parallel_loop3A_129 : vector<1x16xf32> to vector<16xf32>
        %parallel_loop3A_131 = arith.index_cast %parallel_loop3A_126 : i32 to index
        %parallel_loop3A_132 = arith.constant 0 : index
        %parallel_loop3A_133 = tpu.vector_load %arg11[%parallel_loop3A_131, %parallel_loop3A_132] {strides = array<i32>} : memref<40x128xf32, #tpu.memory_space<vmem>>, vector<1x16xf32>,
        %parallel_loop3A_134 = vector.shape_cast %parallel_loop3A_133 : vector<1x16xf32> to vector<16xf32>
        %parallel_loop3A_135 = arith.addf %parallel_loop3A_130, %parallel_loop3A_134 : vector<16xf32>
        %parallel_loop3A_136 = arith.index_cast %parallel_loop3A_126 : i32 to index
        %parallel_loop3A_137 = arith.constant 0 : index
        %parallel_loop3A_138 = tpu.vector_load %arg13[%parallel_loop3A_136, %parallel_loop3A_137] {strides = array<i32>} : memref<40x128xf32, #tpu.memory_space<vmem>>, vector<1x16xf32>,
        %parallel_loop3A_139 = vector.shape_cast %parallel_loop3A_138 : vector<1x16xf32> to vector<16xf32>
        %parallel_loop3A_140 = vector.shape_cast %parallel_loop3A_135 : vector<16xf32> to vector<1x16xf32>
        tpu.vector_store %arg13[%parallel_loop3A_136, %parallel_loop3A_137], %parallel_loop3A_140 {strides = array<i32>} : memref<40x128xf32, #tpu.memory_space<vmem>>, vector<1x16xf32>,
        %parallel_loop3A_141 = arith.index_cast %parallel_loop3A_126 : i32 to index
        %parallel_loop3A_142 = arith.constant 16 : index
        %parallel_loop3A_143 = tpu.vector_load %arg9[%parallel_loop3A_141, %parallel_loop3A_142] {strides = array<i32>} : memref<40x128xf32, #tpu.memory_space<vmem>>, vector<1x16xf32>,
        %parallel_loop3A_144 = vector.shape_cast %parallel_loop3A_143 : vector<1x16xf32> to vector<16xf32>
        %parallel_loop3A_145 = arith.index_cast %parallel_loop3A_126 : i32 to index
        %parallel_loop3A_146 = arith.constant 16 : index
        %parallel_loop3A_147 = tpu.vector_load %arg11[%parallel_loop3A_145, %parallel_loop3A_146] {strides = array<i32>} : memref<40x128xf32, #tpu.memory_space<vmem>>, vector<1x16xf32>,
        %parallel_loop3A_148 = vector.shape_cast %parallel_loop3A_147 : vector<1x16xf32> to vector<16xf32>
        %parallel_loop3A_149 = arith.addf %parallel_loop3A_144, %parallel_loop3A_148 : vector<16xf32>
        %parallel_loop3A_150 = arith.index_cast %parallel_loop3A_126 : i32 to index
        %parallel_loop3A_151 = arith.constant 16 : index
        %parallel_loop3A_152 = tpu.vector_load %arg13[%parallel_loop3A_150, %parallel_loop3A_151] {strides = array<i32>} : memref<40x128xf32, #tpu.memory_space<vmem>>, vector<1x16xf32>,
        %parallel_loop3A_153 = vector.shape_cast %parallel_loop3A_152 : vector<1x16xf32> to vector<16xf32>
        %parallel_loop3A_154 = vector.shape_cast %parallel_loop3A_149 : vector<16xf32> to vector<1x16xf32>
        tpu.vector_store %arg13[%parallel_loop3A_150, %parallel_loop3A_151], %parallel_loop3A_154 {strides = array<i32>} : memref<40x128xf32, #tpu.memory_space<vmem>>, vector<1x16xf32>,
        %parallel_loop3A_155 = arith.index_cast %parallel_loop3A_126 : i32 to index
        %parallel_loop3A_156 = arith.constant 32 : index
        %parallel_loop3A_157 = tpu.vector_load %arg9[%parallel_loop3A_155, %parallel_loop3A_156] {strides = array<i32>} : memref<40x128xf32, #tpu.memory_space<vmem>>, vector<1x16xf32>,
        %parallel_loop3A_158 = vector.shape_cast %parallel_loop3A_157 : vector<1x16xf32> to vector<16xf32>
        %parallel_loop3A_159 = arith.index_cast %parallel_loop3A_126 : i32 to index
        %parallel_loop3A_160 = arith.constant 32 : index
        %parallel_loop3A_161 = tpu.vector_load %arg11[%parallel_loop3A_159, %parallel_loop3A_160] {strides = array<i32>} : memref<40x128xf32, #tpu.memory_space<vmem>>, vector<1x16xf32>,
        %parallel_loop3A_162 = vector.shape_cast %parallel_loop3A_161 : vector<1x16xf32> to vector<16xf32>
        %parallel_loop3A_163 = arith.addf %parallel_loop3A_158, %parallel_loop3A_162 : vector<16xf32>
        %parallel_loop3A_164 = arith.index_cast %parallel_loop3A_126 : i32 to index
        %parallel_loop3A_165 = arith.constant 32 : index
        %parallel_loop3A_166 = tpu.vector_load %arg13[%parallel_loop3A_164, %parallel_loop3A_165] {strides = array<i32>} : memref<40x128xf32, #tpu.memory_space<vmem>>, vector<1x16xf32>,
        %parallel_loop3A_167 = vector.shape_cast %parallel_loop3A_166 : vector<1x16xf32> to vector<16xf32>
        %parallel_loop3A_168 = vector.shape_cast %parallel_loop3A_163 : vector<16xf32> to vector<1x16xf32>
        tpu.vector_store %arg13[%parallel_loop3A_164, %parallel_loop3A_165], %parallel_loop3A_168 {strides = array<i32>} : memref<40x128xf32, #tpu.memory_space<vmem>>, vector<1x16xf32>,
        %parallel_loop3A_169 = arith.index_cast %parallel_loop3A_126 : i32 to index
        %parallel_loop3A_170 = arith.constant 48 : index
        %parallel_loop3A_171 = tpu.vector_load %arg9[%parallel_loop3A_169, %parallel_loop3A_170] {strides = array<i32>} : memref<40x128xf32, #tpu.memory_space<vmem>>, vector<1x16xf32>,
        %parallel_loop3A_172 = vector.shape_cast %parallel_loop3A_171 : vector<1x16xf32> to vector<16xf32>
        %parallel_loop3A_173 = arith.index_cast %parallel_loop3A_126 : i32 to index
        %parallel_loop3A_174 = arith.constant 48 : index
        %parallel_loop3A_175 = tpu.vector_load %arg11[%parallel_loop3A_173, %parallel_loop3A_174] {strides = array<i32>} : memref<40x128xf32, #tpu.memory_space<vmem>>, vector<1x16xf32>,
        %parallel_loop3A_176 = vector.shape_cast %parallel_loop3A_175 : vector<1x16xf32> to vector<16xf32>
        %parallel_loop3A_177 = arith.addf %parallel_loop3A_172, %parallel_loop3A_176 : vector<16xf32>
        %parallel_loop3A_178 = arith.index_cast %parallel_loop3A_126 : i32 to index
        %parallel_loop3A_179 = arith.constant 48 : index
        %parallel_loop3A_180 = tpu.vector_load %arg13[%parallel_loop3A_178, %parallel_loop3A_179] {strides = array<i32>} : memref<40x128xf32, #tpu.memory_space<vmem>>, vector<1x16xf32>,
        %parallel_loop3A_181 = vector.shape_cast %parallel_loop3A_180 : vector<1x16xf32> to vector<16xf32>
        %parallel_loop3A_182 = vector.shape_cast %parallel_loop3A_177 : vector<16xf32> to vector<1x16xf32>
        tpu.vector_store %arg13[%parallel_loop3A_178, %parallel_loop3A_179], %parallel_loop3A_182 {strides = array<i32>} : memref<40x128xf32, #tpu.memory_space<vmem>>, vector<1x16xf32>,
        %parallel_loop3A_183 = arith.index_cast %parallel_loop3A_126 : i32 to index
        %parallel_loop3A_184 = arith.constant 64 : index
        %parallel_loop3A_185 = tpu.vector_load %arg9[%parallel_loop3A_183, %parallel_loop3A_184] {strides = array<i32>} : memref<40x128xf32, #tpu.memory_space<vmem>>, vector<1x16xf32>,
        %parallel_loop3A_186 = vector.shape_cast %parallel_loop3A_185 : vector<1x16xf32> to vector<16xf32>
        %parallel_loop3A_187 = arith.index_cast %parallel_loop3A_126 : i32 to index
        %parallel_loop3A_188 = arith.constant 64 : index
        %parallel_loop3A_189 = tpu.vector_load %arg11[%parallel_loop3A_187, %parallel_loop3A_188] {strides = array<i32>} : memref<40x128xf32, #tpu.memory_space<vmem>>, vector<1x16xf32>,
        %parallel_loop3A_190 = vector.shape_cast %parallel_loop3A_189 : vector<1x16xf32> to vector<16xf32>
        %parallel_loop3A_191 = arith.addf %parallel_loop3A_186, %parallel_loop3A_190 : vector<16xf32>
        %parallel_loop3A_192 = arith.index_cast %parallel_loop3A_126 : i32 to index
        %parallel_loop3A_193 = arith.constant 64 : index
        %parallel_loop3A_194 = tpu.vector_load %arg13[%parallel_loop3A_192, %parallel_loop3A_193] {strides = array<i32>} : memref<40x128xf32, #tpu.memory_space<vmem>>, vector<1x16xf32>,
        %parallel_loop3A_195 = vector.shape_cast %parallel_loop3A_194 : vector<1x16xf32> to vector<16xf32>
        %parallel_loop3A_196 = vector.shape_cast %parallel_loop3A_191 : vector<16xf32> to vector<1x16xf32>
        tpu.vector_store %arg13[%parallel_loop3A_192, %parallel_loop3A_193], %parallel_loop3A_196 {strides = array<i32>} : memref<40x128xf32, #tpu.memory_space<vmem>>, vector<1x16xf32>,
        %parallel_loop3A_197 = arith.index_cast %parallel_loop3A_126 : i32 to index
        %parallel_loop3A_198 = arith.constant 80 : index
        %parallel_loop3A_199 = tpu.vector_load %arg9[%parallel_loop3A_197, %parallel_loop3A_198] {strides = array<i32>} : memref<40x128xf32, #tpu.memory_space<vmem>>, vector<1x16xf32>,
        %parallel_loop3A_200 = vector.shape_cast %parallel_loop3A_199 : vector<1x16xf32> to vector<16xf32>
        %parallel_loop3A_201 = arith.index_cast %parallel_loop3A_126 : i32 to index
        %parallel_loop3A_202 = arith.constant 80 : index
        %parallel_loop3A_203 = tpu.vector_load %arg11[%parallel_loop3A_201, %parallel_loop3A_202] {strides = array<i32>} : memref<40x128xf32, #tpu.memory_space<vmem>>, vector<1x16xf32>,
        %parallel_loop3A_204 = vector.shape_cast %parallel_loop3A_203 : vector<1x16xf32> to vector<16xf32>
        %parallel_loop3A_205 = arith.addf %parallel_loop3A_200, %parallel_loop3A_204 : vector<16xf32>
        %parallel_loop3A_206 = arith.index_cast %parallel_loop3A_126 : i32 to index
        %parallel_loop3A_207 = arith.constant 80 : index
        %parallel_loop3A_208 = tpu.vector_load %arg13[%parallel_loop3A_206, %parallel_loop3A_207] {strides = array<i32>} : memref<40x128xf32, #tpu.memory_space<vmem>>, vector<1x16xf32>,
        %parallel_loop3A_209 = vector.shape_cast %parallel_loop3A_208 : vector<1x16xf32> to vector<16xf32>
        %parallel_loop3A_210 = vector.shape_cast %parallel_loop3A_205 : vector<16xf32> to vector<1x16xf32>
        tpu.vector_store %arg13[%parallel_loop3A_206, %parallel_loop3A_207], %parallel_loop3A_210 {strides = array<i32>} : memref<40x128xf32, #tpu.memory_space<vmem>>, vector<1x16xf32>,
        %parallel_loop3A_211 = arith.index_cast %parallel_loop3A_126 : i32 to index
        %parallel_loop3A_212 = arith.constant 96 : index
        %parallel_loop3A_213 = tpu.vector_load %arg9[%parallel_loop3A_211, %parallel_loop3A_212] {strides = array<i32>} : memref<40x128xf32, #tpu.memory_space<vmem>>, vector<1x16xf32>,
        %parallel_loop3A_214 = vector.shape_cast %parallel_loop3A_213 : vector<1x16xf32> to vector<16xf32>
        %parallel_loop3A_215 = arith.index_cast %parallel_loop3A_126 : i32 to index
        %parallel_loop3A_216 = arith.constant 96 : index
        %parallel_loop3A_217 = tpu.vector_load %arg11[%parallel_loop3A_215, %parallel_loop3A_216] {strides = array<i32>} : memref<40x128xf32, #tpu.memory_space<vmem>>, vector<1x16xf32>,
        %parallel_loop3A_218 = vector.shape_cast %parallel_loop3A_217 : vector<1x16xf32> to vector<16xf32>
        %parallel_loop3A_219 = arith.addf %parallel_loop3A_214, %parallel_loop3A_218 : vector<16xf32>
        %parallel_loop3A_220 = arith.index_cast %parallel_loop3A_126 : i32 to index
        %parallel_loop3A_221 = arith.constant 96 : index
        %parallel_loop3A_222 = tpu.vector_load %arg13[%parallel_loop3A_220, %parallel_loop3A_221] {strides = array<i32>} : memref<40x128xf32, #tpu.memory_space<vmem>>, vector<1x16xf32>,
        %parallel_loop3A_223 = vector.shape_cast %parallel_loop3A_222 : vector<1x16xf32> to vector<16xf32>
        %parallel_loop3A_224 = vector.shape_cast %parallel_loop3A_219 : vector<16xf32> to vector<1x16xf32>
        tpu.vector_store %arg13[%parallel_loop3A_220, %parallel_loop3A_221], %parallel_loop3A_224 {strides = array<i32>} : memref<40x128xf32, #tpu.memory_space<vmem>>, vector<1x16xf32>,
        %parallel_loop3A_225 = arith.index_cast %parallel_loop3A_126 : i32 to index
        %parallel_loop3A_226 = arith.constant 112 : index
        %parallel_loop3A_227 = tpu.vector_load %arg9[%parallel_loop3A_225, %parallel_loop3A_226] {strides = array<i32>} : memref<40x128xf32, #tpu.memory_space<vmem>>, vector<1x16xf32>,
        %parallel_loop3A_228 = vector.shape_cast %parallel_loop3A_227 : vector<1x16xf32> to vector<16xf32>
        %parallel_loop3A_229 = arith.index_cast %parallel_loop3A_126 : i32 to index
        %parallel_loop3A_230 = arith.constant 112 : index
        %parallel_loop3A_231 = tpu.vector_load %arg11[%parallel_loop3A_229, %parallel_loop3A_230] {strides = array<i32>} : memref<40x128xf32, #tpu.memory_space<vmem>>, vector<1x16xf32>,
        %parallel_loop3A_232 = vector.shape_cast %parallel_loop3A_231 : vector<1x16xf32> to vector<16xf32>
        %parallel_loop3A_233 = arith.addf %parallel_loop3A_228, %parallel_loop3A_232 : vector<16xf32>
        %parallel_loop3A_234 = arith.index_cast %parallel_loop3A_126 : i32 to index
        %parallel_loop3A_235 = arith.constant 112 : index
        %parallel_loop3A_236 = tpu.vector_load %arg13[%parallel_loop3A_234, %parallel_loop3A_235] {strides = array<i32>} : memref<40x128xf32, #tpu.memory_space<vmem>>, vector<1x16xf32>,
        %parallel_loop3A_237 = vector.shape_cast %parallel_loop3A_236 : vector<1x16xf32> to vector<16xf32>
        %parallel_loop3A_238 = vector.shape_cast %parallel_loop3A_233 : vector<16xf32> to vector<1x16xf32>
        tpu.vector_store %arg13[%parallel_loop3A_234, %parallel_loop3A_235], %parallel_loop3A_238 {strides = array<i32>} : memref<40x128xf32, #tpu.memory_space<vmem>>, vector<1x16xf32>,
      } {sc.loop_unroll_factor = 4 : i64, sc.parallel_access}
      %mul3A_86 = arith.constant 40 : i32
      %mul3A_87 = arith.muli %mul3A_54, %mul3A_86 : i32
      %add3A_88 = arith.addi %mul3A_2, %mul3A_87 : i32
      %dma_start3A_89 = arith.constant 0 : i32
      %dma_start3A_90 = tpu.memref_slice %arg6[%add3A_88, %dma_start3A_89] : memref<160000x128xf32, #tpu.memory_space<hbm>> -> memref<40x128xf32, #tpu.memory_space<hbm>>
      %dma_start3A_91 = arith.constant 0 : i32
      %dma_start3A_92 = tpu.memref_slice %arg6[%add3A_88, %dma_start3A_91] : memref<160000x128xf32, #tpu.memory_space<hbm>> -> memref<40x128xf32, #tpu.memory_space<hbm>>
      tpu.enqueue_dma source(%arg13 : memref<40x128xf32, #tpu.memory_space<vmem>>) target(%dma_start3A_92 : memref<40x128xf32, #tpu.memory_space<hbm>>) target_semaphore(%arg19 : memref<!tpu.dma_semaphore, #tpu.memory_space<semaphore_mem>>)
      %add3A_93 = arith.constant 2 : i32
      %add3A_94 = arith.addi %mul3A_54, %add3A_93 : i32
      %lt3A = arith.constant 125 : i32
      %lt3A_95 = arith.cmpi slt, %add3A_94, %lt3A : i32
      %convert_element_type3A_96 = arith.extui %lt3A_95 : i1 to i32
      %cond3A_97 = arith.constant 0 : i32
      %cond3A_98 = arith.cmpi ne, %convert_element_type3A_96, %cond3A_97 : i32
      scf.if %cond3A_98 {
        %add3A_126 = arith.constant 2 : i32
        %add3A_127 = arith.addi %mul3A_54, %add3A_126 : i32
        %mul3A_128 = arith.constant 40 : i32
        %mul3A_129 = arith.muli %add3A_127, %mul3A_128 : i32
        %dma_start3A_130 = tpu.memref_slice %arg7[%mul3A_129] : memref<5000xi32, #tpu.memory_space<vmem>> -> memref<40xi32, #tpu.memory_space<vmem>>
        %dma_start3A_131 = arith.constant 0 : i32
        %dma_start3A_132 = arith.constant 0 : i32
        %dma_start3A_133 = tpu.memref_slice %arg2[%dma_start3A_131, %dma_start3A_132] : memref<10000x128xf32, #tpu.memory_space<hbm>> -> memref<10000x128xf32, #tpu.memory_space<hbm>>
        tpu.enqueue_indirect_dma source(%dma_start3A_133 : memref<10000x128xf32, #tpu.memory_space<hbm>>) target(%arg9 : memref<40x128xf32, #tpu.memory_space<vmem>>) offsets(%dma_start3A_130 : memref<40xi32, #tpu.memory_space<vmem>>) semaphore(%arg15 : memref<!tpu.dma_semaphore, #tpu.memory_space<semaphore_mem>>)
        %mul3A_134 = arith.constant 40 : i32
        %mul3A_135 = arith.muli %add3A_127, %mul3A_134 : i32
        %dma_start3A_136 = tpu.memref_slice %arg8[%mul3A_135] : memref<5000xi32, #tpu.memory_space<vmem>> -> memref<40xi32, #tpu.memory_space<vmem>>
        %dma_start3A_137 = arith.constant 0 : i32
        %dma_start3A_138 = arith.constant 0 : i32
        %dma_start3A_139 = tpu.memref_slice %arg3[%dma_start3A_137, %dma_start3A_138] : memref<10000x128xf32, #tpu.memory_space<hbm>> -> memref<10000x128xf32, #tpu.memory_space<hbm>>
        tpu.enqueue_indirect_dma source(%dma_start3A_139 : memref<10000x128xf32, #tpu.memory_space<hbm>>) target(%arg11 : memref<40x128xf32, #tpu.memory_space<vmem>>) offsets(%dma_start3A_136 : memref<40xi32, #tpu.memory_space<vmem>>) semaphore(%arg17 : memref<!tpu.dma_semaphore, #tpu.memory_space<semaphore_mem>>)
      } else {
      }
      %mul3A_99 = arith.constant 40 : i32
      %mul3A_100 = arith.muli %add3A_56, %mul3A_99 : i32
      %dma_wait3A_101 = tpu.memref_slice %arg7[%mul3A_100] : memref<5000xi32, #tpu.memory_space<vmem>> -> memref<40xi32, #tpu.memory_space<vmem>>
      %dma_wait3A_102 = arith.constant 0 : i32
      %dma_wait3A_103 = arith.constant 0 : i32
      %dma_wait3A_104 = tpu.memref_slice %arg2[%dma_wait3A_102, %dma_wait3A_103] : memref<10000x128xf32, #tpu.memory_space<hbm>> -> memref<10000x128xf32, #tpu.memory_space<hbm>>
      tpu.wait_indirect_dma semaphore(%arg16 : memref<!tpu.dma_semaphore, #tpu.memory_space<semaphore_mem>>) src(%dma_wait3A_104 : memref<10000x128xf32, #tpu.memory_space<hbm>>) dst(%arg10 : memref<40x128xf32, #tpu.memory_space<vmem>>)
      %mul3A_105 = arith.constant 40 : i32
      %mul3A_106 = arith.muli %add3A_56, %mul3A_105 : i32
      %dma_wait3A_107 = tpu.memref_slice %arg8[%mul3A_106] : memref<5000xi32, #tpu.memory_space<vmem>> -> memref<40xi32, #tpu.memory_space<vmem>>
      %dma_wait3A_108 = arith.constant 0 : i32
      %dma_wait3A_109 = arith.constant 0 : i32
      %dma_wait3A_110 = tpu.memref_slice %arg3[%dma_wait3A_108, %dma_wait3A_109] : memref<10000x128xf32, #tpu.memory_space<hbm>> -> memref<10000x128xf32, #tpu.memory_space<hbm>>
      tpu.wait_indirect_dma semaphore(%arg18 : memref<!tpu.dma_semaphore, #tpu.memory_space<semaphore_mem>>) src(%dma_wait3A_110 : memref<10000x128xf32, #tpu.memory_space<hbm>>) dst(%arg12 : memref<40x128xf32, #tpu.memory_space<vmem>>)
      %gt3A_111 = arith.constant 0 : i32
      %gt3A_112 = arith.cmpi sgt, %scan3A_52, %gt3A_111 : i32
      %convert_element_type3A_113 = arith.extui %gt3A_112 : i1 to i32
      %cond3A_114 = arith.constant 0 : i32
      %cond3A_115 = arith.cmpi ne, %convert_element_type3A_113, %cond3A_114 : i32
      scf.if %cond3A_115 {
        %sub3A = arith.constant 2 : i32
        %sub3A_126 = arith.subi %add3A_56, %sub3A : i32
        %mul3A_127 = arith.constant 40 : i32
        %mul3A_128 = arith.muli %sub3A_126, %mul3A_127 : i32
        %add3A_129 = arith.addi %mul3A_2, %mul3A_128 : i32
        %dma_wait3A_130 = arith.constant 0 : i32
        %dma_wait3A_131 = tpu.memref_slice %arg6[%add3A_129, %dma_wait3A_130] : memref<160000x128xf32, #tpu.memory_space<hbm>> -> memref<40x128xf32, #tpu.memory_space<hbm>>
        %dma_wait3A_132 = arith.constant 0 : i32
        %dma_wait3A_133 = tpu.memref_slice %arg6[%add3A_129, %dma_wait3A_132] : memref<160000x128xf32, #tpu.memory_space<hbm>> -> memref<40x128xf32, #tpu.memory_space<hbm>>
        tpu.wait_dma2 semaphore(%arg20 : memref<!tpu.dma_semaphore, #tpu.memory_space<semaphore_mem>>) src(%arg14 : memref<40x128xf32, #tpu.memory_space<vmem>>) dst(%dma_wait3A_133 : memref<40x128xf32, #tpu.memory_space<hbm>>)
      } else {
      }
      %parallel_loop3A_116 = arith.constant 0 : i32
      %parallel_loop3A_117 = arith.constant 40 : i32
      %parallel_loop3A_118 = arith.constant 1 : i32
      scf.for %parallel_loop3A_126 = %parallel_loop3A_116 to %parallel_loop3A_117 step %parallel_loop3A_118  : i32 {
        %parallel_loop3A_127 = arith.index_cast %parallel_loop3A_126 : i32 to index
        %parallel_loop3A_128 = arith.constant 0 : index
        %parallel_loop3A_129 = tpu.vector_load %arg10[%parallel_loop3A_127, %parallel_loop3A_128] {strides = array<i32>} : memref<40x128xf32, #tpu.memory_space<vmem>>, vector<1x16xf32>,
        %parallel_loop3A_130 = vector.shape_cast %parallel_loop3A_129 : vector<1x16xf32> to vector<16xf32>
        %parallel_loop3A_131 = arith.index_cast %parallel_loop3A_126 : i32 to index
        %parallel_loop3A_132 = arith.constant 0 : index
        %parallel_loop3A_133 = tpu.vector_load %arg12[%parallel_loop3A_131, %parallel_loop3A_132] {strides = array<i32>} : memref<40x128xf32, #tpu.memory_space<vmem>>, vector<1x16xf32>,
        %parallel_loop3A_134 = vector.shape_cast %parallel_loop3A_133 : vector<1x16xf32> to vector<16xf32>
        %parallel_loop3A_135 = arith.addf %parallel_loop3A_130, %parallel_loop3A_134 : vector<16xf32>
        %parallel_loop3A_136 = arith.index_cast %parallel_loop3A_126 : i32 to index
        %parallel_loop3A_137 = arith.constant 0 : index
        %parallel_loop3A_138 = tpu.vector_load %arg14[%parallel_loop3A_136, %parallel_loop3A_137] {strides = array<i32>} : memref<40x128xf32, #tpu.memory_space<vmem>>, vector<1x16xf32>,
        %parallel_loop3A_139 = vector.shape_cast %parallel_loop3A_138 : vector<1x16xf32> to vector<16xf32>
        %parallel_loop3A_140 = vector.shape_cast %parallel_loop3A_135 : vector<16xf32> to vector<1x16xf32>
        tpu.vector_store %arg14[%parallel_loop3A_136, %parallel_loop3A_137], %parallel_loop3A_140 {strides = array<i32>} : memref<40x128xf32, #tpu.memory_space<vmem>>, vector<1x16xf32>,
        %parallel_loop3A_141 = arith.index_cast %parallel_loop3A_126 : i32 to index
        %parallel_loop3A_142 = arith.constant 16 : index
        %parallel_loop3A_143 = tpu.vector_load %arg10[%parallel_loop3A_141, %parallel_loop3A_142] {strides = array<i32>} : memref<40x128xf32, #tpu.memory_space<vmem>>, vector<1x16xf32>,
        %parallel_loop3A_144 = vector.shape_cast %parallel_loop3A_143 : vector<1x16xf32> to vector<16xf32>
        %parallel_loop3A_145 = arith.index_cast %parallel_loop3A_126 : i32 to index
        %parallel_loop3A_146 = arith.constant 16 : index
        %parallel_loop3A_147 = tpu.vector_load %arg12[%parallel_loop3A_145, %parallel_loop3A_146] {strides = array<i32>} : memref<40x128xf32, #tpu.memory_space<vmem>>, vector<1x16xf32>,
        %parallel_loop3A_148 = vector.shape_cast %parallel_loop3A_147 : vector<1x16xf32> to vector<16xf32>
        %parallel_loop3A_149 = arith.addf %parallel_loop3A_144, %parallel_loop3A_148 : vector<16xf32>
        %parallel_loop3A_150 = arith.index_cast %parallel_loop3A_126 : i32 to index
        %parallel_loop3A_151 = arith.constant 16 : index
        %parallel_loop3A_152 = tpu.vector_load %arg14[%parallel_loop3A_150, %parallel_loop3A_151] {strides = array<i32>} : memref<40x128xf32, #tpu.memory_space<vmem>>, vector<1x16xf32>,
        %parallel_loop3A_153 = vector.shape_cast %parallel_loop3A_152 : vector<1x16xf32> to vector<16xf32>
        %parallel_loop3A_154 = vector.shape_cast %parallel_loop3A_149 : vector<16xf32> to vector<1x16xf32>
        tpu.vector_store %arg14[%parallel_loop3A_150, %parallel_loop3A_151], %parallel_loop3A_154 {strides = array<i32>} : memref<40x128xf32, #tpu.memory_space<vmem>>, vector<1x16xf32>,
        %parallel_loop3A_155 = arith.index_cast %parallel_loop3A_126 : i32 to index
        %parallel_loop3A_156 = arith.constant 32 : index
        %parallel_loop3A_157 = tpu.vector_load %arg10[%parallel_loop3A_155, %parallel_loop3A_156] {strides = array<i32>} : memref<40x128xf32, #tpu.memory_space<vmem>>, vector<1x16xf32>,
        %parallel_loop3A_158 = vector.shape_cast %parallel_loop3A_157 : vector<1x16xf32> to vector<16xf32>
        %parallel_loop3A_159 = arith.index_cast %parallel_loop3A_126 : i32 to index
        %parallel_loop3A_160 = arith.constant 32 : index
        %parallel_loop3A_161 = tpu.vector_load %arg12[%parallel_loop3A_159, %parallel_loop3A_160] {strides = array<i32>} : memref<40x128xf32, #tpu.memory_space<vmem>>, vector<1x16xf32>,
        %parallel_loop3A_162 = vector.shape_cast %parallel_loop3A_161 : vector<1x16xf32> to vector<16xf32>
        %parallel_loop3A_163 = arith.addf %parallel_loop3A_158, %parallel_loop3A_162 : vector<16xf32>
        %parallel_loop3A_164 = arith.index_cast %parallel_loop3A_126 : i32 to index
        %parallel_loop3A_165 = arith.constant 32 : index
        %parallel_loop3A_166 = tpu.vector_load %arg14[%parallel_loop3A_164, %parallel_loop3A_165] {strides = array<i32>} : memref<40x128xf32, #tpu.memory_space<vmem>>, vector<1x16xf32>,
        %parallel_loop3A_167 = vector.shape_cast %parallel_loop3A_166 : vector<1x16xf32> to vector<16xf32>
        %parallel_loop3A_168 = vector.shape_cast %parallel_loop3A_163 : vector<16xf32> to vector<1x16xf32>
        tpu.vector_store %arg14[%parallel_loop3A_164, %parallel_loop3A_165], %parallel_loop3A_168 {strides = array<i32>} : memref<40x128xf32, #tpu.memory_space<vmem>>, vector<1x16xf32>,
        %parallel_loop3A_169 = arith.index_cast %parallel_loop3A_126 : i32 to index
        %parallel_loop3A_170 = arith.constant 48 : index
        %parallel_loop3A_171 = tpu.vector_load %arg10[%parallel_loop3A_169, %parallel_loop3A_170] {strides = array<i32>} : memref<40x128xf32, #tpu.memory_space<vmem>>, vector<1x16xf32>,
        %parallel_loop3A_172 = vector.shape_cast %parallel_loop3A_171 : vector<1x16xf32> to vector<16xf32>
        %parallel_loop3A_173 = arith.index_cast %parallel_loop3A_126 : i32 to index
        %parallel_loop3A_174 = arith.constant 48 : index
        %parallel_loop3A_175 = tpu.vector_load %arg12[%parallel_loop3A_173, %parallel_loop3A_174] {strides = array<i32>} : memref<40x128xf32, #tpu.memory_space<vmem>>, vector<1x16xf32>,
        %parallel_loop3A_176 = vector.shape_cast %parallel_loop3A_175 : vector<1x16xf32> to vector<16xf32>
        %parallel_loop3A_177 = arith.addf %parallel_loop3A_172, %parallel_loop3A_176 : vector<16xf32>
        %parallel_loop3A_178 = arith.index_cast %parallel_loop3A_126 : i32 to index
        %parallel_loop3A_179 = arith.constant 48 : index
        %parallel_loop3A_180 = tpu.vector_load %arg14[%parallel_loop3A_178, %parallel_loop3A_179] {strides = array<i32>} : memref<40x128xf32, #tpu.memory_space<vmem>>, vector<1x16xf32>,
        %parallel_loop3A_181 = vector.shape_cast %parallel_loop3A_180 : vector<1x16xf32> to vector<16xf32>
        %parallel_loop3A_182 = vector.shape_cast %parallel_loop3A_177 : vector<16xf32> to vector<1x16xf32>
        tpu.vector_store %arg14[%parallel_loop3A_178, %parallel_loop3A_179], %parallel_loop3A_182 {strides = array<i32>} : memref<40x128xf32, #tpu.memory_space<vmem>>, vector<1x16xf32>,
        %parallel_loop3A_183 = arith.index_cast %parallel_loop3A_126 : i32 to index
        %parallel_loop3A_184 = arith.constant 64 : index
        %parallel_loop3A_185 = tpu.vector_load %arg10[%parallel_loop3A_183, %parallel_loop3A_184] {strides = array<i32>} : memref<40x128xf32, #tpu.memory_space<vmem>>, vector<1x16xf32>,
        %parallel_loop3A_186 = vector.shape_cast %parallel_loop3A_185 : vector<1x16xf32> to vector<16xf32>
        %parallel_loop3A_187 = arith.index_cast %parallel_loop3A_126 : i32 to index
        %parallel_loop3A_188 = arith.constant 64 : index
        %parallel_loop3A_189 = tpu.vector_load %arg12[%parallel_loop3A_187, %parallel_loop3A_188] {strides = array<i32>} : memref<40x128xf32, #tpu.memory_space<vmem>>, vector<1x16xf32>,
        %parallel_loop3A_190 = vector.shape_cast %parallel_loop3A_189 : vector<1x16xf32> to vector<16xf32>
        %parallel_loop3A_191 = arith.addf %parallel_loop3A_186, %parallel_loop3A_190 : vector<16xf32>
        %parallel_loop3A_192 = arith.index_cast %parallel_loop3A_126 : i32 to index
        %parallel_loop3A_193 = arith.constant 64 : index
        %parallel_loop3A_194 = tpu.vector_load %arg14[%parallel_loop3A_192, %parallel_loop3A_193] {strides = array<i32>} : memref<40x128xf32, #tpu.memory_space<vmem>>, vector<1x16xf32>,
        %parallel_loop3A_195 = vector.shape_cast %parallel_loop3A_194 : vector<1x16xf32> to vector<16xf32>
        %parallel_loop3A_196 = vector.shape_cast %parallel_loop3A_191 : vector<16xf32> to vector<1x16xf32>
        tpu.vector_store %arg14[%parallel_loop3A_192, %parallel_loop3A_193], %parallel_loop3A_196 {strides = array<i32>} : memref<40x128xf32, #tpu.memory_space<vmem>>, vector<1x16xf32>,
        %parallel_loop3A_197 = arith.index_cast %parallel_loop3A_126 : i32 to index
        %parallel_loop3A_198 = arith.constant 80 : index
        %parallel_loop3A_199 = tpu.vector_load %arg10[%parallel_loop3A_197, %parallel_loop3A_198] {strides = array<i32>} : memref<40x128xf32, #tpu.memory_space<vmem>>, vector<1x16xf32>,
        %parallel_loop3A_200 = vector.shape_cast %parallel_loop3A_199 : vector<1x16xf32> to vector<16xf32>
        %parallel_loop3A_201 = arith.index_cast %parallel_loop3A_126 : i32 to index
        %parallel_loop3A_202 = arith.constant 80 : index
        %parallel_loop3A_203 = tpu.vector_load %arg12[%parallel_loop3A_201, %parallel_loop3A_202] {strides = array<i32>} : memref<40x128xf32, #tpu.memory_space<vmem>>, vector<1x16xf32>,
        %parallel_loop3A_204 = vector.shape_cast %parallel_loop3A_203 : vector<1x16xf32> to vector<16xf32>
        %parallel_loop3A_205 = arith.addf %parallel_loop3A_200, %parallel_loop3A_204 : vector<16xf32>
        %parallel_loop3A_206 = arith.index_cast %parallel_loop3A_126 : i32 to index
        %parallel_loop3A_207 = arith.constant 80 : index
        %parallel_loop3A_208 = tpu.vector_load %arg14[%parallel_loop3A_206, %parallel_loop3A_207] {strides = array<i32>} : memref<40x128xf32, #tpu.memory_space<vmem>>, vector<1x16xf32>,
        %parallel_loop3A_209 = vector.shape_cast %parallel_loop3A_208 : vector<1x16xf32> to vector<16xf32>
        %parallel_loop3A_210 = vector.shape_cast %parallel_loop3A_205 : vector<16xf32> to vector<1x16xf32>
        tpu.vector_store %arg14[%parallel_loop3A_206, %parallel_loop3A_207], %parallel_loop3A_210 {strides = array<i32>} : memref<40x128xf32, #tpu.memory_space<vmem>>, vector<1x16xf32>,
        %parallel_loop3A_211 = arith.index_cast %parallel_loop3A_126 : i32 to index
        %parallel_loop3A_212 = arith.constant 96 : index
        %parallel_loop3A_213 = tpu.vector_load %arg10[%parallel_loop3A_211, %parallel_loop3A_212] {strides = array<i32>} : memref<40x128xf32, #tpu.memory_space<vmem>>, vector<1x16xf32>,
        %parallel_loop3A_214 = vector.shape_cast %parallel_loop3A_213 : vector<1x16xf32> to vector<16xf32>
        %parallel_loop3A_215 = arith.index_cast %parallel_loop3A_126 : i32 to index
        %parallel_loop3A_216 = arith.constant 96 : index
        %parallel_loop3A_217 = tpu.vector_load %arg12[%parallel_loop3A_215, %parallel_loop3A_216] {strides = array<i32>} : memref<40x128xf32, #tpu.memory_space<vmem>>, vector<1x16xf32>,
        %parallel_loop3A_218 = vector.shape_cast %parallel_loop3A_217 : vector<1x16xf32> to vector<16xf32>
        %parallel_loop3A_219 = arith.addf %parallel_loop3A_214, %parallel_loop3A_218 : vector<16xf32>
        %parallel_loop3A_220 = arith.index_cast %parallel_loop3A_126 : i32 to index
        %parallel_loop3A_221 = arith.constant 96 : index
        %parallel_loop3A_222 = tpu.vector_load %arg14[%parallel_loop3A_220, %parallel_loop3A_221] {strides = array<i32>} : memref<40x128xf32, #tpu.memory_space<vmem>>, vector<1x16xf32>,
        %parallel_loop3A_223 = vector.shape_cast %parallel_loop3A_222 : vector<1x16xf32> to vector<16xf32>
        %parallel_loop3A_224 = vector.shape_cast %parallel_loop3A_219 : vector<16xf32> to vector<1x16xf32>
        tpu.vector_store %arg14[%parallel_loop3A_220, %parallel_loop3A_221], %parallel_loop3A_224 {strides = array<i32>} : memref<40x128xf32, #tpu.memory_space<vmem>>, vector<1x16xf32>,
        %parallel_loop3A_225 = arith.index_cast %parallel_loop3A_126 : i32 to index
        %parallel_loop3A_226 = arith.constant 112 : index
        %parallel_loop3A_227 = tpu.vector_load %arg10[%parallel_loop3A_225, %parallel_loop3A_226] {strides = array<i32>} : memref<40x128xf32, #tpu.memory_space<vmem>>, vector<1x16xf32>,
        %parallel_loop3A_228 = vector.shape_cast %parallel_loop3A_227 : vector<1x16xf32> to vector<16xf32>
        %parallel_loop3A_229 = arith.index_cast %parallel_loop3A_126 : i32 to index
        %parallel_loop3A_230 = arith.constant 112 : index
        %parallel_loop3A_231 = tpu.vector_load %arg12[%parallel_loop3A_229, %parallel_loop3A_230] {strides = array<i32>} : memref<40x128xf32, #tpu.memory_space<vmem>>, vector<1x16xf32>,
        %parallel_loop3A_232 = vector.shape_cast %parallel_loop3A_231 : vector<1x16xf32> to vector<16xf32>
        %parallel_loop3A_233 = arith.addf %parallel_loop3A_228, %parallel_loop3A_232 : vector<16xf32>
        %parallel_loop3A_234 = arith.index_cast %parallel_loop3A_126 : i32 to index
        %parallel_loop3A_235 = arith.constant 112 : index
        %parallel_loop3A_236 = tpu.vector_load %arg14[%parallel_loop3A_234, %parallel_loop3A_235] {strides = array<i32>} : memref<40x128xf32, #tpu.memory_space<vmem>>, vector<1x16xf32>,
        %parallel_loop3A_237 = vector.shape_cast %parallel_loop3A_236 : vector<1x16xf32> to vector<16xf32>
        %parallel_loop3A_238 = vector.shape_cast %parallel_loop3A_233 : vector<16xf32> to vector<1x16xf32>
        tpu.vector_store %arg14[%parallel_loop3A_234, %parallel_loop3A_235], %parallel_loop3A_238 {strides = array<i32>} : memref<40x128xf32, #tpu.memory_space<vmem>>, vector<1x16xf32>,
      } {sc.loop_unroll_factor = 4 : i64, sc.parallel_access}
      %mul3A_119 = arith.constant 40 : i32
      %mul3A_120 = arith.muli %add3A_56, %mul3A_119 : i32
      %add3A_121 = arith.addi %mul3A_2, %mul3A_120 : i32
      %dma_start3A_122 = arith.constant 0 : i32
      %dma_start3A_123 = tpu.memref_slice %arg6[%add3A_121, %dma_start3A_122] : memref<160000x128xf32, #tpu.memory_space<hbm>> -> memref<40x128xf32, #tpu.memory_space<hbm>>
      %dma_start3A_124 = arith.constant 0 : i32
      %dma_start3A_125 = tpu.memref_slice %arg6[%add3A_121, %dma_start3A_124] : memref<160000x128xf32, #tpu.memory_space<hbm>> -> memref<40x128xf32, #tpu.memory_space<hbm>>
      tpu.enqueue_dma source(%arg14 : memref<40x128xf32, #tpu.memory_space<vmem>>) target(%dma_start3A_125 : memref<40x128xf32, #tpu.memory_space<hbm>>) target_semaphore(%arg20 : memref<!tpu.dma_semaphore, #tpu.memory_space<semaphore_mem>>)
    }
    %scan3A_16 = arith.constant 62 : i32
    %dma_wait3A = arith.constant 4960 : i32
    %dma_wait3A_17 = tpu.memref_slice %arg7[%dma_wait3A] : memref<5000xi32, #tpu.memory_space<vmem>> -> memref<40xi32, #tpu.memory_space<vmem>>
    %dma_wait3A_18 = arith.constant 0 : i32
    %dma_wait3A_19 = arith.constant 0 : i32
    %dma_wait3A_20 = tpu.memref_slice %arg2[%dma_wait3A_18, %dma_wait3A_19] : memref<10000x128xf32, #tpu.memory_space<hbm>> -> memref<10000x128xf32, #tpu.memory_space<hbm>>
    tpu.wait_indirect_dma semaphore(%arg15 : memref<!tpu.dma_semaphore, #tpu.memory_space<semaphore_mem>>) src(%dma_wait3A_20 : memref<10000x128xf32, #tpu.memory_space<hbm>>) dst(%arg9 : memref<40x128xf32, #tpu.memory_space<vmem>>)
    %dma_wait3A_21 = arith.constant 4960 : i32
    %dma_wait3A_22 = tpu.memref_slice %arg8[%dma_wait3A_21] : memref<5000xi32, #tpu.memory_space<vmem>> -> memref<40xi32, #tpu.memory_space<vmem>>
    %dma_wait3A_23 = arith.constant 0 : i32
    %dma_wait3A_24 = arith.constant 0 : i32
    %dma_wait3A_25 = tpu.memref_slice %arg3[%dma_wait3A_23, %dma_wait3A_24] : memref<10000x128xf32, #tpu.memory_space<hbm>> -> memref<10000x128xf32, #tpu.memory_space<hbm>>
    tpu.wait_indirect_dma semaphore(%arg17 : memref<!tpu.dma_semaphore, #tpu.memory_space<semaphore_mem>>) src(%dma_wait3A_25 : memref<10000x128xf32, #tpu.memory_space<hbm>>) dst(%arg11 : memref<40x128xf32, #tpu.memory_space<vmem>>)
    %add3A_26 = arith.constant 4880 : i32
    %add3A_27 = arith.addi %mul3A_2, %add3A_26 : i32
    %dma_wait3A_28 = arith.constant 0 : i32
    %dma_wait3A_29 = tpu.memref_slice %arg6[%add3A_27, %dma_wait3A_28] : memref<160000x128xf32, #tpu.memory_space<hbm>> -> memref<40x128xf32, #tpu.memory_space<hbm>>
    %dma_wait3A_30 = arith.constant 0 : i32
    %dma_wait3A_31 = tpu.memref_slice %arg6[%add3A_27, %dma_wait3A_30] : memref<160000x128xf32, #tpu.memory_space<hbm>> -> memref<40x128xf32, #tpu.memory_space<hbm>>
    tpu.wait_dma2 semaphore(%arg19 : memref<!tpu.dma_semaphore, #tpu.memory_space<semaphore_mem>>) src(%arg13 : memref<40x128xf32, #tpu.memory_space<vmem>>) dst(%dma_wait3A_31 : memref<40x128xf32, #tpu.memory_space<hbm>>)
    %parallel_loop3A = arith.constant 0 : i32
    %parallel_loop3A_32 = arith.constant 40 : i32
    %parallel_loop3A_33 = arith.constant 1 : i32
    scf.for %parallel_loop3A_52 = %parallel_loop3A to %parallel_loop3A_32 step %parallel_loop3A_33  : i32 {
      %parallel_loop3A_53 = arith.index_cast %parallel_loop3A_52 : i32 to index
      %parallel_loop3A_54 = arith.constant 0 : index
      %parallel_loop3A_55 = tpu.vector_load %arg9[%parallel_loop3A_53, %parallel_loop3A_54] {strides = array<i32>} : memref<40x128xf32, #tpu.memory_space<vmem>>, vector<1x16xf32>,
      %parallel_loop3A_56 = vector.shape_cast %parallel_loop3A_55 : vector<1x16xf32> to vector<16xf32>
      %parallel_loop3A_57 = arith.index_cast %parallel_loop3A_52 : i32 to index
      %parallel_loop3A_58 = arith.constant 0 : index
      %parallel_loop3A_59 = tpu.vector_load %arg11[%parallel_loop3A_57, %parallel_loop3A_58] {strides = array<i32>} : memref<40x128xf32, #tpu.memory_space<vmem>>, vector<1x16xf32>,
      %parallel_loop3A_60 = vector.shape_cast %parallel_loop3A_59 : vector<1x16xf32> to vector<16xf32>
      %parallel_loop3A_61 = arith.addf %parallel_loop3A_56, %parallel_loop3A_60 : vector<16xf32>
      %parallel_loop3A_62 = arith.index_cast %parallel_loop3A_52 : i32 to index
      %parallel_loop3A_63 = arith.constant 0 : index
      %parallel_loop3A_64 = tpu.vector_load %arg13[%parallel_loop3A_62, %parallel_loop3A_63] {strides = array<i32>} : memref<40x128xf32, #tpu.memory_space<vmem>>, vector<1x16xf32>,
      %parallel_loop3A_65 = vector.shape_cast %parallel_loop3A_64 : vector<1x16xf32> to vector<16xf32>
      %parallel_loop3A_66 = vector.shape_cast %parallel_loop3A_61 : vector<16xf32> to vector<1x16xf32>
      tpu.vector_store %arg13[%parallel_loop3A_62, %parallel_loop3A_63], %parallel_loop3A_66 {strides = array<i32>} : memref<40x128xf32, #tpu.memory_space<vmem>>, vector<1x16xf32>,
      %parallel_loop3A_67 = arith.index_cast %parallel_loop3A_52 : i32 to index
      %parallel_loop3A_68 = arith.constant 16 : index
      %parallel_loop3A_69 = tpu.vector_load %arg9[%parallel_loop3A_67, %parallel_loop3A_68] {strides = array<i32>} : memref<40x128xf32, #tpu.memory_space<vmem>>, vector<1x16xf32>,
      %parallel_loop3A_70 = vector.shape_cast %parallel_loop3A_69 : vector<1x16xf32> to vector<16xf32>
      %parallel_loop3A_71 = arith.index_cast %parallel_loop3A_52 : i32 to index
      %parallel_loop3A_72 = arith.constant 16 : index
      %parallel_loop3A_73 = tpu.vector_load %arg11[%parallel_loop3A_71, %parallel_loop3A_72] {strides = array<i32>} : memref<40x128xf32, #tpu.memory_space<vmem>>, vector<1x16xf32>,
      %parallel_loop3A_74 = vector.shape_cast %parallel_loop3A_73 : vector<1x16xf32> to vector<16xf32>
      %parallel_loop3A_75 = arith.addf %parallel_loop3A_70, %parallel_loop3A_74 : vector<16xf32>
      %parallel_loop3A_76 = arith.index_cast %parallel_loop3A_52 : i32 to index
      %parallel_loop3A_77 = arith.constant 16 : index
      %parallel_loop3A_78 = tpu.vector_load %arg13[%parallel_loop3A_76, %parallel_loop3A_77] {strides = array<i32>} : memref<40x128xf32, #tpu.memory_space<vmem>>, vector<1x16xf32>,
      %parallel_loop3A_79 = vector.shape_cast %parallel_loop3A_78 : vector<1x16xf32> to vector<16xf32>
      %parallel_loop3A_80 = vector.shape_cast %parallel_loop3A_75 : vector<16xf32> to vector<1x16xf32>
      tpu.vector_store %arg13[%parallel_loop3A_76, %parallel_loop3A_77], %parallel_loop3A_80 {strides = array<i32>} : memref<40x128xf32, #tpu.memory_space<vmem>>, vector<1x16xf32>,
      %parallel_loop3A_81 = arith.index_cast %parallel_loop3A_52 : i32 to index
      %parallel_loop3A_82 = arith.constant 32 : index
      %parallel_loop3A_83 = tpu.vector_load %arg9[%parallel_loop3A_81, %parallel_loop3A_82] {strides = array<i32>} : memref<40x128xf32, #tpu.memory_space<vmem>>, vector<1x16xf32>,
      %parallel_loop3A_84 = vector.shape_cast %parallel_loop3A_83 : vector<1x16xf32> to vector<16xf32>
      %parallel_loop3A_85 = arith.index_cast %parallel_loop3A_52 : i32 to index
      %parallel_loop3A_86 = arith.constant 32 : index
      %parallel_loop3A_87 = tpu.vector_load %arg11[%parallel_loop3A_85, %parallel_loop3A_86] {strides = array<i32>} : memref<40x128xf32, #tpu.memory_space<vmem>>, vector<1x16xf32>,
      %parallel_loop3A_88 = vector.shape_cast %parallel_loop3A_87 : vector<1x16xf32> to vector<16xf32>
      %parallel_loop3A_89 = arith.addf %parallel_loop3A_84, %parallel_loop3A_88 : vector<16xf32>
      %parallel_loop3A_90 = arith.index_cast %parallel_loop3A_52 : i32 to index
      %parallel_loop3A_91 = arith.constant 32 : index
      %parallel_loop3A_92 = tpu.vector_load %arg13[%parallel_loop3A_90, %parallel_loop3A_91] {strides = array<i32>} : memref<40x128xf32, #tpu.memory_space<vmem>>, vector<1x16xf32>,
      %parallel_loop3A_93 = vector.shape_cast %parallel_loop3A_92 : vector<1x16xf32> to vector<16xf32>
      %parallel_loop3A_94 = vector.shape_cast %parallel_loop3A_89 : vector<16xf32> to vector<1x16xf32>
      tpu.vector_store %arg13[%parallel_loop3A_90, %parallel_loop3A_91], %parallel_loop3A_94 {strides = array<i32>} : memref<40x128xf32, #tpu.memory_space<vmem>>, vector<1x16xf32>,
      %parallel_loop3A_95 = arith.index_cast %parallel_loop3A_52 : i32 to index
      %parallel_loop3A_96 = arith.constant 48 : index
      %parallel_loop3A_97 = tpu.vector_load %arg9[%parallel_loop3A_95, %parallel_loop3A_96] {strides = array<i32>} : memref<40x128xf32, #tpu.memory_space<vmem>>, vector<1x16xf32>,
      %parallel_loop3A_98 = vector.shape_cast %parallel_loop3A_97 : vector<1x16xf32> to vector<16xf32>
      %parallel_loop3A_99 = arith.index_cast %parallel_loop3A_52 : i32 to index
      %parallel_loop3A_100 = arith.constant 48 : index
      %parallel_loop3A_101 = tpu.vector_load %arg11[%parallel_loop3A_99, %parallel_loop3A_100] {strides = array<i32>} : memref<40x128xf32, #tpu.memory_space<vmem>>, vector<1x16xf32>,
      %parallel_loop3A_102 = vector.shape_cast %parallel_loop3A_101 : vector<1x16xf32> to vector<16xf32>
      %parallel_loop3A_103 = arith.addf %parallel_loop3A_98, %parallel_loop3A_102 : vector<16xf32>
      %parallel_loop3A_104 = arith.index_cast %parallel_loop3A_52 : i32 to index
      %parallel_loop3A_105 = arith.constant 48 : index
      %parallel_loop3A_106 = tpu.vector_load %arg13[%parallel_loop3A_104, %parallel_loop3A_105] {strides = array<i32>} : memref<40x128xf32, #tpu.memory_space<vmem>>, vector<1x16xf32>,
      %parallel_loop3A_107 = vector.shape_cast %parallel_loop3A_106 : vector<1x16xf32> to vector<16xf32>
      %parallel_loop3A_108 = vector.shape_cast %parallel_loop3A_103 : vector<16xf32> to vector<1x16xf32>
      tpu.vector_store %arg13[%parallel_loop3A_104, %parallel_loop3A_105], %parallel_loop3A_108 {strides = array<i32>} : memref<40x128xf32, #tpu.memory_space<vmem>>, vector<1x16xf32>,
      %parallel_loop3A_109 = arith.index_cast %parallel_loop3A_52 : i32 to index
      %parallel_loop3A_110 = arith.constant 64 : index
      %parallel_loop3A_111 = tpu.vector_load %arg9[%parallel_loop3A_109, %parallel_loop3A_110] {strides = array<i32>} : memref<40x128xf32, #tpu.memory_space<vmem>>, vector<1x16xf32>,
      %parallel_loop3A_112 = vector.shape_cast %parallel_loop3A_111 : vector<1x16xf32> to vector<16xf32>
      %parallel_loop3A_113 = arith.index_cast %parallel_loop3A_52 : i32 to index
      %parallel_loop3A_114 = arith.constant 64 : index
      %parallel_loop3A_115 = tpu.vector_load %arg11[%parallel_loop3A_113, %parallel_loop3A_114] {strides = array<i32>} : memref<40x128xf32, #tpu.memory_space<vmem>>, vector<1x16xf32>,
      %parallel_loop3A_116 = vector.shape_cast %parallel_loop3A_115 : vector<1x16xf32> to vector<16xf32>
      %parallel_loop3A_117 = arith.addf %parallel_loop3A_112, %parallel_loop3A_116 : vector<16xf32>
      %parallel_loop3A_118 = arith.index_cast %parallel_loop3A_52 : i32 to index
      %parallel_loop3A_119 = arith.constant 64 : index
      %parallel_loop3A_120 = tpu.vector_load %arg13[%parallel_loop3A_118, %parallel_loop3A_119] {strides = array<i32>} : memref<40x128xf32, #tpu.memory_space<vmem>>, vector<1x16xf32>,
      %parallel_loop3A_121 = vector.shape_cast %parallel_loop3A_120 : vector<1x16xf32> to vector<16xf32>
      %parallel_loop3A_122 = vector.shape_cast %parallel_loop3A_117 : vector<16xf32> to vector<1x16xf32>
      tpu.vector_store %arg13[%parallel_loop3A_118, %parallel_loop3A_119], %parallel_loop3A_122 {strides = array<i32>} : memref<40x128xf32, #tpu.memory_space<vmem>>, vector<1x16xf32>,
      %parallel_loop3A_123 = arith.index_cast %parallel_loop3A_52 : i32 to index
      %parallel_loop3A_124 = arith.constant 80 : index
      %parallel_loop3A_125 = tpu.vector_load %arg9[%parallel_loop3A_123, %parallel_loop3A_124] {strides = array<i32>} : memref<40x128xf32, #tpu.memory_space<vmem>>, vector<1x16xf32>,
      %parallel_loop3A_126 = vector.shape_cast %parallel_loop3A_125 : vector<1x16xf32> to vector<16xf32>
      %parallel_loop3A_127 = arith.index_cast %parallel_loop3A_52 : i32 to index
      %parallel_loop3A_128 = arith.constant 80 : index
      %parallel_loop3A_129 = tpu.vector_load %arg11[%parallel_loop3A_127, %parallel_loop3A_128] {strides = array<i32>} : memref<40x128xf32, #tpu.memory_space<vmem>>, vector<1x16xf32>,
      %parallel_loop3A_130 = vector.shape_cast %parallel_loop3A_129 : vector<1x16xf32> to vector<16xf32>
      %parallel_loop3A_131 = arith.addf %parallel_loop3A_126, %parallel_loop3A_130 : vector<16xf32>
      %parallel_loop3A_132 = arith.index_cast %parallel_loop3A_52 : i32 to index
      %parallel_loop3A_133 = arith.constant 80 : index
      %parallel_loop3A_134 = tpu.vector_load %arg13[%parallel_loop3A_132, %parallel_loop3A_133] {strides = array<i32>} : memref<40x128xf32, #tpu.memory_space<vmem>>, vector<1x16xf32>,
      %parallel_loop3A_135 = vector.shape_cast %parallel_loop3A_134 : vector<1x16xf32> to vector<16xf32>
      %parallel_loop3A_136 = vector.shape_cast %parallel_loop3A_131 : vector<16xf32> to vector<1x16xf32>
      tpu.vector_store %arg13[%parallel_loop3A_132, %parallel_loop3A_133], %parallel_loop3A_136 {strides = array<i32>} : memref<40x128xf32, #tpu.memory_space<vmem>>, vector<1x16xf32>,
      %parallel_loop3A_137 = arith.index_cast %parallel_loop3A_52 : i32 to index
      %parallel_loop3A_138 = arith.constant 96 : index
      %parallel_loop3A_139 = tpu.vector_load %arg9[%parallel_loop3A_137, %parallel_loop3A_138] {strides = array<i32>} : memref<40x128xf32, #tpu.memory_space<vmem>>, vector<1x16xf32>,
      %parallel_loop3A_140 = vector.shape_cast %parallel_loop3A_139 : vector<1x16xf32> to vector<16xf32>
      %parallel_loop3A_141 = arith.index_cast %parallel_loop3A_52 : i32 to index
      %parallel_loop3A_142 = arith.constant 96 : index
      %parallel_loop3A_143 = tpu.vector_load %arg11[%parallel_loop3A_141, %parallel_loop3A_142] {strides = array<i32>} : memref<40x128xf32, #tpu.memory_space<vmem>>, vector<1x16xf32>,
      %parallel_loop3A_144 = vector.shape_cast %parallel_loop3A_143 : vector<1x16xf32> to vector<16xf32>
      %parallel_loop3A_145 = arith.addf %parallel_loop3A_140, %parallel_loop3A_144 : vector<16xf32>
      %parallel_loop3A_146 = arith.index_cast %parallel_loop3A_52 : i32 to index
      %parallel_loop3A_147 = arith.constant 96 : index
      %parallel_loop3A_148 = tpu.vector_load %arg13[%parallel_loop3A_146, %parallel_loop3A_147] {strides = array<i32>} : memref<40x128xf32, #tpu.memory_space<vmem>>, vector<1x16xf32>,
      %parallel_loop3A_149 = vector.shape_cast %parallel_loop3A_148 : vector<1x16xf32> to vector<16xf32>
      %parallel_loop3A_150 = vector.shape_cast %parallel_loop3A_145 : vector<16xf32> to vector<1x16xf32>
      tpu.vector_store %arg13[%parallel_loop3A_146, %parallel_loop3A_147], %parallel_loop3A_150 {strides = array<i32>} : memref<40x128xf32, #tpu.memory_space<vmem>>, vector<1x16xf32>,
      %parallel_loop3A_151 = arith.index_cast %parallel_loop3A_52 : i32 to index
      %parallel_loop3A_152 = arith.constant 112 : index
      %parallel_loop3A_153 = tpu.vector_load %arg9[%parallel_loop3A_151, %parallel_loop3A_152] {strides = array<i32>} : memref<40x128xf32, #tpu.memory_space<vmem>>, vector<1x16xf32>,
      %parallel_loop3A_154 = vector.shape_cast %parallel_loop3A_153 : vector<1x16xf32> to vector<16xf32>
      %parallel_loop3A_155 = arith.index_cast %parallel_loop3A_52 : i32 to index
      %parallel_loop3A_156 = arith.constant 112 : index
      %parallel_loop3A_157 = tpu.vector_load %arg11[%parallel_loop3A_155, %parallel_loop3A_156] {strides = array<i32>} : memref<40x128xf32, #tpu.memory_space<vmem>>, vector<1x16xf32>,
      %parallel_loop3A_158 = vector.shape_cast %parallel_loop3A_157 : vector<1x16xf32> to vector<16xf32>
      %parallel_loop3A_159 = arith.addf %parallel_loop3A_154, %parallel_loop3A_158 : vector<16xf32>
      %parallel_loop3A_160 = arith.index_cast %parallel_loop3A_52 : i32 to index
      %parallel_loop3A_161 = arith.constant 112 : index
      %parallel_loop3A_162 = tpu.vector_load %arg13[%parallel_loop3A_160, %parallel_loop3A_161] {strides = array<i32>} : memref<40x128xf32, #tpu.memory_space<vmem>>, vector<1x16xf32>,
      %parallel_loop3A_163 = vector.shape_cast %parallel_loop3A_162 : vector<1x16xf32> to vector<16xf32>
      %parallel_loop3A_164 = vector.shape_cast %parallel_loop3A_159 : vector<16xf32> to vector<1x16xf32>
      tpu.vector_store %arg13[%parallel_loop3A_160, %parallel_loop3A_161], %parallel_loop3A_164 {strides = array<i32>} : memref<40x128xf32, #tpu.memory_space<vmem>>, vector<1x16xf32>,
    } {sc.loop_unroll_factor = 4 : i64, sc.parallel_access}
    %add3A_34 = arith.constant 4960 : i32
    %add3A_35 = arith.addi %mul3A_2, %add3A_34 : i32
    %dma_start3A_36 = arith.constant 0 : i32
    %dma_start3A_37 = tpu.memref_slice %arg6[%add3A_35, %dma_start3A_36] : memref<160000x128xf32, #tpu.memory_space<hbm>> -> memref<40x128xf32, #tpu.memory_space<hbm>>
    %dma_start3A_38 = arith.constant 0 : i32
    %dma_start3A_39 = tpu.memref_slice %arg6[%add3A_35, %dma_start3A_38] : memref<160000x128xf32, #tpu.memory_space<hbm>> -> memref<40x128xf32, #tpu.memory_space<hbm>>
    tpu.enqueue_dma source(%arg13 : memref<40x128xf32, #tpu.memory_space<vmem>>) target(%dma_start3A_39 : memref<40x128xf32, #tpu.memory_space<hbm>>) target_semaphore(%arg19 : memref<!tpu.dma_semaphore, #tpu.memory_space<semaphore_mem>>)
    %add3A_40 = arith.constant 4920 : i32
    %add3A_41 = arith.addi %mul3A_2, %add3A_40 : i32
    %dma_wait3A_42 = arith.constant 0 : i32
    %dma_wait3A_43 = tpu.memref_slice %arg6[%add3A_41, %dma_wait3A_42] : memref<160000x128xf32, #tpu.memory_space<hbm>> -> memref<40x128xf32, #tpu.memory_space<hbm>>
    %dma_wait3A_44 = arith.constant 0 : i32
    %dma_wait3A_45 = tpu.memref_slice %arg6[%add3A_41, %dma_wait3A_44] : memref<160000x128xf32, #tpu.memory_space<hbm>> -> memref<40x128xf32, #tpu.memory_space<hbm>>
    tpu.wait_dma2 semaphore(%arg20 : memref<!tpu.dma_semaphore, #tpu.memory_space<semaphore_mem>>) src(%arg14 : memref<40x128xf32, #tpu.memory_space<vmem>>) dst(%dma_wait3A_45 : memref<40x128xf32, #tpu.memory_space<hbm>>)
    %add3A_46 = arith.constant 4960 : i32
    %add3A_47 = arith.addi %mul3A_2, %add3A_46 : i32
    %dma_wait3A_48 = arith.constant 0 : i32
    %dma_wait3A_49 = tpu.memref_slice %arg6[%add3A_47, %dma_wait3A_48] : memref<160000x128xf32, #tpu.memory_space<hbm>> -> memref<40x128xf32, #tpu.memory_space<hbm>>
    %dma_wait3A_50 = arith.constant 0 : i32
    %dma_wait3A_51 = tpu.memref_slice %arg6[%add3A_47, %dma_wait3A_50] : memref<160000x128xf32, #tpu.memory_space<hbm>> -> memref<40x128xf32, #tpu.memory_space<hbm>>
    tpu.wait_dma2 semaphore(%arg19 : memref<!tpu.dma_semaphore, #tpu.memory_space<semaphore_mem>>) src(%arg13 : memref<40x128xf32, #tpu.memory_space<vmem>>) dst(%dma_wait3A_51 : memref<40x128xf32, #tpu.memory_space<hbm>>)
    return
  }
}

#map = affine_map<(d0, d1) -> (0, 0)>
#map1 = affine_map<(d0, d1) -> (0)>
module attributes {stable_mosaic.version = 14 : i64} {
  func.func @gsum_kernel(%arg0: i32, %arg1: i32, %arg2: memref<10000x128xf32, #tpu.memory_space<hbm>>, %arg3: memref<10000x128xf32, #tpu.memory_space<hbm>>, %arg4: memref<160000xi32, #tpu.memory_space<hbm>>, %arg5: memref<160000xi32, #tpu.memory_space<hbm>>, %arg6: memref<160000x128xf32, #tpu.memory_space<hbm>>, %arg7: memref<5000xi32, #tpu.memory_space<vmem>>, %arg8: memref<5000xi32, #tpu.memory_space<vmem>>, %arg9: memref<40x128xf32, #tpu.memory_space<vmem>>, %arg10: memref<40x128xf32, #tpu.memory_space<vmem>>, %arg11: memref<40x128xf32, #tpu.memory_space<vmem>>, %arg12: memref<40x128xf32, #tpu.memory_space<vmem>>, %arg13: memref<40x128xf32, #tpu.memory_space<vmem>>, %arg14: memref<40x128xf32, #tpu.memory_space<vmem>>, %arg15: memref<!tpu.dma_semaphore, #tpu.memory_space<semaphore_mem>>, %arg16: memref<!tpu.dma_semaphore, #tpu.memory_space<semaphore_mem>>, %arg17: memref<!tpu.dma_semaphore, #tpu.memory_space<semaphore_mem>>, %arg18: memref<!tpu.dma_semaphore, #tpu.memory_space<semaphore_mem>>, %arg19: memref<!tpu.dma_semaphore, #tpu.memory_space<semaphore_mem>>, %arg20: memref<!tpu.dma_semaphore, #tpu.memory_space<semaphore_mem>>) attributes {dimension_semantics = [#tpu.dimension_semantics<core_parallel>, #tpu.dimension_semantics<subcore_parallel>], iteration_bounds = array<i64: 2, 16>, scalar_prefetch = 0 : i64, scratch_operands = 14 : i64, tpu.core_type = #tpu.core_type<sc_vector_subcore>, window_params = [{transform_indices = #map}, {transform_indices = #map}, {transform_indices = #map1}, {transform_indices = #map1}, {transform_indices = #map}]} {
    %mul3A = arith.constant 2 : i32
    %mul3A_0 = arith.muli %arg1, %mul3A : i32
    %add3A = arith.addi %mul3A_0, %arg0 : i32
    %mul3A_1 = arith.constant 5000 : i32
    %mul3A_2 = arith.muli %add3A, %mul3A_1 : i32
    "tpu.region"() ({
      %run_scoped3A = tpu.sem_alloc : memref<!tpu.dma_semaphore, #tpu.memory_space<semaphore_mem>>
      %dma_start3A_52 = tpu.memref_slice %arg4[%mul3A_2] : memref<160000xi32, #tpu.memory_space<hbm>> -> memref<5000xi32, #tpu.memory_space<hbm>>
      %dma_start3A_53 = tpu.memref_slice %arg4[%mul3A_2] : memref<160000xi32, #tpu.memory_space<hbm>> -> memref<5000xi32, #tpu.memory_space<hbm>>
      tpu.enqueue_dma source(%dma_start3A_53 : memref<5000xi32, #tpu.memory_space<hbm>>) target(%arg7 : memref<5000xi32, #tpu.memory_space<vmem>>) target_semaphore(%run_scoped3A : memref<!tpu.dma_semaphore, #tpu.memory_space<semaphore_mem>>)
      %dma_wait3A_54 = tpu.memref_slice %arg4[%mul3A_2] : memref<160000xi32, #tpu.memory_space<hbm>> -> memref<5000xi32, #tpu.memory_space<hbm>>
      %dma_wait3A_55 = tpu.memref_slice %arg4[%mul3A_2] : memref<160000xi32, #tpu.memory_space<hbm>> -> memref<5000xi32, #tpu.memory_space<hbm>>
      tpu.wait_dma2 semaphore(%run_scoped3A : memref<!tpu.dma_semaphore, #tpu.memory_space<semaphore_mem>>) src(%dma_wait3A_55 : memref<5000xi32, #tpu.memory_space<hbm>>) dst(%arg7 : memref<5000xi32, #tpu.memory_space<vmem>>)
      tpu.yield
    }) : () -> ()
    "tpu.region"() ({
      %run_scoped3A = tpu.sem_alloc : memref<!tpu.dma_semaphore, #tpu.memory_space<semaphore_mem>>
      %dma_start3A_52 = tpu.memref_slice %arg5[%mul3A_2] : memref<160000xi32, #tpu.memory_space<hbm>> -> memref<5000xi32, #tpu.memory_space<hbm>>
      %dma_start3A_53 = tpu.memref_slice %arg5[%mul3A_2] : memref<160000xi32, #tpu.memory_space<hbm>> -> memref<5000xi32, #tpu.memory_space<hbm>>
      tpu.enqueue_dma source(%dma_start3A_53 : memref<5000xi32, #tpu.memory_space<hbm>>) target(%arg8 : memref<5000xi32, #tpu.memory_space<vmem>>) target_semaphore(%run_scoped3A : memref<!tpu.dma_semaphore, #tpu.memory_space<semaphore_mem>>)
      %dma_wait3A_54 = tpu.memref_slice %arg5[%mul3A_2] : memref<160000xi32, #tpu.memory_space<hbm>> -> memref<5000xi32, #tpu.memory_space<hbm>>
      %dma_wait3A_55 = tpu.memref_slice %arg5[%mul3A_2] : memref<160000xi32, #tpu.memory_space<hbm>> -> memref<5000xi32, #tpu.memory_space<hbm>>
      tpu.wait_dma2 semaphore(%run_scoped3A : memref<!tpu.dma_semaphore, #tpu.memory_space<semaphore_mem>>) src(%dma_wait3A_55 : memref<5000xi32, #tpu.memory_space<hbm>>) dst(%arg8 : memref<5000xi32, #tpu.memory_space<vmem>>)
      tpu.yield
    }) : () -> ()
    %dma_start3A = arith.constant 0 : i32
    %dma_start3A_3 = tpu.memref_slice %arg7[%dma_start3A] : memref<5000xi32, #tpu.memory_space<vmem>> -> memref<40xi32, #tpu.memory_space<vmem>>
    %dma_start3A_4 = arith.constant 0 : i32
    %dma_start3A_5 = arith.constant 0 : i32
    %dma_start3A_6 = tpu.memref_slice %arg2[%dma_start3A_4, %dma_start3A_5] : memref<10000x128xf32, #tpu.memory_space<hbm>> -> memref<10000x128xf32, #tpu.memory_space<hbm>>
    tpu.enqueue_indirect_dma source(%dma_start3A_6 : memref<10000x128xf32, #tpu.memory_space<hbm>>) target(%arg9 : memref<40x128xf32, #tpu.memory_space<vmem>>) offsets(%dma_start3A_3 : memref<40xi32, #tpu.memory_space<vmem>>) semaphore(%arg15 : memref<!tpu.dma_semaphore, #tpu.memory_space<semaphore_mem>>)
    %dma_start3A_7 = arith.constant 0 : i32
    %dma_start3A_8 = tpu.memref_slice %arg8[%dma_start3A_7] : memref<5000xi32, #tpu.memory_space<vmem>> -> memref<40xi32, #tpu.memory_space<vmem>>
    %dma_start3A_9 = arith.constant 0 : i32
    %dma_start3A_10 = arith.constant 0 : i32
    %dma_start3A_11 = tpu.memref_slice %arg3[%dma_start3A_9, %dma_start3A_10] : memref<10000x128xf32, #tpu.memory_space<hbm>> -> memref<10000x128xf32, #tpu.memory_space<hbm>>
    tpu.enqueue_indirect_dma source(%dma_start3A_11 : memref<10000x128xf32, #tpu.memory_space<hbm>>) target(%arg11 : memref<40x128xf32, #tpu.memory_space<vmem>>) offsets(%dma_start3A_8 : memref<40xi32, #tpu.memory_space<vmem>>) semaphore(%arg17 : memref<!tpu.dma_semaphore, #tpu.memory_space<semaphore_mem>>)
    %scan3A = arith.constant 0 : i32
    %scan3A_12 = arith.constant 0 : i32
    %scan3A_13 = arith.constant 62 : i32
    %scan3A_14 = arith.addi %scan3A_12, %scan3A_13 : i32
    %scan3A_15 = arith.constant 1 : i32
    scf.for %scan3A_52 = %scan3A_12 to %scan3A_14 step %scan3A_15  : i32 {
      %mul3A_53 = arith.constant 2 : i32
      %mul3A_54 = arith.muli %mul3A_53, %scan3A_52 : i32
      %add3A_55 = arith.constant 1 : i32
      %add3A_56 = arith.addi %mul3A_54, %add3A_55 : i32
      %mul3A_57 = arith.constant 40 : i32
      %mul3A_58 = arith.muli %add3A_56, %mul3A_57 : i32
      %dma_start3A_59 = tpu.memref_slice %arg7[%mul3A_58] : memref<5000xi32, #tpu.memory_space<vmem>> -> memref<40xi32, #tpu.memory_space<vmem>>
      %dma_start3A_60 = arith.constant 0 : i32
      %dma_start3A_61 = arith.constant 0 : i32
      %dma_start3A_62 = tpu.memref_slice %arg2[%dma_start3A_60, %dma_start3A_61] : memref<10000x128xf32, #tpu.memory_space<hbm>> -> memref<10000x128xf32, #tpu.memory_space<hbm>>
      tpu.enqueue_indirect_dma source(%dma_start3A_62 : memref<10000x128xf32, #tpu.memory_space<hbm>>) target(%arg10 : memref<40x128xf32, #tpu.memory_space<vmem>>) offsets(%dma_start3A_59 : memref<40xi32, #tpu.memory_space<vmem>>) semaphore(%arg16 : memref<!tpu.dma_semaphore, #tpu.memory_space<semaphore_mem>>)
      %mul3A_63 = arith.constant 40 : i32
      %mul3A_64 = arith.muli %add3A_56, %mul3A_63 : i32
      %dma_start3A_65 = tpu.memref_slice %arg8[%mul3A_64] : memref<5000xi32, #tpu.memory_space<vmem>> -> memref<40xi32, #tpu.memory_space<vmem>>
      %dma_start3A_66 = arith.constant 0 : i32
      %dma_start3A_67 = arith.constant 0 : i32
      %dma_start3A_68 = tpu.memref_slice %arg3[%dma_start3A_66, %dma_start3A_67] : memref<10000x128xf32, #tpu.memory_space<hbm>> -> memref<10000x128xf32, #tpu.memory_space<hbm>>
      tpu.enqueue_indirect_dma source(%dma_start3A_68 : memref<10000x128xf32, #tpu.memory_space<hbm>>) target(%arg12 : memref<40x128xf32, #tpu.memory_space<vmem>>) offsets(%dma_start3A_65 : memref<40xi32, #tpu.memory_space<vmem>>) semaphore(%arg18 : memref<!tpu.dma_semaphore, #tpu.memory_space<semaphore_mem>>)
      %mul3A_69 = arith.constant 40 : i32
      %mul3A_70 = arith.muli %mul3A_54, %mul3A_69 : i32
      %dma_wait3A_71 = tpu.memref_slice %arg7[%mul3A_70] : memref<5000xi32, #tpu.memory_space<vmem>> -> memref<40xi32, #tpu.memory_space<vmem>>
      %dma_wait3A_72 = arith.constant 0 : i32
      %dma_wait3A_73 = arith.constant 0 : i32
      %dma_wait3A_74 = tpu.memref_slice %arg2[%dma_wait3A_72, %dma_wait3A_73] : memref<10000x128xf32, #tpu.memory_space<hbm>> -> memref<10000x128xf32, #tpu.memory_space<hbm>>
      tpu.wait_indirect_dma semaphore(%arg15 : memref<!tpu.dma_semaphore, #tpu.memory_space<semaphore_mem>>) src(%dma_wait3A_74 : memref<10000x128xf32, #tpu.memory_space<hbm>>) dst(%arg9 : memref<40x128xf32, #tpu.memory_space<vmem>>)
      %mul3A_75 = arith.constant 40 : i32
      %mul3A_76 = arith.muli %mul3A_54, %mul3A_75 : i32
      %dma_wait3A_77 = tpu.memref_slice %arg8[%mul3A_76] : memref<5000xi32, #tpu.memory_space<vmem>> -> memref<40xi32, #tpu.memory_space<vmem>>
      %dma_wait3A_78 = arith.constant 0 : i32
      %dma_wait3A_79 = arith.constant 0 : i32
      %dma_wait3A_80 = tpu.memref_slice %arg3[%dma_wait3A_78, %dma_wait3A_79] : memref<10000x128xf32, #tpu.memory_space<hbm>> -> memref<10000x128xf32, #tpu.memory_space<hbm>>
      tpu.wait_indirect_dma semaphore(%arg17 : memref<!tpu.dma_semaphore, #tpu.memory_space<semaphore_mem>>) src(%dma_wait3A_80 : memref<10000x128xf32, #tpu.memory_space<hbm>>) dst(%arg11 : memref<40x128xf32, #tpu.memory_space<vmem>>)
      %gt3A = arith.constant 0 : i32
      %gt3A_81 = arith.cmpi sgt, %scan3A_52, %gt3A : i32
      %convert_element_type3A = arith.extui %gt3A_81 : i1 to i32
      %cond3A = arith.constant 0 : i32
      %cond3A_82 = arith.cmpi ne, %convert_element_type3A, %cond3A : i32
      scf.if %cond3A_82 {
        %sub3A = arith.constant 2 : i32
        %sub3A_126 = arith.subi %mul3A_54, %sub3A : i32
        %mul3A_127 = arith.constant 40 : i32
        %mul3A_128 = arith.muli %sub3A_126, %mul3A_127 : i32
        %add3A_129 = arith.addi %mul3A_2, %mul3A_128 : i32
        %dma_wait3A_130 = arith.constant 0 : i32
        %dma_wait3A_131 = tpu.memref_slice %arg6[%add3A_129, %dma_wait3A_130] : memref<160000x128xf32, #tpu.memory_space<hbm>> -> memref<40x128xf32, #tpu.memory_space<hbm>>
        %dma_wait3A_132 = arith.constant 0 : i32
        %dma_wait3A_133 = tpu.memref_slice %arg6[%add3A_129, %dma_wait3A_132] : memref<160000x128xf32, #tpu.memory_space<hbm>> -> memref<40x128xf32, #tpu.memory_space<hbm>>
        tpu.wait_dma2 semaphore(%arg19 : memref<!tpu.dma_semaphore, #tpu.memory_space<semaphore_mem>>) src(%arg13 : memref<40x128xf32, #tpu.memory_space<vmem>>) dst(%dma_wait3A_133 : memref<40x128xf32, #tpu.memory_space<hbm>>)
      } else {
      }
      %parallel_loop3A_83 = arith.constant 0 : i32
      %parallel_loop3A_84 = arith.constant 40 : i32
      %parallel_loop3A_85 = arith.constant 1 : i32
      scf.for %parallel_loop3A_126 = %parallel_loop3A_83 to %parallel_loop3A_84 step %parallel_loop3A_85  : i32 {
        %parallel_loop3A_127 = arith.index_cast %parallel_loop3A_126 : i32 to index
        %parallel_loop3A_128 = arith.constant 0 : index
        %parallel_loop3A_129 = tpu.vector_load %arg9[%parallel_loop3A_127, %parallel_loop3A_128] {strides = array<i32>} : memref<40x128xf32, #tpu.memory_space<vmem>>, vector<1x16xf32>,
        %parallel_loop3A_130 = vector.shape_cast %parallel_loop3A_129 : vector<1x16xf32> to vector<16xf32>
        %parallel_loop3A_131 = arith.index_cast %parallel_loop3A_126 : i32 to index
        %parallel_loop3A_132 = arith.constant 0 : index
        %parallel_loop3A_133 = tpu.vector_load %arg11[%parallel_loop3A_131, %parallel_loop3A_132] {strides = array<i32>} : memref<40x128xf32, #tpu.memory_space<vmem>>, vector<1x16xf32>,
        %parallel_loop3A_134 = vector.shape_cast %parallel_loop3A_133 : vector<1x16xf32> to vector<16xf32>
        %parallel_loop3A_135 = arith.addf %parallel_loop3A_130, %parallel_loop3A_134 : vector<16xf32>
        %parallel_loop3A_136 = arith.index_cast %parallel_loop3A_126 : i32 to index
        %parallel_loop3A_137 = arith.constant 0 : index
        %parallel_loop3A_138 = tpu.vector_load %arg13[%parallel_loop3A_136, %parallel_loop3A_137] {strides = array<i32>} : memref<40x128xf32, #tpu.memory_space<vmem>>, vector<1x16xf32>,
        %parallel_loop3A_139 = vector.shape_cast %parallel_loop3A_138 : vector<1x16xf32> to vector<16xf32>
        %parallel_loop3A_140 = vector.shape_cast %parallel_loop3A_135 : vector<16xf32> to vector<1x16xf32>
        tpu.vector_store %arg13[%parallel_loop3A_136, %parallel_loop3A_137], %parallel_loop3A_140 {strides = array<i32>} : memref<40x128xf32, #tpu.memory_space<vmem>>, vector<1x16xf32>,
        %parallel_loop3A_141 = arith.index_cast %parallel_loop3A_126 : i32 to index
        %parallel_loop3A_142 = arith.constant 16 : index
        %parallel_loop3A_143 = tpu.vector_load %arg9[%parallel_loop3A_141, %parallel_loop3A_142] {strides = array<i32>} : memref<40x128xf32, #tpu.memory_space<vmem>>, vector<1x16xf32>,
        %parallel_loop3A_144 = vector.shape_cast %parallel_loop3A_143 : vector<1x16xf32> to vector<16xf32>
        %parallel_loop3A_145 = arith.index_cast %parallel_loop3A_126 : i32 to index
        %parallel_loop3A_146 = arith.constant 16 : index
        %parallel_loop3A_147 = tpu.vector_load %arg11[%parallel_loop3A_145, %parallel_loop3A_146] {strides = array<i32>} : memref<40x128xf32, #tpu.memory_space<vmem>>, vector<1x16xf32>,
        %parallel_loop3A_148 = vector.shape_cast %parallel_loop3A_147 : vector<1x16xf32> to vector<16xf32>
        %parallel_loop3A_149 = arith.addf %parallel_loop3A_144, %parallel_loop3A_148 : vector<16xf32>
        %parallel_loop3A_150 = arith.index_cast %parallel_loop3A_126 : i32 to index
        %parallel_loop3A_151 = arith.constant 16 : index
        %parallel_loop3A_152 = tpu.vector_load %arg13[%parallel_loop3A_150, %parallel_loop3A_151] {strides = array<i32>} : memref<40x128xf32, #tpu.memory_space<vmem>>, vector<1x16xf32>,
        %parallel_loop3A_153 = vector.shape_cast %parallel_loop3A_152 : vector<1x16xf32> to vector<16xf32>
        %parallel_loop3A_154 = vector.shape_cast %parallel_loop3A_149 : vector<16xf32> to vector<1x16xf32>
        tpu.vector_store %arg13[%parallel_loop3A_150, %parallel_loop3A_151], %parallel_loop3A_154 {strides = array<i32>} : memref<40x128xf32, #tpu.memory_space<vmem>>, vector<1x16xf32>,
        %parallel_loop3A_155 = arith.index_cast %parallel_loop3A_126 : i32 to index
        %parallel_loop3A_156 = arith.constant 32 : index
        %parallel_loop3A_157 = tpu.vector_load %arg9[%parallel_loop3A_155, %parallel_loop3A_156] {strides = array<i32>} : memref<40x128xf32, #tpu.memory_space<vmem>>, vector<1x16xf32>,
        %parallel_loop3A_158 = vector.shape_cast %parallel_loop3A_157 : vector<1x16xf32> to vector<16xf32>
        %parallel_loop3A_159 = arith.index_cast %parallel_loop3A_126 : i32 to index
        %parallel_loop3A_160 = arith.constant 32 : index
        %parallel_loop3A_161 = tpu.vector_load %arg11[%parallel_loop3A_159, %parallel_loop3A_160] {strides = array<i32>} : memref<40x128xf32, #tpu.memory_space<vmem>>, vector<1x16xf32>,
        %parallel_loop3A_162 = vector.shape_cast %parallel_loop3A_161 : vector<1x16xf32> to vector<16xf32>
        %parallel_loop3A_163 = arith.addf %parallel_loop3A_158, %parallel_loop3A_162 : vector<16xf32>
        %parallel_loop3A_164 = arith.index_cast %parallel_loop3A_126 : i32 to index
        %parallel_loop3A_165 = arith.constant 32 : index
        %parallel_loop3A_166 = tpu.vector_load %arg13[%parallel_loop3A_164, %parallel_loop3A_165] {strides = array<i32>} : memref<40x128xf32, #tpu.memory_space<vmem>>, vector<1x16xf32>,
        %parallel_loop3A_167 = vector.shape_cast %parallel_loop3A_166 : vector<1x16xf32> to vector<16xf32>
        %parallel_loop3A_168 = vector.shape_cast %parallel_loop3A_163 : vector<16xf32> to vector<1x16xf32>
        tpu.vector_store %arg13[%parallel_loop3A_164, %parallel_loop3A_165], %parallel_loop3A_168 {strides = array<i32>} : memref<40x128xf32, #tpu.memory_space<vmem>>, vector<1x16xf32>,
        %parallel_loop3A_169 = arith.index_cast %parallel_loop3A_126 : i32 to index
        %parallel_loop3A_170 = arith.constant 48 : index
        %parallel_loop3A_171 = tpu.vector_load %arg9[%parallel_loop3A_169, %parallel_loop3A_170] {strides = array<i32>} : memref<40x128xf32, #tpu.memory_space<vmem>>, vector<1x16xf32>,
        %parallel_loop3A_172 = vector.shape_cast %parallel_loop3A_171 : vector<1x16xf32> to vector<16xf32>
        %parallel_loop3A_173 = arith.index_cast %parallel_loop3A_126 : i32 to index
        %parallel_loop3A_174 = arith.constant 48 : index
        %parallel_loop3A_175 = tpu.vector_load %arg11[%parallel_loop3A_173, %parallel_loop3A_174] {strides = array<i32>} : memref<40x128xf32, #tpu.memory_space<vmem>>, vector<1x16xf32>,
        %parallel_loop3A_176 = vector.shape_cast %parallel_loop3A_175 : vector<1x16xf32> to vector<16xf32>
        %parallel_loop3A_177 = arith.addf %parallel_loop3A_172, %parallel_loop3A_176 : vector<16xf32>
        %parallel_loop3A_178 = arith.index_cast %parallel_loop3A_126 : i32 to index
        %parallel_loop3A_179 = arith.constant 48 : index
        %parallel_loop3A_180 = tpu.vector_load %arg13[%parallel_loop3A_178, %parallel_loop3A_179] {strides = array<i32>} : memref<40x128xf32, #tpu.memory_space<vmem>>, vector<1x16xf32>,
        %parallel_loop3A_181 = vector.shape_cast %parallel_loop3A_180 : vector<1x16xf32> to vector<16xf32>
        %parallel_loop3A_182 = vector.shape_cast %parallel_loop3A_177 : vector<16xf32> to vector<1x16xf32>
        tpu.vector_store %arg13[%parallel_loop3A_178, %parallel_loop3A_179], %parallel_loop3A_182 {strides = array<i32>} : memref<40x128xf32, #tpu.memory_space<vmem>>, vector<1x16xf32>,
        %parallel_loop3A_183 = arith.index_cast %parallel_loop3A_126 : i32 to index
        %parallel_loop3A_184 = arith.constant 64 : index
        %parallel_loop3A_185 = tpu.vector_load %arg9[%parallel_loop3A_183, %parallel_loop3A_184] {strides = array<i32>} : memref<40x128xf32, #tpu.memory_space<vmem>>, vector<1x16xf32>,
        %parallel_loop3A_186 = vector.shape_cast %parallel_loop3A_185 : vector<1x16xf32> to vector<16xf32>
        %parallel_loop3A_187 = arith.index_cast %parallel_loop3A_126 : i32 to index
        %parallel_loop3A_188 = arith.constant 64 : index
        %parallel_loop3A_189 = tpu.vector_load %arg11[%parallel_loop3A_187, %parallel_loop3A_188] {strides = array<i32>} : memref<40x128xf32, #tpu.memory_space<vmem>>, vector<1x16xf32>,
        %parallel_loop3A_190 = vector.shape_cast %parallel_loop3A_189 : vector<1x16xf32> to vector<16xf32>
        %parallel_loop3A_191 = arith.addf %parallel_loop3A_186, %parallel_loop3A_190 : vector<16xf32>
        %parallel_loop3A_192 = arith.index_cast %parallel_loop3A_126 : i32 to index
        %parallel_loop3A_193 = arith.constant 64 : index
        %parallel_loop3A_194 = tpu.vector_load %arg13[%parallel_loop3A_192, %parallel_loop3A_193] {strides = array<i32>} : memref<40x128xf32, #tpu.memory_space<vmem>>, vector<1x16xf32>,
        %parallel_loop3A_195 = vector.shape_cast %parallel_loop3A_194 : vector<1x16xf32> to vector<16xf32>
        %parallel_loop3A_196 = vector.shape_cast %parallel_loop3A_191 : vector<16xf32> to vector<1x16xf32>
        tpu.vector_store %arg13[%parallel_loop3A_192, %parallel_loop3A_193], %parallel_loop3A_196 {strides = array<i32>} : memref<40x128xf32, #tpu.memory_space<vmem>>, vector<1x16xf32>,
        %parallel_loop3A_197 = arith.index_cast %parallel_loop3A_126 : i32 to index
        %parallel_loop3A_198 = arith.constant 80 : index
        %parallel_loop3A_199 = tpu.vector_load %arg9[%parallel_loop3A_197, %parallel_loop3A_198] {strides = array<i32>} : memref<40x128xf32, #tpu.memory_space<vmem>>, vector<1x16xf32>,
        %parallel_loop3A_200 = vector.shape_cast %parallel_loop3A_199 : vector<1x16xf32> to vector<16xf32>
        %parallel_loop3A_201 = arith.index_cast %parallel_loop3A_126 : i32 to index
        %parallel_loop3A_202 = arith.constant 80 : index
        %parallel_loop3A_203 = tpu.vector_load %arg11[%parallel_loop3A_201, %parallel_loop3A_202] {strides = array<i32>} : memref<40x128xf32, #tpu.memory_space<vmem>>, vector<1x16xf32>,
        %parallel_loop3A_204 = vector.shape_cast %parallel_loop3A_203 : vector<1x16xf32> to vector<16xf32>
        %parallel_loop3A_205 = arith.addf %parallel_loop3A_200, %parallel_loop3A_204 : vector<16xf32>
        %parallel_loop3A_206 = arith.index_cast %parallel_loop3A_126 : i32 to index
        %parallel_loop3A_207 = arith.constant 80 : index
        %parallel_loop3A_208 = tpu.vector_load %arg13[%parallel_loop3A_206, %parallel_loop3A_207] {strides = array<i32>} : memref<40x128xf32, #tpu.memory_space<vmem>>, vector<1x16xf32>,
        %parallel_loop3A_209 = vector.shape_cast %parallel_loop3A_208 : vector<1x16xf32> to vector<16xf32>
        %parallel_loop3A_210 = vector.shape_cast %parallel_loop3A_205 : vector<16xf32> to vector<1x16xf32>
        tpu.vector_store %arg13[%parallel_loop3A_206, %parallel_loop3A_207], %parallel_loop3A_210 {strides = array<i32>} : memref<40x128xf32, #tpu.memory_space<vmem>>, vector<1x16xf32>,
        %parallel_loop3A_211 = arith.index_cast %parallel_loop3A_126 : i32 to index
        %parallel_loop3A_212 = arith.constant 96 : index
        %parallel_loop3A_213 = tpu.vector_load %arg9[%parallel_loop3A_211, %parallel_loop3A_212] {strides = array<i32>} : memref<40x128xf32, #tpu.memory_space<vmem>>, vector<1x16xf32>,
        %parallel_loop3A_214 = vector.shape_cast %parallel_loop3A_213 : vector<1x16xf32> to vector<16xf32>
        %parallel_loop3A_215 = arith.index_cast %parallel_loop3A_126 : i32 to index
        %parallel_loop3A_216 = arith.constant 96 : index
        %parallel_loop3A_217 = tpu.vector_load %arg11[%parallel_loop3A_215, %parallel_loop3A_216] {strides = array<i32>} : memref<40x128xf32, #tpu.memory_space<vmem>>, vector<1x16xf32>,
        %parallel_loop3A_218 = vector.shape_cast %parallel_loop3A_217 : vector<1x16xf32> to vector<16xf32>
        %parallel_loop3A_219 = arith.addf %parallel_loop3A_214, %parallel_loop3A_218 : vector<16xf32>
        %parallel_loop3A_220 = arith.index_cast %parallel_loop3A_126 : i32 to index
        %parallel_loop3A_221 = arith.constant 96 : index
        %parallel_loop3A_222 = tpu.vector_load %arg13[%parallel_loop3A_220, %parallel_loop3A_221] {strides = array<i32>} : memref<40x128xf32, #tpu.memory_space<vmem>>, vector<1x16xf32>,
        %parallel_loop3A_223 = vector.shape_cast %parallel_loop3A_222 : vector<1x16xf32> to vector<16xf32>
        %parallel_loop3A_224 = vector.shape_cast %parallel_loop3A_219 : vector<16xf32> to vector<1x16xf32>
        tpu.vector_store %arg13[%parallel_loop3A_220, %parallel_loop3A_221], %parallel_loop3A_224 {strides = array<i32>} : memref<40x128xf32, #tpu.memory_space<vmem>>, vector<1x16xf32>,
        %parallel_loop3A_225 = arith.index_cast %parallel_loop3A_126 : i32 to index
        %parallel_loop3A_226 = arith.constant 112 : index
        %parallel_loop3A_227 = tpu.vector_load %arg9[%parallel_loop3A_225, %parallel_loop3A_226] {strides = array<i32>} : memref<40x128xf32, #tpu.memory_space<vmem>>, vector<1x16xf32>,
        %parallel_loop3A_228 = vector.shape_cast %parallel_loop3A_227 : vector<1x16xf32> to vector<16xf32>
        %parallel_loop3A_229 = arith.index_cast %parallel_loop3A_126 : i32 to index
        %parallel_loop3A_230 = arith.constant 112 : index
        %parallel_loop3A_231 = tpu.vector_load %arg11[%parallel_loop3A_229, %parallel_loop3A_230] {strides = array<i32>} : memref<40x128xf32, #tpu.memory_space<vmem>>, vector<1x16xf32>,
        %parallel_loop3A_232 = vector.shape_cast %parallel_loop3A_231 : vector<1x16xf32> to vector<16xf32>
        %parallel_loop3A_233 = arith.addf %parallel_loop3A_228, %parallel_loop3A_232 : vector<16xf32>
        %parallel_loop3A_234 = arith.index_cast %parallel_loop3A_126 : i32 to index
        %parallel_loop3A_235 = arith.constant 112 : index
        %parallel_loop3A_236 = tpu.vector_load %arg13[%parallel_loop3A_234, %parallel_loop3A_235] {strides = array<i32>} : memref<40x128xf32, #tpu.memory_space<vmem>>, vector<1x16xf32>,
        %parallel_loop3A_237 = vector.shape_cast %parallel_loop3A_236 : vector<1x16xf32> to vector<16xf32>
        %parallel_loop3A_238 = vector.shape_cast %parallel_loop3A_233 : vector<16xf32> to vector<1x16xf32>
        tpu.vector_store %arg13[%parallel_loop3A_234, %parallel_loop3A_235], %parallel_loop3A_238 {strides = array<i32>} : memref<40x128xf32, #tpu.memory_space<vmem>>, vector<1x16xf32>,
      } {sc.loop_unroll_factor = 4 : i64, sc.parallel_access}
      %mul3A_86 = arith.constant 40 : i32
      %mul3A_87 = arith.muli %mul3A_54, %mul3A_86 : i32
      %add3A_88 = arith.addi %mul3A_2, %mul3A_87 : i32
      %dma_start3A_89 = arith.constant 0 : i32
      %dma_start3A_90 = tpu.memref_slice %arg6[%add3A_88, %dma_start3A_89] : memref<160000x128xf32, #tpu.memory_space<hbm>> -> memref<40x128xf32, #tpu.memory_space<hbm>>
      %dma_start3A_91 = arith.constant 0 : i32
      %dma_start3A_92 = tpu.memref_slice %arg6[%add3A_88, %dma_start3A_91] : memref<160000x128xf32, #tpu.memory_space<hbm>> -> memref<40x128xf32, #tpu.memory_space<hbm>>
      tpu.enqueue_dma source(%arg13 : memref<40x128xf32, #tpu.memory_space<vmem>>) target(%dma_start3A_92 : memref<40x128xf32, #tpu.memory_space<hbm>>) target_semaphore(%arg19 : memref<!tpu.dma_semaphore, #tpu.memory_space<semaphore_mem>>)
      %add3A_93 = arith.constant 2 : i32
      %add3A_94 = arith.addi %mul3A_54, %add3A_93 : i32
      %lt3A = arith.constant 125 : i32
      %lt3A_95 = arith.cmpi slt, %add3A_94, %lt3A : i32
      %convert_element_type3A_96 = arith.extui %lt3A_95 : i1 to i32
      %cond3A_97 = arith.constant 0 : i32
      %cond3A_98 = arith.cmpi ne, %convert_element_type3A_96, %cond3A_97 : i32
      scf.if %cond3A_98 {
        %add3A_126 = arith.constant 2 : i32
        %add3A_127 = arith.addi %mul3A_54, %add3A_126 : i32
        %mul3A_128 = arith.constant 40 : i32
        %mul3A_129 = arith.muli %add3A_127, %mul3A_128 : i32
        %dma_start3A_130 = tpu.memref_slice %arg7[%mul3A_129] : memref<5000xi32, #tpu.memory_space<vmem>> -> memref<40xi32, #tpu.memory_space<vmem>>
        %dma_start3A_131 = arith.constant 0 : i32
        %dma_start3A_132 = arith.constant 0 : i32
        %dma_start3A_133 = tpu.memref_slice %arg2[%dma_start3A_131, %dma_start3A_132] : memref<10000x128xf32, #tpu.memory_space<hbm>> -> memref<10000x128xf32, #tpu.memory_space<hbm>>
        tpu.enqueue_indirect_dma source(%dma_start3A_133 : memref<10000x128xf32, #tpu.memory_space<hbm>>) target(%arg9 : memref<40x128xf32, #tpu.memory_space<vmem>>) offsets(%dma_start3A_130 : memref<40xi32, #tpu.memory_space<vmem>>) semaphore(%arg15 : memref<!tpu.dma_semaphore, #tpu.memory_space<semaphore_mem>>)
        %mul3A_134 = arith.constant 40 : i32
        %mul3A_135 = arith.muli %add3A_127, %mul3A_134 : i32
        %dma_start3A_136 = tpu.memref_slice %arg8[%mul3A_135] : memref<5000xi32, #tpu.memory_space<vmem>> -> memref<40xi32, #tpu.memory_space<vmem>>
        %dma_start3A_137 = arith.constant 0 : i32
        %dma_start3A_138 = arith.constant 0 : i32
        %dma_start3A_139 = tpu.memref_slice %arg3[%dma_start3A_137, %dma_start3A_138] : memref<10000x128xf32, #tpu.memory_space<hbm>> -> memref<10000x128xf32, #tpu.memory_space<hbm>>
        tpu.enqueue_indirect_dma source(%dma_start3A_139 : memref<10000x128xf32, #tpu.memory_space<hbm>>) target(%arg11 : memref<40x128xf32, #tpu.memory_space<vmem>>) offsets(%dma_start3A_136 : memref<40xi32, #tpu.memory_space<vmem>>) semaphore(%arg17 : memref<!tpu.dma_semaphore, #tpu.memory_space<semaphore_mem>>)
      } else {
      }
      %mul3A_99 = arith.constant 40 : i32
      %mul3A_100 = arith.muli %add3A_56, %mul3A_99 : i32
      %dma_wait3A_101 = tpu.memref_slice %arg7[%mul3A_100] : memref<5000xi32, #tpu.memory_space<vmem>> -> memref<40xi32, #tpu.memory_space<vmem>>
      %dma_wait3A_102 = arith.constant 0 : i32
      %dma_wait3A_103 = arith.constant 0 : i32
      %dma_wait3A_104 = tpu.memref_slice %arg2[%dma_wait3A_102, %dma_wait3A_103] : memref<10000x128xf32, #tpu.memory_space<hbm>> -> memref<10000x128xf32, #tpu.memory_space<hbm>>
      tpu.wait_indirect_dma semaphore(%arg16 : memref<!tpu.dma_semaphore, #tpu.memory_space<semaphore_mem>>) src(%dma_wait3A_104 : memref<10000x128xf32, #tpu.memory_space<hbm>>) dst(%arg10 : memref<40x128xf32, #tpu.memory_space<vmem>>)
      %mul3A_105 = arith.constant 40 : i32
      %mul3A_106 = arith.muli %add3A_56, %mul3A_105 : i32
      %dma_wait3A_107 = tpu.memref_slice %arg8[%mul3A_106] : memref<5000xi32, #tpu.memory_space<vmem>> -> memref<40xi32, #tpu.memory_space<vmem>>
      %dma_wait3A_108 = arith.constant 0 : i32
      %dma_wait3A_109 = arith.constant 0 : i32
      %dma_wait3A_110 = tpu.memref_slice %arg3[%dma_wait3A_108, %dma_wait3A_109] : memref<10000x128xf32, #tpu.memory_space<hbm>> -> memref<10000x128xf32, #tpu.memory_space<hbm>>
      tpu.wait_indirect_dma semaphore(%arg18 : memref<!tpu.dma_semaphore, #tpu.memory_space<semaphore_mem>>) src(%dma_wait3A_110 : memref<10000x128xf32, #tpu.memory_space<hbm>>) dst(%arg12 : memref<40x128xf32, #tpu.memory_space<vmem>>)
      %gt3A_111 = arith.constant 0 : i32
      %gt3A_112 = arith.cmpi sgt, %scan3A_52, %gt3A_111 : i32
      %convert_element_type3A_113 = arith.extui %gt3A_112 : i1 to i32
      %cond3A_114 = arith.constant 0 : i32
      %cond3A_115 = arith.cmpi ne, %convert_element_type3A_113, %cond3A_114 : i32
      scf.if %cond3A_115 {
        %sub3A = arith.constant 2 : i32
        %sub3A_126 = arith.subi %add3A_56, %sub3A : i32
        %mul3A_127 = arith.constant 40 : i32
        %mul3A_128 = arith.muli %sub3A_126, %mul3A_127 : i32
        %add3A_129 = arith.addi %mul3A_2, %mul3A_128 : i32
        %dma_wait3A_130 = arith.constant 0 : i32
        %dma_wait3A_131 = tpu.memref_slice %arg6[%add3A_129, %dma_wait3A_130] : memref<160000x128xf32, #tpu.memory_space<hbm>> -> memref<40x128xf32, #tpu.memory_space<hbm>>
        %dma_wait3A_132 = arith.constant 0 : i32
        %dma_wait3A_133 = tpu.memref_slice %arg6[%add3A_129, %dma_wait3A_132] : memref<160000x128xf32, #tpu.memory_space<hbm>> -> memref<40x128xf32, #tpu.memory_space<hbm>>
        tpu.wait_dma2 semaphore(%arg20 : memref<!tpu.dma_semaphore, #tpu.memory_space<semaphore_mem>>) src(%arg14 : memref<40x128xf32, #tpu.memory_space<vmem>>) dst(%dma_wait3A_133 : memref<40x128xf32, #tpu.memory_space<hbm>>)
      } else {
      }
      %parallel_loop3A_116 = arith.constant 0 : i32
      %parallel_loop3A_117 = arith.constant 40 : i32
      %parallel_loop3A_118 = arith.constant 1 : i32
      scf.for %parallel_loop3A_126 = %parallel_loop3A_116 to %parallel_loop3A_117 step %parallel_loop3A_118  : i32 {
        %parallel_loop3A_127 = arith.index_cast %parallel_loop3A_126 : i32 to index
        %parallel_loop3A_128 = arith.constant 0 : index
        %parallel_loop3A_129 = tpu.vector_load %arg10[%parallel_loop3A_127, %parallel_loop3A_128] {strides = array<i32>} : memref<40x128xf32, #tpu.memory_space<vmem>>, vector<1x16xf32>,
        %parallel_loop3A_130 = vector.shape_cast %parallel_loop3A_129 : vector<1x16xf32> to vector<16xf32>
        %parallel_loop3A_131 = arith.index_cast %parallel_loop3A_126 : i32 to index
        %parallel_loop3A_132 = arith.constant 0 : index
        %parallel_loop3A_133 = tpu.vector_load %arg12[%parallel_loop3A_131, %parallel_loop3A_132] {strides = array<i32>} : memref<40x128xf32, #tpu.memory_space<vmem>>, vector<1x16xf32>,
        %parallel_loop3A_134 = vector.shape_cast %parallel_loop3A_133 : vector<1x16xf32> to vector<16xf32>
        %parallel_loop3A_135 = arith.addf %parallel_loop3A_130, %parallel_loop3A_134 : vector<16xf32>
        %parallel_loop3A_136 = arith.index_cast %parallel_loop3A_126 : i32 to index
        %parallel_loop3A_137 = arith.constant 0 : index
        %parallel_loop3A_138 = tpu.vector_load %arg14[%parallel_loop3A_136, %parallel_loop3A_137] {strides = array<i32>} : memref<40x128xf32, #tpu.memory_space<vmem>>, vector<1x16xf32>,
        %parallel_loop3A_139 = vector.shape_cast %parallel_loop3A_138 : vector<1x16xf32> to vector<16xf32>
        %parallel_loop3A_140 = vector.shape_cast %parallel_loop3A_135 : vector<16xf32> to vector<1x16xf32>
        tpu.vector_store %arg14[%parallel_loop3A_136, %parallel_loop3A_137], %parallel_loop3A_140 {strides = array<i32>} : memref<40x128xf32, #tpu.memory_space<vmem>>, vector<1x16xf32>,
        %parallel_loop3A_141 = arith.index_cast %parallel_loop3A_126 : i32 to index
        %parallel_loop3A_142 = arith.constant 16 : index
        %parallel_loop3A_143 = tpu.vector_load %arg10[%parallel_loop3A_141, %parallel_loop3A_142] {strides = array<i32>} : memref<40x128xf32, #tpu.memory_space<vmem>>, vector<1x16xf32>,
        %parallel_loop3A_144 = vector.shape_cast %parallel_loop3A_143 : vector<1x16xf32> to vector<16xf32>
        %parallel_loop3A_145 = arith.index_cast %parallel_loop3A_126 : i32 to index
        %parallel_loop3A_146 = arith.constant 16 : index
        %parallel_loop3A_147 = tpu.vector_load %arg12[%parallel_loop3A_145, %parallel_loop3A_146] {strides = array<i32>} : memref<40x128xf32, #tpu.memory_space<vmem>>, vector<1x16xf32>,
        %parallel_loop3A_148 = vector.shape_cast %parallel_loop3A_147 : vector<1x16xf32> to vector<16xf32>
        %parallel_loop3A_149 = arith.addf %parallel_loop3A_144, %parallel_loop3A_148 : vector<16xf32>
        %parallel_loop3A_150 = arith.index_cast %parallel_loop3A_126 : i32 to index
        %parallel_loop3A_151 = arith.constant 16 : index
        %parallel_loop3A_152 = tpu.vector_load %arg14[%parallel_loop3A_150, %parallel_loop3A_151] {strides = array<i32>} : memref<40x128xf32, #tpu.memory_space<vmem>>, vector<1x16xf32>,
        %parallel_loop3A_153 = vector.shape_cast %parallel_loop3A_152 : vector<1x16xf32> to vector<16xf32>
        %parallel_loop3A_154 = vector.shape_cast %parallel_loop3A_149 : vector<16xf32> to vector<1x16xf32>
        tpu.vector_store %arg14[%parallel_loop3A_150, %parallel_loop3A_151], %parallel_loop3A_154 {strides = array<i32>} : memref<40x128xf32, #tpu.memory_space<vmem>>, vector<1x16xf32>,
        %parallel_loop3A_155 = arith.index_cast %parallel_loop3A_126 : i32 to index
        %parallel_loop3A_156 = arith.constant 32 : index
        %parallel_loop3A_157 = tpu.vector_load %arg10[%parallel_loop3A_155, %parallel_loop3A_156] {strides = array<i32>} : memref<40x128xf32, #tpu.memory_space<vmem>>, vector<1x16xf32>,
        %parallel_loop3A_158 = vector.shape_cast %parallel_loop3A_157 : vector<1x16xf32> to vector<16xf32>
        %parallel_loop3A_159 = arith.index_cast %parallel_loop3A_126 : i32 to index
        %parallel_loop3A_160 = arith.constant 32 : index
        %parallel_loop3A_161 = tpu.vector_load %arg12[%parallel_loop3A_159, %parallel_loop3A_160] {strides = array<i32>} : memref<40x128xf32, #tpu.memory_space<vmem>>, vector<1x16xf32>,
        %parallel_loop3A_162 = vector.shape_cast %parallel_loop3A_161 : vector<1x16xf32> to vector<16xf32>
        %parallel_loop3A_163 = arith.addf %parallel_loop3A_158, %parallel_loop3A_162 : vector<16xf32>
        %parallel_loop3A_164 = arith.index_cast %parallel_loop3A_126 : i32 to index
        %parallel_loop3A_165 = arith.constant 32 : index
        %parallel_loop3A_166 = tpu.vector_load %arg14[%parallel_loop3A_164, %parallel_loop3A_165] {strides = array<i32>} : memref<40x128xf32, #tpu.memory_space<vmem>>, vector<1x16xf32>,
        %parallel_loop3A_167 = vector.shape_cast %parallel_loop3A_166 : vector<1x16xf32> to vector<16xf32>
        %parallel_loop3A_168 = vector.shape_cast %parallel_loop3A_163 : vector<16xf32> to vector<1x16xf32>
        tpu.vector_store %arg14[%parallel_loop3A_164, %parallel_loop3A_165], %parallel_loop3A_168 {strides = array<i32>} : memref<40x128xf32, #tpu.memory_space<vmem>>, vector<1x16xf32>,
        %parallel_loop3A_169 = arith.index_cast %parallel_loop3A_126 : i32 to index
        %parallel_loop3A_170 = arith.constant 48 : index
        %parallel_loop3A_171 = tpu.vector_load %arg10[%parallel_loop3A_169, %parallel_loop3A_170] {strides = array<i32>} : memref<40x128xf32, #tpu.memory_space<vmem>>, vector<1x16xf32>,
        %parallel_loop3A_172 = vector.shape_cast %parallel_loop3A_171 : vector<1x16xf32> to vector<16xf32>
        %parallel_loop3A_173 = arith.index_cast %parallel_loop3A_126 : i32 to index
        %parallel_loop3A_174 = arith.constant 48 : index
        %parallel_loop3A_175 = tpu.vector_load %arg12[%parallel_loop3A_173, %parallel_loop3A_174] {strides = array<i32>} : memref<40x128xf32, #tpu.memory_space<vmem>>, vector<1x16xf32>,
        %parallel_loop3A_176 = vector.shape_cast %parallel_loop3A_175 : vector<1x16xf32> to vector<16xf32>
        %parallel_loop3A_177 = arith.addf %parallel_loop3A_172, %parallel_loop3A_176 : vector<16xf32>
        %parallel_loop3A_178 = arith.index_cast %parallel_loop3A_126 : i32 to index
        %parallel_loop3A_179 = arith.constant 48 : index
        %parallel_loop3A_180 = tpu.vector_load %arg14[%parallel_loop3A_178, %parallel_loop3A_179] {strides = array<i32>} : memref<40x128xf32, #tpu.memory_space<vmem>>, vector<1x16xf32>,
        %parallel_loop3A_181 = vector.shape_cast %parallel_loop3A_180 : vector<1x16xf32> to vector<16xf32>
        %parallel_loop3A_182 = vector.shape_cast %parallel_loop3A_177 : vector<16xf32> to vector<1x16xf32>
        tpu.vector_store %arg14[%parallel_loop3A_178, %parallel_loop3A_179], %parallel_loop3A_182 {strides = array<i32>} : memref<40x128xf32, #tpu.memory_space<vmem>>, vector<1x16xf32>,
        %parallel_loop3A_183 = arith.index_cast %parallel_loop3A_126 : i32 to index
        %parallel_loop3A_184 = arith.constant 64 : index
        %parallel_loop3A_185 = tpu.vector_load %arg10[%parallel_loop3A_183, %parallel_loop3A_184] {strides = array<i32>} : memref<40x128xf32, #tpu.memory_space<vmem>>, vector<1x16xf32>,
        %parallel_loop3A_186 = vector.shape_cast %parallel_loop3A_185 : vector<1x16xf32> to vector<16xf32>
        %parallel_loop3A_187 = arith.index_cast %parallel_loop3A_126 : i32 to index
        %parallel_loop3A_188 = arith.constant 64 : index
        %parallel_loop3A_189 = tpu.vector_load %arg12[%parallel_loop3A_187, %parallel_loop3A_188] {strides = array<i32>} : memref<40x128xf32, #tpu.memory_space<vmem>>, vector<1x16xf32>,
        %parallel_loop3A_190 = vector.shape_cast %parallel_loop3A_189 : vector<1x16xf32> to vector<16xf32>
        %parallel_loop3A_191 = arith.addf %parallel_loop3A_186, %parallel_loop3A_190 : vector<16xf32>
        %parallel_loop3A_192 = arith.index_cast %parallel_loop3A_126 : i32 to index
        %parallel_loop3A_193 = arith.constant 64 : index
        %parallel_loop3A_194 = tpu.vector_load %arg14[%parallel_loop3A_192, %parallel_loop3A_193] {strides = array<i32>} : memref<40x128xf32, #tpu.memory_space<vmem>>, vector<1x16xf32>,
        %parallel_loop3A_195 = vector.shape_cast %parallel_loop3A_194 : vector<1x16xf32> to vector<16xf32>
        %parallel_loop3A_196 = vector.shape_cast %parallel_loop3A_191 : vector<16xf32> to vector<1x16xf32>
        tpu.vector_store %arg14[%parallel_loop3A_192, %parallel_loop3A_193], %parallel_loop3A_196 {strides = array<i32>} : memref<40x128xf32, #tpu.memory_space<vmem>>, vector<1x16xf32>,
        %parallel_loop3A_197 = arith.index_cast %parallel_loop3A_126 : i32 to index
        %parallel_loop3A_198 = arith.constant 80 : index
        %parallel_loop3A_199 = tpu.vector_load %arg10[%parallel_loop3A_197, %parallel_loop3A_198] {strides = array<i32>} : memref<40x128xf32, #tpu.memory_space<vmem>>, vector<1x16xf32>,
        %parallel_loop3A_200 = vector.shape_cast %parallel_loop3A_199 : vector<1x16xf32> to vector<16xf32>
        %parallel_loop3A_201 = arith.index_cast %parallel_loop3A_126 : i32 to index
        %parallel_loop3A_202 = arith.constant 80 : index
        %parallel_loop3A_203 = tpu.vector_load %arg12[%parallel_loop3A_201, %parallel_loop3A_202] {strides = array<i32>} : memref<40x128xf32, #tpu.memory_space<vmem>>, vector<1x16xf32>,
        %parallel_loop3A_204 = vector.shape_cast %parallel_loop3A_203 : vector<1x16xf32> to vector<16xf32>
        %parallel_loop3A_205 = arith.addf %parallel_loop3A_200, %parallel_loop3A_204 : vector<16xf32>
        %parallel_loop3A_206 = arith.index_cast %parallel_loop3A_126 : i32 to index
        %parallel_loop3A_207 = arith.constant 80 : index
        %parallel_loop3A_208 = tpu.vector_load %arg14[%parallel_loop3A_206, %parallel_loop3A_207] {strides = array<i32>} : memref<40x128xf32, #tpu.memory_space<vmem>>, vector<1x16xf32>,
        %parallel_loop3A_209 = vector.shape_cast %parallel_loop3A_208 : vector<1x16xf32> to vector<16xf32>
        %parallel_loop3A_210 = vector.shape_cast %parallel_loop3A_205 : vector<16xf32> to vector<1x16xf32>
        tpu.vector_store %arg14[%parallel_loop3A_206, %parallel_loop3A_207], %parallel_loop3A_210 {strides = array<i32>} : memref<40x128xf32, #tpu.memory_space<vmem>>, vector<1x16xf32>,
        %parallel_loop3A_211 = arith.index_cast %parallel_loop3A_126 : i32 to index
        %parallel_loop3A_212 = arith.constant 96 : index
        %parallel_loop3A_213 = tpu.vector_load %arg10[%parallel_loop3A_211, %parallel_loop3A_212] {strides = array<i32>} : memref<40x128xf32, #tpu.memory_space<vmem>>, vector<1x16xf32>,
        %parallel_loop3A_214 = vector.shape_cast %parallel_loop3A_213 : vector<1x16xf32> to vector<16xf32>
        %parallel_loop3A_215 = arith.index_cast %parallel_loop3A_126 : i32 to index
        %parallel_loop3A_216 = arith.constant 96 : index
        %parallel_loop3A_217 = tpu.vector_load %arg12[%parallel_loop3A_215, %parallel_loop3A_216] {strides = array<i32>} : memref<40x128xf32, #tpu.memory_space<vmem>>, vector<1x16xf32>,
        %parallel_loop3A_218 = vector.shape_cast %parallel_loop3A_217 : vector<1x16xf32> to vector<16xf32>
        %parallel_loop3A_219 = arith.addf %parallel_loop3A_214, %parallel_loop3A_218 : vector<16xf32>
        %parallel_loop3A_220 = arith.index_cast %parallel_loop3A_126 : i32 to index
        %parallel_loop3A_221 = arith.constant 96 : index
        %parallel_loop3A_222 = tpu.vector_load %arg14[%parallel_loop3A_220, %parallel_loop3A_221] {strides = array<i32>} : memref<40x128xf32, #tpu.memory_space<vmem>>, vector<1x16xf32>,
        %parallel_loop3A_223 = vector.shape_cast %parallel_loop3A_222 : vector<1x16xf32> to vector<16xf32>
        %parallel_loop3A_224 = vector.shape_cast %parallel_loop3A_219 : vector<16xf32> to vector<1x16xf32>
        tpu.vector_store %arg14[%parallel_loop3A_220, %parallel_loop3A_221], %parallel_loop3A_224 {strides = array<i32>} : memref<40x128xf32, #tpu.memory_space<vmem>>, vector<1x16xf32>,
        %parallel_loop3A_225 = arith.index_cast %parallel_loop3A_126 : i32 to index
        %parallel_loop3A_226 = arith.constant 112 : index
        %parallel_loop3A_227 = tpu.vector_load %arg10[%parallel_loop3A_225, %parallel_loop3A_226] {strides = array<i32>} : memref<40x128xf32, #tpu.memory_space<vmem>>, vector<1x16xf32>,
        %parallel_loop3A_228 = vector.shape_cast %parallel_loop3A_227 : vector<1x16xf32> to vector<16xf32>
        %parallel_loop3A_229 = arith.index_cast %parallel_loop3A_126 : i32 to index
        %parallel_loop3A_230 = arith.constant 112 : index
        %parallel_loop3A_231 = tpu.vector_load %arg12[%parallel_loop3A_229, %parallel_loop3A_230] {strides = array<i32>} : memref<40x128xf32, #tpu.memory_space<vmem>>, vector<1x16xf32>,
        %parallel_loop3A_232 = vector.shape_cast %parallel_loop3A_231 : vector<1x16xf32> to vector<16xf32>
        %parallel_loop3A_233 = arith.addf %parallel_loop3A_228, %parallel_loop3A_232 : vector<16xf32>
        %parallel_loop3A_234 = arith.index_cast %parallel_loop3A_126 : i32 to index
        %parallel_loop3A_235 = arith.constant 112 : index
        %parallel_loop3A_236 = tpu.vector_load %arg14[%parallel_loop3A_234, %parallel_loop3A_235] {strides = array<i32>} : memref<40x128xf32, #tpu.memory_space<vmem>>, vector<1x16xf32>,
        %parallel_loop3A_237 = vector.shape_cast %parallel_loop3A_236 : vector<1x16xf32> to vector<16xf32>
        %parallel_loop3A_238 = vector.shape_cast %parallel_loop3A_233 : vector<16xf32> to vector<1x16xf32>
        tpu.vector_store %arg14[%parallel_loop3A_234, %parallel_loop3A_235], %parallel_loop3A_238 {strides = array<i32>} : memref<40x128xf32, #tpu.memory_space<vmem>>, vector<1x16xf32>,
      } {sc.loop_unroll_factor = 4 : i64, sc.parallel_access}
      %mul3A_119 = arith.constant 40 : i32
      %mul3A_120 = arith.muli %add3A_56, %mul3A_119 : i32
      %add3A_121 = arith.addi %mul3A_2, %mul3A_120 : i32
      %dma_start3A_122 = arith.constant 0 : i32
      %dma_start3A_123 = tpu.memref_slice %arg6[%add3A_121, %dma_start3A_122] : memref<160000x128xf32, #tpu.memory_space<hbm>> -> memref<40x128xf32, #tpu.memory_space<hbm>>
      %dma_start3A_124 = arith.constant 0 : i32
      %dma_start3A_125 = tpu.memref_slice %arg6[%add3A_121, %dma_start3A_124] : memref<160000x128xf32, #tpu.memory_space<hbm>> -> memref<40x128xf32, #tpu.memory_space<hbm>>
      tpu.enqueue_dma source(%arg14 : memref<40x128xf32, #tpu.memory_space<vmem>>) target(%dma_start3A_125 : memref<40x128xf32, #tpu.memory_space<hbm>>) target_semaphore(%arg20 : memref<!tpu.dma_semaphore, #tpu.memory_space<semaphore_mem>>)
    }
    %scan3A_16 = arith.constant 62 : i32
    %dma_wait3A = arith.constant 4960 : i32
    %dma_wait3A_17 = tpu.memref_slice %arg7[%dma_wait3A] : memref<5000xi32, #tpu.memory_space<vmem>> -> memref<40xi32, #tpu.memory_space<vmem>>
    %dma_wait3A_18 = arith.constant 0 : i32
    %dma_wait3A_19 = arith.constant 0 : i32
    %dma_wait3A_20 = tpu.memref_slice %arg2[%dma_wait3A_18, %dma_wait3A_19] : memref<10000x128xf32, #tpu.memory_space<hbm>> -> memref<10000x128xf32, #tpu.memory_space<hbm>>
    tpu.wait_indirect_dma semaphore(%arg15 : memref<!tpu.dma_semaphore, #tpu.memory_space<semaphore_mem>>) src(%dma_wait3A_20 : memref<10000x128xf32, #tpu.memory_space<hbm>>) dst(%arg9 : memref<40x128xf32, #tpu.memory_space<vmem>>)
    %dma_wait3A_21 = arith.constant 4960 : i32
    %dma_wait3A_22 = tpu.memref_slice %arg8[%dma_wait3A_21] : memref<5000xi32, #tpu.memory_space<vmem>> -> memref<40xi32, #tpu.memory_space<vmem>>
    %dma_wait3A_23 = arith.constant 0 : i32
    %dma_wait3A_24 = arith.constant 0 : i32
    %dma_wait3A_25 = tpu.memref_slice %arg3[%dma_wait3A_23, %dma_wait3A_24] : memref<10000x128xf32, #tpu.memory_space<hbm>> -> memref<10000x128xf32, #tpu.memory_space<hbm>>
    tpu.wait_indirect_dma semaphore(%arg17 : memref<!tpu.dma_semaphore, #tpu.memory_space<semaphore_mem>>) src(%dma_wait3A_25 : memref<10000x128xf32, #tpu.memory_space<hbm>>) dst(%arg11 : memref<40x128xf32, #tpu.memory_space<vmem>>)
    %add3A_26 = arith.constant 4880 : i32
    %add3A_27 = arith.addi %mul3A_2, %add3A_26 : i32
    %dma_wait3A_28 = arith.constant 0 : i32
    %dma_wait3A_29 = tpu.memref_slice %arg6[%add3A_27, %dma_wait3A_28] : memref<160000x128xf32, #tpu.memory_space<hbm>> -> memref<40x128xf32, #tpu.memory_space<hbm>>
    %dma_wait3A_30 = arith.constant 0 : i32
    %dma_wait3A_31 = tpu.memref_slice %arg6[%add3A_27, %dma_wait3A_30] : memref<160000x128xf32, #tpu.memory_space<hbm>> -> memref<40x128xf32, #tpu.memory_space<hbm>>
    tpu.wait_dma2 semaphore(%arg19 : memref<!tpu.dma_semaphore, #tpu.memory_space<semaphore_mem>>) src(%arg13 : memref<40x128xf32, #tpu.memory_space<vmem>>) dst(%dma_wait3A_31 : memref<40x128xf32, #tpu.memory_space<hbm>>)
    %parallel_loop3A = arith.constant 0 : i32
    %parallel_loop3A_32 = arith.constant 40 : i32
    %parallel_loop3A_33 = arith.constant 1 : i32
    scf.for %parallel_loop3A_52 = %parallel_loop3A to %parallel_loop3A_32 step %parallel_loop3A_33  : i32 {
      %parallel_loop3A_53 = arith.index_cast %parallel_loop3A_52 : i32 to index
      %parallel_loop3A_54 = arith.constant 0 : index
      %parallel_loop3A_55 = tpu.vector_load %arg9[%parallel_loop3A_53, %parallel_loop3A_54] {strides = array<i32>} : memref<40x128xf32, #tpu.memory_space<vmem>>, vector<1x16xf32>,
      %parallel_loop3A_56 = vector.shape_cast %parallel_loop3A_55 : vector<1x16xf32> to vector<16xf32>
      %parallel_loop3A_57 = arith.index_cast %parallel_loop3A_52 : i32 to index
      %parallel_loop3A_58 = arith.constant 0 : index
      %parallel_loop3A_59 = tpu.vector_load %arg11[%parallel_loop3A_57, %parallel_loop3A_58] {strides = array<i32>} : memref<40x128xf32, #tpu.memory_space<vmem>>, vector<1x16xf32>,
      %parallel_loop3A_60 = vector.shape_cast %parallel_loop3A_59 : vector<1x16xf32> to vector<16xf32>
      %parallel_loop3A_61 = arith.addf %parallel_loop3A_56, %parallel_loop3A_60 : vector<16xf32>
      %parallel_loop3A_62 = arith.index_cast %parallel_loop3A_52 : i32 to index
      %parallel_loop3A_63 = arith.constant 0 : index
      %parallel_loop3A_64 = tpu.vector_load %arg13[%parallel_loop3A_62, %parallel_loop3A_63] {strides = array<i32>} : memref<40x128xf32, #tpu.memory_space<vmem>>, vector<1x16xf32>,
      %parallel_loop3A_65 = vector.shape_cast %parallel_loop3A_64 : vector<1x16xf32> to vector<16xf32>
      %parallel_loop3A_66 = vector.shape_cast %parallel_loop3A_61 : vector<16xf32> to vector<1x16xf32>
      tpu.vector_store %arg13[%parallel_loop3A_62, %parallel_loop3A_63], %parallel_loop3A_66 {strides = array<i32>} : memref<40x128xf32, #tpu.memory_space<vmem>>, vector<1x16xf32>,
      %parallel_loop3A_67 = arith.index_cast %parallel_loop3A_52 : i32 to index
      %parallel_loop3A_68 = arith.constant 16 : index
      %parallel_loop3A_69 = tpu.vector_load %arg9[%parallel_loop3A_67, %parallel_loop3A_68] {strides = array<i32>} : memref<40x128xf32, #tpu.memory_space<vmem>>, vector<1x16xf32>,
      %parallel_loop3A_70 = vector.shape_cast %parallel_loop3A_69 : vector<1x16xf32> to vector<16xf32>
      %parallel_loop3A_71 = arith.index_cast %parallel_loop3A_52 : i32 to index
      %parallel_loop3A_72 = arith.constant 16 : index
      %parallel_loop3A_73 = tpu.vector_load %arg11[%parallel_loop3A_71, %parallel_loop3A_72] {strides = array<i32>} : memref<40x128xf32, #tpu.memory_space<vmem>>, vector<1x16xf32>,
      %parallel_loop3A_74 = vector.shape_cast %parallel_loop3A_73 : vector<1x16xf32> to vector<16xf32>
      %parallel_loop3A_75 = arith.addf %parallel_loop3A_70, %parallel_loop3A_74 : vector<16xf32>
      %parallel_loop3A_76 = arith.index_cast %parallel_loop3A_52 : i32 to index
      %parallel_loop3A_77 = arith.constant 16 : index
      %parallel_loop3A_78 = tpu.vector_load %arg13[%parallel_loop3A_76, %parallel_loop3A_77] {strides = array<i32>} : memref<40x128xf32, #tpu.memory_space<vmem>>, vector<1x16xf32>,
      %parallel_loop3A_79 = vector.shape_cast %parallel_loop3A_78 : vector<1x16xf32> to vector<16xf32>
      %parallel_loop3A_80 = vector.shape_cast %parallel_loop3A_75 : vector<16xf32> to vector<1x16xf32>
      tpu.vector_store %arg13[%parallel_loop3A_76, %parallel_loop3A_77], %parallel_loop3A_80 {strides = array<i32>} : memref<40x128xf32, #tpu.memory_space<vmem>>, vector<1x16xf32>,
      %parallel_loop3A_81 = arith.index_cast %parallel_loop3A_52 : i32 to index
      %parallel_loop3A_82 = arith.constant 32 : index
      %parallel_loop3A_83 = tpu.vector_load %arg9[%parallel_loop3A_81, %parallel_loop3A_82] {strides = array<i32>} : memref<40x128xf32, #tpu.memory_space<vmem>>, vector<1x16xf32>,
      %parallel_loop3A_84 = vector.shape_cast %parallel_loop3A_83 : vector<1x16xf32> to vector<16xf32>
      %parallel_loop3A_85 = arith.index_cast %parallel_loop3A_52 : i32 to index
      %parallel_loop3A_86 = arith.constant 32 : index
      %parallel_loop3A_87 = tpu.vector_load %arg11[%parallel_loop3A_85, %parallel_loop3A_86] {strides = array<i32>} : memref<40x128xf32, #tpu.memory_space<vmem>>, vector<1x16xf32>,
      %parallel_loop3A_88 = vector.shape_cast %parallel_loop3A_87 : vector<1x16xf32> to vector<16xf32>
      %parallel_loop3A_89 = arith.addf %parallel_loop3A_84, %parallel_loop3A_88 : vector<16xf32>
      %parallel_loop3A_90 = arith.index_cast %parallel_loop3A_52 : i32 to index
      %parallel_loop3A_91 = arith.constant 32 : index
      %parallel_loop3A_92 = tpu.vector_load %arg13[%parallel_loop3A_90, %parallel_loop3A_91] {strides = array<i32>} : memref<40x128xf32, #tpu.memory_space<vmem>>, vector<1x16xf32>,
      %parallel_loop3A_93 = vector.shape_cast %parallel_loop3A_92 : vector<1x16xf32> to vector<16xf32>
      %parallel_loop3A_94 = vector.shape_cast %parallel_loop3A_89 : vector<16xf32> to vector<1x16xf32>
      tpu.vector_store %arg13[%parallel_loop3A_90, %parallel_loop3A_91], %parallel_loop3A_94 {strides = array<i32>} : memref<40x128xf32, #tpu.memory_space<vmem>>, vector<1x16xf32>,
      %parallel_loop3A_95 = arith.index_cast %parallel_loop3A_52 : i32 to index
      %parallel_loop3A_96 = arith.constant 48 : index
      %parallel_loop3A_97 = tpu.vector_load %arg9[%parallel_loop3A_95, %parallel_loop3A_96] {strides = array<i32>} : memref<40x128xf32, #tpu.memory_space<vmem>>, vector<1x16xf32>,
      %parallel_loop3A_98 = vector.shape_cast %parallel_loop3A_97 : vector<1x16xf32> to vector<16xf32>
      %parallel_loop3A_99 = arith.index_cast %parallel_loop3A_52 : i32 to index
      %parallel_loop3A_100 = arith.constant 48 : index
      %parallel_loop3A_101 = tpu.vector_load %arg11[%parallel_loop3A_99, %parallel_loop3A_100] {strides = array<i32>} : memref<40x128xf32, #tpu.memory_space<vmem>>, vector<1x16xf32>,
      %parallel_loop3A_102 = vector.shape_cast %parallel_loop3A_101 : vector<1x16xf32> to vector<16xf32>
      %parallel_loop3A_103 = arith.addf %parallel_loop3A_98, %parallel_loop3A_102 : vector<16xf32>
      %parallel_loop3A_104 = arith.index_cast %parallel_loop3A_52 : i32 to index
      %parallel_loop3A_105 = arith.constant 48 : index
      %parallel_loop3A_106 = tpu.vector_load %arg13[%parallel_loop3A_104, %parallel_loop3A_105] {strides = array<i32>} : memref<40x128xf32, #tpu.memory_space<vmem>>, vector<1x16xf32>,
      %parallel_loop3A_107 = vector.shape_cast %parallel_loop3A_106 : vector<1x16xf32> to vector<16xf32>
      %parallel_loop3A_108 = vector.shape_cast %parallel_loop3A_103 : vector<16xf32> to vector<1x16xf32>
      tpu.vector_store %arg13[%parallel_loop3A_104, %parallel_loop3A_105], %parallel_loop3A_108 {strides = array<i32>} : memref<40x128xf32, #tpu.memory_space<vmem>>, vector<1x16xf32>,
      %parallel_loop3A_109 = arith.index_cast %parallel_loop3A_52 : i32 to index
      %parallel_loop3A_110 = arith.constant 64 : index
      %parallel_loop3A_111 = tpu.vector_load %arg9[%parallel_loop3A_109, %parallel_loop3A_110] {strides = array<i32>} : memref<40x128xf32, #tpu.memory_space<vmem>>, vector<1x16xf32>,
      %parallel_loop3A_112 = vector.shape_cast %parallel_loop3A_111 : vector<1x16xf32> to vector<16xf32>
      %parallel_loop3A_113 = arith.index_cast %parallel_loop3A_52 : i32 to index
      %parallel_loop3A_114 = arith.constant 64 : index
      %parallel_loop3A_115 = tpu.vector_load %arg11[%parallel_loop3A_113, %parallel_loop3A_114] {strides = array<i32>} : memref<40x128xf32, #tpu.memory_space<vmem>>, vector<1x16xf32>,
      %parallel_loop3A_116 = vector.shape_cast %parallel_loop3A_115 : vector<1x16xf32> to vector<16xf32>
      %parallel_loop3A_117 = arith.addf %parallel_loop3A_112, %parallel_loop3A_116 : vector<16xf32>
      %parallel_loop3A_118 = arith.index_cast %parallel_loop3A_52 : i32 to index
      %parallel_loop3A_119 = arith.constant 64 : index
      %parallel_loop3A_120 = tpu.vector_load %arg13[%parallel_loop3A_118, %parallel_loop3A_119] {strides = array<i32>} : memref<40x128xf32, #tpu.memory_space<vmem>>, vector<1x16xf32>,
      %parallel_loop3A_121 = vector.shape_cast %parallel_loop3A_120 : vector<1x16xf32> to vector<16xf32>
      %parallel_loop3A_122 = vector.shape_cast %parallel_loop3A_117 : vector<16xf32> to vector<1x16xf32>
      tpu.vector_store %arg13[%parallel_loop3A_118, %parallel_loop3A_119], %parallel_loop3A_122 {strides = array<i32>} : memref<40x128xf32, #tpu.memory_space<vmem>>, vector<1x16xf32>,
      %parallel_loop3A_123 = arith.index_cast %parallel_loop3A_52 : i32 to index
      %parallel_loop3A_124 = arith.constant 80 : index
      %parallel_loop3A_125 = tpu.vector_load %arg9[%parallel_loop3A_123, %parallel_loop3A_124] {strides = array<i32>} : memref<40x128xf32, #tpu.memory_space<vmem>>, vector<1x16xf32>,
      %parallel_loop3A_126 = vector.shape_cast %parallel_loop3A_125 : vector<1x16xf32> to vector<16xf32>
      %parallel_loop3A_127 = arith.index_cast %parallel_loop3A_52 : i32 to index
      %parallel_loop3A_128 = arith.constant 80 : index
      %parallel_loop3A_129 = tpu.vector_load %arg11[%parallel_loop3A_127, %parallel_loop3A_128] {strides = array<i32>} : memref<40x128xf32, #tpu.memory_space<vmem>>, vector<1x16xf32>,
      %parallel_loop3A_130 = vector.shape_cast %parallel_loop3A_129 : vector<1x16xf32> to vector<16xf32>
      %parallel_loop3A_131 = arith.addf %parallel_loop3A_126, %parallel_loop3A_130 : vector<16xf32>
      %parallel_loop3A_132 = arith.index_cast %parallel_loop3A_52 : i32 to index
      %parallel_loop3A_133 = arith.constant 80 : index
      %parallel_loop3A_134 = tpu.vector_load %arg13[%parallel_loop3A_132, %parallel_loop3A_133] {strides = array<i32>} : memref<40x128xf32, #tpu.memory_space<vmem>>, vector<1x16xf32>,
      %parallel_loop3A_135 = vector.shape_cast %parallel_loop3A_134 : vector<1x16xf32> to vector<16xf32>
      %parallel_loop3A_136 = vector.shape_cast %parallel_loop3A_131 : vector<16xf32> to vector<1x16xf32>
      tpu.vector_store %arg13[%parallel_loop3A_132, %parallel_loop3A_133], %parallel_loop3A_136 {strides = array<i32>} : memref<40x128xf32, #tpu.memory_space<vmem>>, vector<1x16xf32>,
      %parallel_loop3A_137 = arith.index_cast %parallel_loop3A_52 : i32 to index
      %parallel_loop3A_138 = arith.constant 96 : index
      %parallel_loop3A_139 = tpu.vector_load %arg9[%parallel_loop3A_137, %parallel_loop3A_138] {strides = array<i32>} : memref<40x128xf32, #tpu.memory_space<vmem>>, vector<1x16xf32>,
      %parallel_loop3A_140 = vector.shape_cast %parallel_loop3A_139 : vector<1x16xf32> to vector<16xf32>
      %parallel_loop3A_141 = arith.index_cast %parallel_loop3A_52 : i32 to index
      %parallel_loop3A_142 = arith.constant 96 : index
      %parallel_loop3A_143 = tpu.vector_load %arg11[%parallel_loop3A_141, %parallel_loop3A_142] {strides = array<i32>} : memref<40x128xf32, #tpu.memory_space<vmem>>, vector<1x16xf32>,
      %parallel_loop3A_144 = vector.shape_cast %parallel_loop3A_143 : vector<1x16xf32> to vector<16xf32>
      %parallel_loop3A_145 = arith.addf %parallel_loop3A_140, %parallel_loop3A_144 : vector<16xf32>
      %parallel_loop3A_146 = arith.index_cast %parallel_loop3A_52 : i32 to index
      %parallel_loop3A_147 = arith.constant 96 : index
      %parallel_loop3A_148 = tpu.vector_load %arg13[%parallel_loop3A_146, %parallel_loop3A_147] {strides = array<i32>} : memref<40x128xf32, #tpu.memory_space<vmem>>, vector<1x16xf32>,
      %parallel_loop3A_149 = vector.shape_cast %parallel_loop3A_148 : vector<1x16xf32> to vector<16xf32>
      %parallel_loop3A_150 = vector.shape_cast %parallel_loop3A_145 : vector<16xf32> to vector<1x16xf32>
      tpu.vector_store %arg13[%parallel_loop3A_146, %parallel_loop3A_147], %parallel_loop3A_150 {strides = array<i32>} : memref<40x128xf32, #tpu.memory_space<vmem>>, vector<1x16xf32>,
      %parallel_loop3A_151 = arith.index_cast %parallel_loop3A_52 : i32 to index
      %parallel_loop3A_152 = arith.constant 112 : index
      %parallel_loop3A_153 = tpu.vector_load %arg9[%parallel_loop3A_151, %parallel_loop3A_152] {strides = array<i32>} : memref<40x128xf32, #tpu.memory_space<vmem>>, vector<1x16xf32>,
      %parallel_loop3A_154 = vector.shape_cast %parallel_loop3A_153 : vector<1x16xf32> to vector<16xf32>
      %parallel_loop3A_155 = arith.index_cast %parallel_loop3A_52 : i32 to index
      %parallel_loop3A_156 = arith.constant 112 : index
      %parallel_loop3A_157 = tpu.vector_load %arg11[%parallel_loop3A_155, %parallel_loop3A_156] {strides = array<i32>} : memref<40x128xf32, #tpu.memory_space<vmem>>, vector<1x16xf32>,
      %parallel_loop3A_158 = vector.shape_cast %parallel_loop3A_157 : vector<1x16xf32> to vector<16xf32>
      %parallel_loop3A_159 = arith.addf %parallel_loop3A_154, %parallel_loop3A_158 : vector<16xf32>
      %parallel_loop3A_160 = arith.index_cast %parallel_loop3A_52 : i32 to index
      %parallel_loop3A_161 = arith.constant 112 : index
      %parallel_loop3A_162 = tpu.vector_load %arg13[%parallel_loop3A_160, %parallel_loop3A_161] {strides = array<i32>} : memref<40x128xf32, #tpu.memory_space<vmem>>, vector<1x16xf32>,
      %parallel_loop3A_163 = vector.shape_cast %parallel_loop3A_162 : vector<1x16xf32> to vector<16xf32>
      %parallel_loop3A_164 = vector.shape_cast %parallel_loop3A_159 : vector<16xf32> to vector<1x16xf32>
      tpu.vector_store %arg13[%parallel_loop3A_160, %parallel_loop3A_161], %parallel_loop3A_164 {strides = array<i32>} : memref<40x128xf32, #tpu.memory_space<vmem>>, vector<1x16xf32>,
    } {sc.loop_unroll_factor = 4 : i64, sc.parallel_access}
    %add3A_34 = arith.constant 4960 : i32
    %add3A_35 = arith.addi %mul3A_2, %add3A_34 : i32
    %dma_start3A_36 = arith.constant 0 : i32
    %dma_start3A_37 = tpu.memref_slice %arg6[%add3A_35, %dma_start3A_36] : memref<160000x128xf32, #tpu.memory_space<hbm>> -> memref<40x128xf32, #tpu.memory_space<hbm>>
    %dma_start3A_38 = arith.constant 0 : i32
    %dma_start3A_39 = tpu.memref_slice %arg6[%add3A_35, %dma_start3A_38] : memref<160000x128xf32, #tpu.memory_space<hbm>> -> memref<40x128xf32, #tpu.memory_space<hbm>>
    tpu.enqueue_dma source(%arg13 : memref<40x128xf32, #tpu.memory_space<vmem>>) target(%dma_start3A_39 : memref<40x128xf32, #tpu.memory_space<hbm>>) target_semaphore(%arg19 : memref<!tpu.dma_semaphore, #tpu.memory_space<semaphore_mem>>)
    %add3A_40 = arith.constant 4920 : i32
    %add3A_41 = arith.addi %mul3A_2, %add3A_40 : i32
    %dma_wait3A_42 = arith.constant 0 : i32
    %dma_wait3A_43 = tpu.memref_slice %arg6[%add3A_41, %dma_wait3A_42] : memref<160000x128xf32, #tpu.memory_space<hbm>> -> memref<40x128xf32, #tpu.memory_space<hbm>>
    %dma_wait3A_44 = arith.constant 0 : i32
    %dma_wait3A_45 = tpu.memref_slice %arg6[%add3A_41, %dma_wait3A_44] : memref<160000x128xf32, #tpu.memory_space<hbm>> -> memref<40x128xf32, #tpu.memory_space<hbm>>
    tpu.wait_dma2 semaphore(%arg20 : memref<!tpu.dma_semaphore, #tpu.memory_space<semaphore_mem>>) src(%arg14 : memref<40x128xf32, #tpu.memory_space<vmem>>) dst(%dma_wait3A_45 : memref<40x128xf32, #tpu.memory_space<hbm>>)
    %add3A_46 = arith.constant 4960 : i32
    %add3A_47 = arith.addi %mul3A_2, %add3A_46 : i32
    %dma_wait3A_48 = arith.constant 0 : i32
    %dma_wait3A_49 = tpu.memref_slice %arg6[%add3A_47, %dma_wait3A_48] : memref<160000x128xf32, #tpu.memory_space<hbm>> -> memref<40x128xf32, #tpu.memory_space<hbm>>
    %dma_wait3A_50 = arith.constant 0 : i32
    %dma_wait3A_51 = tpu.memref_slice %arg6[%add3A_47, %dma_wait3A_50] : memref<160000x128xf32, #tpu.memory_space<hbm>> -> memref<40x128xf32, #tpu.memory_space<hbm>>
    tpu.wait_dma2 semaphore(%arg19 : memref<!tpu.dma_semaphore, #tpu.memory_space<semaphore_mem>>) src(%arg13 : memref<40x128xf32, #tpu.memory_space<vmem>>) dst(%dma_wait3A_51 : memref<40x128xf32, #tpu.memory_space<hbm>>)
    return
  }
}

module attributes {stable_mosaic.version = 14 : i64} {
  func.func @_tables_body(%arg0: i32, %arg1: memref<2000x128xf32, #tpu.memory_space<vmem>>, %arg2: memref<128x128xf32, #tpu.memory_space<vmem>>, %arg3: memref<128x128xf32, #tpu.memory_space<vmem>>, %arg4: memref<128x128xf32, #tpu.memory_space<vmem>>, %arg5: memref<1x128xf32, #tpu.memory_space<vmem>>, %arg6: memref<1x128xf32, #tpu.memory_space<vmem>>, %arg7: memref<2000x128xf32, #tpu.memory_space<vmem>>, %arg8: memref<2000x128xf32, #tpu.memory_space<vmem>>) attributes {dimension_semantics = [#tpu.dimension_semantics<arbitrary>], iteration_bounds = array<i64: 5>, scalar_prefetch = 0 : i64, scratch_operands = 0 : i64, tpu.core_type = #tpu.core_type<tc>, window_params = [{transform_indices = @transform_0, window_bounds = array<i64: 2000, 128>}, {pipeline_mode = #tpu.pipeline_mode<synchronous>, transform_indices = @transform_1, window_bounds = array<i64: 128, 128>}, {pipeline_mode = #tpu.pipeline_mode<synchronous>, transform_indices = @transform_2, window_bounds = array<i64: 128, 128>}, {pipeline_mode = #tpu.pipeline_mode<synchronous>, transform_indices = @transform_3, window_bounds = array<i64: 128, 128>}, {pipeline_mode = #tpu.pipeline_mode<synchronous>, transform_indices = @transform_4, window_bounds = array<i64: 1, 128>}, {pipeline_mode = #tpu.pipeline_mode<synchronous>, transform_indices = @transform_5, window_bounds = array<i64: 1, 128>}, {transform_indices = @transform_6, window_bounds = array<i64: 2000, 128>}, {transform_indices = @transform_7, window_bounds = array<i64: 2000, 128>}]} {
    %get3A = arith.constant 0 : index
    %get3A_0 = arith.constant 0 : index
    %get3A_1 = vector.load %arg5[%get3A, %get3A_0] : memref<1x128xf32, #tpu.memory_space<vmem>>, vector<1x128xf32>
    %get3A_2 = arith.constant 0 : index
    %get3A_3 = arith.constant 0 : index
    %get3A_4 = vector.load %arg4[%get3A_2, %get3A_3] : memref<128x128xf32, #tpu.memory_space<vmem>>, vector<128x128xf32>
    %dot_general3A = arith.constant dense<0.000000e+00> : vector<1x128xf32>
    %dot_general3A_5 = tpu.matmul %get3A_1, %get3A_4, %dot_general3A {dimension_numbers = #tpu.dot_dimension_numbers<[1], [0], [0], [1], [0, 0, 1, 1], [], []>, transpose_lhs_hint = false} : vector<1x128xf32>, vector<128x128xf32>, vector<1x128xf32> -> vector<1x128xf32>
    %get3A_6 = arith.constant 0 : index
    %get3A_7 = arith.constant 0 : index
    %get3A_8 = vector.load %arg6[%get3A_6, %get3A_7] : memref<1x128xf32, #tpu.memory_space<vmem>>, vector<1x128xf32>
    %add3A = arith.addf %dot_general3A_5, %get3A_8 : vector<1x128xf32>
    %get3A_9 = arith.constant 0 : index
    %get3A_10 = arith.constant 0 : index
    %get3A_11 = vector.load %arg1[%get3A_9, %get3A_10] : memref<2000x128xf32, #tpu.memory_space<vmem>>, vector<2000x128xf32>
    %get3A_12 = arith.constant 0 : index
    %get3A_13 = arith.constant 0 : index
    %get3A_14 = vector.load %arg2[%get3A_12, %get3A_13] : memref<128x128xf32, #tpu.memory_space<vmem>>, vector<128x128xf32>
    %dot_general3A_15 = arith.constant dense<0.000000e+00> : vector<2000x128xf32>
    %dot_general3A_16 = tpu.matmul %get3A_11, %get3A_14, %dot_general3A_15 {dimension_numbers = #tpu.dot_dimension_numbers<[1], [0], [0], [1], [0, 0, 1, 1], [], []>, transpose_lhs_hint = false} : vector<2000x128xf32>, vector<128x128xf32>, vector<2000x128xf32> -> vector<2000x128xf32>
    %add3A_17 = vector.broadcast %add3A : vector<1x128xf32> to vector<2000x128xf32>
    %add3A_18 = arith.addf %dot_general3A_16, %add3A_17 : vector<2000x128xf32>
    %swap3A = arith.constant 0 : index
    %swap3A_19 = arith.constant 0 : index
    %swap3A_20 = vector.load %arg7[%swap3A, %swap3A_19] : memref<2000x128xf32, #tpu.memory_space<vmem>>, vector<2000x128xf32>
    tpu.vector_store %arg7[%swap3A, %swap3A_19], %add3A_18 {strides = array<i32>} : memref<2000x128xf32, #tpu.memory_space<vmem>>, vector<2000x128xf32>,
    %get3A_21 = arith.constant 0 : index
    %get3A_22 = arith.constant 0 : index
    %get3A_23 = vector.load %arg3[%get3A_21, %get3A_22] : memref<128x128xf32, #tpu.memory_space<vmem>>, vector<128x128xf32>
    %dot_general3A_24 = arith.constant dense<0.000000e+00> : vector<2000x128xf32>
    %dot_general3A_25 = tpu.matmul %get3A_11, %get3A_23, %dot_general3A_24 {dimension_numbers = #tpu.dot_dimension_numbers<[1], [0], [0], [1], [0, 0, 1, 1], [], []>, transpose_lhs_hint = false} : vector<2000x128xf32>, vector<128x128xf32>, vector<2000x128xf32> -> vector<2000x128xf32>
    %swap3A_26 = arith.constant 0 : index
    %swap3A_27 = arith.constant 0 : index
    %swap3A_28 = vector.load %arg8[%swap3A_26, %swap3A_27] : memref<2000x128xf32, #tpu.memory_space<vmem>>, vector<2000x128xf32>
    tpu.vector_store %arg8[%swap3A_26, %swap3A_27], %dot_general3A_25 {strides = array<i32>} : memref<2000x128xf32, #tpu.memory_space<vmem>>, vector<2000x128xf32>,
    return
  }
  func.func @transform_0(%arg0: i32) -> (i32, i32) {
    %c0_i32 = arith.constant 0 : i32
    %c0_i32_0 = arith.constant 0 : i32
    return %arg0, %c0_i32 : i32, i32
  }
  func.func @transform_1(%arg0: i32) -> (i32, i32) {
    %c0_i32 = arith.constant 0 : i32
    %c0_i32_0 = arith.constant 0 : i32
    %c0_i32_1 = arith.constant 0 : i32
    return %c0_i32, %c0_i32_0 : i32, i32
  }
  func.func @transform_2(%arg0: i32) -> (i32, i32) {
    %c0_i32 = arith.constant 0 : i32
    %c0_i32_0 = arith.constant 0 : i32
    %c0_i32_1 = arith.constant 0 : i32
    return %c0_i32, %c0_i32_0 : i32, i32
  }
  func.func @transform_3(%arg0: i32) -> (i32, i32) {
    %c0_i32 = arith.constant 0 : i32
    %c0_i32_0 = arith.constant 0 : i32
    %c0_i32_1 = arith.constant 0 : i32
    return %c0_i32, %c0_i32_0 : i32, i32
  }
  func.func @transform_4(%arg0: i32) -> (i32, i32) {
    %c0_i32 = arith.constant 0 : i32
    %c0_i32_0 = arith.constant 0 : i32
    %c0_i32_1 = arith.constant 0 : i32
    return %c0_i32, %c0_i32_0 : i32, i32
  }
  func.func @transform_5(%arg0: i32) -> (i32, i32) {
    %c0_i32 = arith.constant 0 : i32
    %c0_i32_0 = arith.constant 0 : i32
    %c0_i32_1 = arith.constant 0 : i32
    return %c0_i32, %c0_i32_0 : i32, i32
  }
  func.func @transform_6(%arg0: i32) -> (i32, i32) {
    %c0_i32 = arith.constant 0 : i32
    %c0_i32_0 = arith.constant 0 : i32
    return %arg0, %c0_i32 : i32, i32
  }
  func.func @transform_7(%arg0: i32) -> (i32, i32) {
    %c0_i32 = arith.constant 0 : i32
    %c0_i32_0 = arith.constant 0 : i32
    return %arg0, %c0_i32 : i32, i32
  }
}

module attributes {stable_mosaic.version = 14 : i64} {
  func.func @_combine_body(%arg0: i32, %arg1: memref<4000x16xf32, #tpu.memory_space<vmem>>, %arg2: memref<16x128xf32, #tpu.memory_space<vmem>>, %arg3: memref<4000x128xf32, #tpu.memory_space<vmem>>, %arg4: memref<4000x128xf32, #tpu.memory_space<vmem>>) attributes {dimension_semantics = [#tpu.dimension_semantics<arbitrary>], iteration_bounds = array<i64: 40>, scalar_prefetch = 0 : i64, scratch_operands = 0 : i64, tpu.core_type = #tpu.core_type<tc>, window_params = [{transform_indices = @transform_0, window_bounds = array<i64: 4000, 16>}, {pipeline_mode = #tpu.pipeline_mode<synchronous>, transform_indices = @transform_1, window_bounds = array<i64: 16, 128>}, {transform_indices = @transform_2, window_bounds = array<i64: 4000, 128>}, {transform_indices = @transform_3, window_bounds = array<i64: 4000, 128>}]} {
    %get3A = arith.constant 0 : index
    %get3A_0 = arith.constant 0 : index
    %get3A_1 = vector.load %arg1[%get3A, %get3A_0] : memref<4000x16xf32, #tpu.memory_space<vmem>>, vector<4000x16xf32>
    %get3A_2 = arith.constant 0 : index
    %get3A_3 = arith.constant 0 : index
    %get3A_4 = vector.load %arg2[%get3A_2, %get3A_3] : memref<16x128xf32, #tpu.memory_space<vmem>>, vector<16x128xf32>
    %dot_general3A = arith.constant dense<0.000000e+00> : vector<4000x128xf32>
    %dot_general3A_5 = tpu.matmul %get3A_1, %get3A_4, %dot_general3A {dimension_numbers = #tpu.dot_dimension_numbers<[1], [0], [0], [1], [0, 0, 1, 1], [], []>, transpose_lhs_hint = false} : vector<4000x16xf32>, vector<16x128xf32>, vector<4000x128xf32> -> vector<4000x128xf32>
    %get3A_6 = arith.constant 0 : index
    %get3A_7 = arith.constant 0 : index
    %get3A_8 = vector.load %arg3[%get3A_6, %get3A_7] : memref<4000x128xf32, #tpu.memory_space<vmem>>, vector<4000x128xf32>
    %add3A = arith.addf %dot_general3A_5, %get3A_8 : vector<4000x128xf32>
    %max3A = arith.constant 0.000000e+00 : f32
    %max3A_9 = vector.broadcast %max3A : f32 to vector<4000x128xf32>
    %max3A_10 = arith.maximumf %add3A, %max3A_9 : vector<4000x128xf32>
    %swap3A = arith.constant 0 : index
    %swap3A_11 = arith.constant 0 : index
    %swap3A_12 = vector.load %arg4[%swap3A, %swap3A_11] : memref<4000x128xf32, #tpu.memory_space<vmem>>, vector<4000x128xf32>
    tpu.vector_store %arg4[%swap3A, %swap3A_11], %max3A_10 {strides = array<i32>} : memref<4000x128xf32, #tpu.memory_space<vmem>>, vector<4000x128xf32>,
    return
  }
  func.func @transform_0(%arg0: i32) -> (i32, i32) {
    %c0_i32 = arith.constant 0 : i32
    %c0_i32_0 = arith.constant 0 : i32
    return %arg0, %c0_i32 : i32, i32
  }
  func.func @transform_1(%arg0: i32) -> (i32, i32) {
    %c0_i32 = arith.constant 0 : i32
    %c0_i32_0 = arith.constant 0 : i32
    %c0_i32_1 = arith.constant 0 : i32
    return %c0_i32, %c0_i32_0 : i32, i32
  }
  func.func @transform_2(%arg0: i32) -> (i32, i32) {
    %c0_i32 = arith.constant 0 : i32
    %c0_i32_0 = arith.constant 0 : i32
    return %arg0, %c0_i32 : i32, i32
  }
  func.func @transform_3(%arg0: i32) -> (i32, i32) {
    %c0_i32 = arith.constant 0 : i32
    %c0_i32_0 = arith.constant 0 : i32
    return %arg0, %c0_i32 : i32, i32
  }
}

module attributes {stable_mosaic.version = 14 : i64} {
  func.func @_body(%arg0: i32, %arg1: memref<4000x16xf32, #tpu.memory_space<vmem>>, %arg2: memref<16x128xf32, #tpu.memory_space<vmem>>, %arg3: memref<4000x128xf32, #tpu.memory_space<vmem>>, %arg4: memref<320000x128xf32, #tpu.memory_space<any>>, %arg5: memref<4000x128xf32, #tpu.memory_space<vmem>>) attributes {dimension_semantics = [#tpu.dimension_semantics<arbitrary>], iteration_bounds = array<i64: 40>, scalar_prefetch = 0 : i64, scratch_operands = 0 : i64, tpu.core_type = #tpu.core_type<tc>, window_params = [{transform_indices = @transform_0, window_bounds = array<i64: 4000, 16>}, {pipeline_mode = #tpu.pipeline_mode<synchronous>, transform_indices = @transform_1, window_bounds = array<i64: 16, 128>}, {transform_indices = @transform_2, window_bounds = array<i64: 4000, 128>}, {}, {transform_indices = @transform_4, window_bounds = array<i64: 4000, 128>}]} {
    %get3A = arith.constant 0 : index
    %get3A_0 = arith.constant 0 : index
    %get3A_1 = vector.load %arg1[%get3A, %get3A_0] : memref<4000x16xf32, #tpu.memory_space<vmem>>, vector<4000x16xf32>
    %get3A_2 = arith.constant 0 : index
    %get3A_3 = arith.constant 0 : index
    %get3A_4 = vector.load %arg2[%get3A_2, %get3A_3] : memref<16x128xf32, #tpu.memory_space<vmem>>, vector<16x128xf32>
    %dot_general3A = arith.constant dense<0.000000e+00> : vector<4000x128xf32>
    %dot_general3A_5 = tpu.matmul %get3A_1, %get3A_4, %dot_general3A {dimension_numbers = #tpu.dot_dimension_numbers<[1], [0], [0], [1], [0, 0, 1, 1], [], []>, transpose_lhs_hint = false} : vector<4000x16xf32>, vector<16x128xf32>, vector<4000x128xf32> -> vector<4000x128xf32>
    %get3A_6 = arith.constant 0 : index
    %get3A_7 = arith.constant 0 : index
    %get3A_8 = vector.load %arg3[%get3A_6, %get3A_7] : memref<4000x128xf32, #tpu.memory_space<vmem>>, vector<4000x128xf32>
    %add3A = arith.addf %dot_general3A_5, %get3A_8 : vector<4000x128xf32>
    %max3A = arith.constant 0.000000e+00 : f32
    %max3A_9 = vector.broadcast %max3A : f32 to vector<4000x128xf32>
    %max3A_10 = arith.maximumf %add3A, %max3A_9 : vector<4000x128xf32>
    %swap3A = arith.constant 0 : index
    %swap3A_11 = arith.constant 0 : index
    %swap3A_12 = vector.load %arg5[%swap3A, %swap3A_11] : memref<4000x128xf32, #tpu.memory_space<vmem>>, vector<4000x128xf32>
    tpu.vector_store %arg5[%swap3A, %swap3A_11], %max3A_10 {strides = array<i32>} : memref<4000x128xf32, #tpu.memory_space<vmem>>, vector<4000x128xf32>,
    return
  }
  func.func @transform_0(%arg0: i32) -> (i32, i32) {
    %add3A = arith.constant 40 : i32
    %add3A_0 = arith.addi %add3A, %arg0 : i32
    %c0_i32 = arith.constant 0 : i32
    %c0_i32_1 = arith.constant 0 : i32
    return %add3A_0, %c0_i32 : i32, i32
  }
  func.func @transform_1(%arg0: i32) -> (i32, i32) {
    %c0_i32 = arith.constant 0 : i32
    %c0_i32_0 = arith.constant 0 : i32
    %c0_i32_1 = arith.constant 0 : i32
    return %c0_i32, %c0_i32_0 : i32, i32
  }
  func.func @transform_2(%arg0: i32) -> (i32, i32) {
    %c0_i32 = arith.constant 0 : i32
    %c0_i32_0 = arith.constant 0 : i32
    return %arg0, %c0_i32 : i32, i32
  }
  func.func @transform_4(%arg0: i32) -> (i32, i32) {
    %add3A = arith.constant 40 : i32
    %add3A_0 = arith.addi %add3A, %arg0 : i32
    %c0_i32 = arith.constant 0 : i32
    %c0_i32_1 = arith.constant 0 : i32
    return %add3A_0, %c0_i32 : i32, i32
  }
}

</mosaic_0001>

<sc_bundles>
// kernel: kernel.10.cloned.1.call-start
scs
__scs_entry_jumppad:
0x0: {  	(pc) =	sbr.rel $0x88, $3  }
0x1: {  	(tag) =	ssettag $0x0;
	lr =	simm.s32 $0x1  }
0x2: {  	[smem:$0x3F9A] =	sst lr;
	_ =	strace $0xD0000000  }
0x3: {  	_ = 	snop  }
0x4: {  	_ = 	snop  }
0x5: {  	_ = 	snop  }
0x6: {  	_ = 	snop  }
0x7: {  	_ = 	snop  }
__scs_overlays_trampoline_lowered:
0x8: {  	[smem:$0x3FA9] =	sst s0  }
0x9: {  	[smem:$0x3FAA] =	sst s1  }
0xa: {  	[smem:$0x3FAB] =	sst s2  }
0xb: {  	[smem:$0x3FAC] =	sst s3  }
0xc: {  	[smem:$0x3FAD] =	sst s4  }
0xd: {  	[smem:$0x3FAE] =	sst s5  }
0xe: {  	[smem:$0x3FAF] =	sst s6  }
0xf: {  	[smem:$0x3FB0] =	sst s7  }
0x10: {  	[smem:$0x3FB1] =	sst s8  }
0x11: {  	[smem:$0x3FB2] =	sst s9;
	s0 =	simm.s32 @!p0 $0x0  }
0x12: {  	s1 =	sld [smem:$0x3F98];
	s0 =	simm.s32 @p0 $0x1  }
0x13: {  	[smem:$0x3FB3] =	sst s0;
	s0 =	simm.s32 @!p1 $0x0  }
0x14: {  	s2 =	sld [smem:$0x3F97];
	s0 =	simm.s32 @p1 $0x1  }
0x15: {  	[smem:$0x3FB4] =	sst s0;
	s0 =	simm.s32 @!p2 $0x0  }
0x16: {  	s3 =	sld [smem:$0x3FDB];
	s0 =	simm.s32 @p2 $0x1  }
0x17: {  	s4 =	simm.s32 $0x1BF5;
	[smem:$0x3FB6] =	sst s0  }
0x18: {  	s0 =	sld [smem:$0x3F99];
	_ =	swait.ge [sflag:s4], $0x0  }
0x19: {  	s7 =	sld [smem:$0x3F9A]  }
0x1a: {  	s8 =	sadd.s32 $0xFFFFE003, lr  }
0x1b: {  	s9 =	sadd.s32 $0xFFFFFEF7, lr;
	s5 =	simm.s32 $0xFFFFFFFF;
	p2 =	slt.u32 s8, $0xFFFFF086  }
0x1c: {  	p1 =	slt.u32 s9, $0xF7A;
	s5 =	simm.s32 @!p2 $0x0  }
0x1d: {  	s5 =	simm.s32 @p1 $0x1;
	p0 =	seq.s32 s7, s2  }
0x1e: {  	s7 =	smul.u32 @!p0 $0xF7A, s2;
	p2 =	seq.s32 @!p0 s5, $0x0  }
0x1f: {  	s9 =	smul.u32 $0xF7A, s1;
	s8 =	simm.s32 @!p0 $0x1BF5;
	p2 =	por !p2, p0  }
0x20: {  	[sflag:s8] =	ssyncset.s32 @!p0 $0xFFFFF086;
	s6 =	sadd.s32 @!p0 s3, s7;
	s7 =	simm.s32 @!p0 $0x108  }
0x21: {  	s3 =	sadd.s32 s3, s9;
	s6 =	sadd.s32 @!p0 $0x88, s6;
	s7 =	simm.s32 @p2 $0x1082  }
0x22: {  	[simem:s7], [sflag:s8] =	dma.local @!p0 [hbm:s6], $0xF7A  }
0x23: {  	s9 =	sor.u32 $0xD0000000, s2;
	s6 =	simm.s32 $0x108;
	_ =	swait.ge @!p0 [sflag:s8], $0x0  }
0x24: {  	s3 =	sadd.s32 $0x88, s3;
	s6 =	simm.s32 @!p1 $0x1082;
	[sflag:s4] =	ssyncset.s32 $0xFFFFF086  }
0x25: {  	[simem:s6], [sflag:s4] =	dma.local [hbm:s3], $0xF7A  }
0x26: {  	[smem:$0x3F9A] =	sst s1;
	(tag) =	ssettag s2;
	_ =	strace s9  }
0x27: {  	s1 =	sld [smem:$0x3FAA]  }
0x28: {  	s2 =	sld [smem:$0x3FAB]  }
0x29: {  	s4 =	sld [smem:$0x3FAD]  }
0x2a: {  	p0 =	seq.s32 s5, $0x0;
	s5 =	sld [smem:$0x3FAE]  }
0x2b: {  	s6 =	sld [smem:$0x3FAF]  }
0x2c: {  	s7 =	sld [smem:$0x3FB0]  }
0x2d: {  	s3 =	simm.s32 $0x108;
	s8 =	sld [smem:$0x3FB1]  }
0x2e: {  	s3 =	simm.s32 @!p0 $0x1082;
	s9 =	sld [smem:$0x3FB2]  }
0x2f: {  	lr =	sadd.s32 s0, s3;
	s0 =	sld [smem:$0x3FA9]  }
0x30: {  	s3 =	sld [smem:$0x3FAC]  }
0x31: {  	[smem:$0x3FB5] =	sst s10  }
0x32: {  	s10 =	sld [smem:$0x3FB3];
	_ =	sdelay $0x3  }
0x33: {  	p0 =	seq.s32 s10, $0x1;
	s10 =	sld [smem:$0x3FB5];
	_ =	sdelay $0x3  }
0x34: {  	[smem:$0x3FB5] =	sst s10  }
0x35: {  	s10 =	sld [smem:$0x3FB4];
	_ =	sdelay $0x3  }
0x36: {  	p1 =	seq.s32 s10, $0x1;
	s10 =	sld [smem:$0x3FB5];
	_ =	sdelay $0x3  }
0x37: {  	[smem:$0x3FB5] =	sst s10  }
0x38: {  	s10 =	sld [smem:$0x3FB6]  }
0x39: {  	_ = 	snop;
	(pc) =	sbr.ind lr, $3  }
0x3a: {  	_ = 	snop  }
0x3b: {  	_ = 	snop  }
0x3c: {  	p2 =	seq.s32 s10, $0x1;
	s10 =	sld [smem:$0x3FB5]  }
0x3d: {  	_ =	shalt  }
0x3e: {  	_ =	shalt  }
0x3f: {  	_ =	shalt  }
0x40: {  	_ =	shalt  }
0x41: {  	_ =	shalt  }
0x42: {  	_ =	shalt  }
0x43: {  	_ =	shalt  }
0x44: {  	_ =	shalt  }
0x45: {  	_ =	shalt  }
0x46: {  	_ =	shalt  }
0x47: {  	_ =	shalt  }
0x48: {  	_ =	shalt  }
0x49: {  	_ =	shalt  }
0x4a: {  	_ =	shalt  }
0x4b: {  	_ =	shalt  }
0x4c: {  	_ =	shalt  }
0x4d: {  	_ =	shalt  }
0x4e: {  	_ =	shalt  }
0x4f: {  	_ =	shalt  }
0x50: {  	_ =	shalt  }
0x51: {  	_ =	shalt  }
0x52: {  	_ =	shalt  }
0x53: {  	_ =	shalt  }
0x54: {  	_ =	shalt  }
0x55: {  	_ =	shalt  }
0x56: {  	_ =	shalt  }
0x57: {  	_ =	shalt  }
0x58: {  	_ =	shalt  }
0x59: {  	_ =	shalt  }
0x5a: {  	_ =	shalt  }
0x5b: {  	_ =	shalt  }
0x5c: {  	_ =	shalt  }
0x5d: {  	_ =	shalt  }
0x5e: {  	_ =	shalt  }
0x5f: {  	_ =	shalt  }
0x60: {  	_ =	shalt  }
0x61: {  	_ =	shalt  }
0x62: {  	_ =	shalt  }
0x63: {  	_ =	shalt  }
0x64: {  	_ =	shalt  }
0x65: {  	_ =	shalt  }
0x66: {  	_ =	shalt  }
0x67: {  	_ =	shalt  }
0x68: {  	_ =	shalt  }
0x69: {  	_ =	shalt  }
0x6a: {  	_ =	shalt  }
0x6b: {  	_ =	shalt  }
0x6c: {  	_ =	shalt  }
0x6d: {  	_ =	shalt  }
0x6e: {  	_ =	shalt  }
0x6f: {  	_ =	shalt  }
0x70: {  	_ =	shalt  }
0x71: {  	_ =	shalt  }
0x72: {  	_ =	shalt  }
0x73: {  	_ =	shalt  }
0x74: {  	_ =	shalt  }
0x75: {  	_ =	shalt  }
0x76: {  	_ =	shalt  }
0x77: {  	_ =	shalt  }
0x78: {  	_ =	shalt  }
0x79: {  	_ =	shalt  }
0x7a: {  	_ =	shalt  }
0x7b: {  	_ =	shalt  }
0x7c: {  	_ =	shalt  }
0x7d: {  	_ =	shalt  }
0x7e: {  	_ =	shalt  }
0x7f: {  	_ =	shalt  }
0x80: {  	_ =	shalt  }
0x81: {  	_ =	shalt  }
0x82: {  	_ =	shalt  }
0x83: {  	_ =	shalt  }
0x84: {  	_ =	shalt  }
0x85: {  	_ =	shalt  }
0x86: {  	_ =	shalt  }
0x87: {  	_ =	shalt  }
.Lfunc_end0:
.L_simem_size_0:
called_computation.1_lowered:
.L_overlay_start_0:
0x88: {  	s2 =	sld [smem:$0x3FD9]  }
0x89: {  	s3 =	sld [smem:$0x3FFE];
	_ =	sdelay $0x1  }
0x8a: {  	s1 =	srdreg.scid  }
0x8b: {  	s0 =	sand.u32 $0x1, s1  }
0x8c: {  	s17 =	sshll.u32 s0, $0xA;
	s2 =	sadd.s32 s3, s2  }
0x8d: {  	s2 =	sadd.s32 s2, s17  }
0x8e: {  	[smem:$0x3FC1] =	sst s2  }
0x8f: {  	_ = 	snop  }
0x90: {  	(tm) =	ssettm $0x1  }
0x91: {  	s18 =	sld [smem:$0x3FFB];
	_ =	sdelay $0x3  }
0x92: {  	_ =	strace s18  }
0x93: {  	s2 =	sld [smem:$0x3FFC];
	_ =	sdelay $0x3  }
0x94: {  	_ =	strace s2  }
0x95: {  	s2 =	sld [smem:$0x3FFD];
	_ =	sdelay $0x3  }
0x96: {  	_ =	strace s2  }
0x97: {  	_ =	strace $0x8FFFFFFF  }
0x98: {  	s19 =	sld [smem:$0x3FDB];
	_ =	sdelay $0x1  }
0x99: {  	s20 =	simm.s32 $_scs_section_size  }
0x9a: {  	s4 =	simm.s32 $_size__tile_overlayer_lowered;
	s5 =	simm.s32 $_tile_overlayer_lowered  }
0x9b: {  	s6 =	simm.s32 $0x1BFF;
	s21 =	sshll.u32 s5, $0x1;
	s3 =	sadd.s32 s20, s19  }
0x9c: {  	s22 =	simm.s32 $0x0;
	s4 =	sshll.u32 s4, $0x1;
	s5 =	sadd.s32 s21, s3  }
0x9d: {  	[timem:s22], [sflag:s6] =	dma.local [hbm:s5], s4  }
0x9e: {  	_ =	swait.ge [sflag:s6], s4  }
0x9f: {  	s4 =	ssub.s32 $0x0, s4;
	[sflag:s6] =	ssyncset.done $0x0  }
0xa0: {  	[sflag:s6] =	ssyncadd.s32 s4;
	_ =	sdelay $0x1  }
0xa1: {  	s23 =	simm.s32 $0x1B8B  }
0xa2: {  	_ =	swait.ge [sflag:s23], $0x1  }
0xa3: {  	[sflag:s23] =	ssyncset.done $0x0  }
0xa4: {  	[sflag:s23] =	ssyncadd.s32 $0xFFFFFFFF  }
0xa5: {  	s4 =	sld [smem:$0x0]  }
0xa6: {  	s5 =	sand.u32 $0xFFFFFFFE, s1  }
0xa7: {  	p0 =	sne.s32 s1, s5  }
0xa8: {  	s5 =	sshll.u32 @p0 s5, $0xE  }
0xa9: {  	s5 =	sadd.s32 @p0 $0x11B8D, s5;
	s6 =	sshll.u32 @p0 s4, $0x11  }
0xaa: {  	s5 =	sor.u32 @p0 s6, s5  }
0xab: {  	[sflag:s5] =	ssyncadd.remote.s32 @p0 $0x1;
	_ =	sdelay $0x1  }
0xac: {  	s5 =	simm.s32 @p0 $0x1B8D  }
0xad: {  	_ =	swait.eq @p0 [sflag:s5], $0x1  }
0xae: {  	[sflag:s5] =	ssyncadd.s32 @p0 $0xFFFFFFFF  }
0xaf: {  	s6 =	sshll.u32 @!p0 s1, $0xE  }
0xb0: {  	s6 =	sor.u32 @!p0 $0x4000, s6;
	s5 =	simm.s32 @!p0 $0x1B8D  }
0xb1: {  	s4 =	sshll.u32 @!p0 s4, $0x11;
	s6 =	sadd.s32 @!p0 $0x11B8D, s6;
	_ =	swait.eq @!p0 [sflag:s5], $0x1  }
0xb2: {  	s4 =	sor.u32 @!p0 s4, s6;
	[sflag:s5] =	ssyncadd.s32 @!p0 $0xFFFFFFFF  }
0xb3: {  	s25 =	simm.s32 $0x1B8E;
	s24 =	sld [smem:$0x3FFE];
	[sflag:s4] =	ssyncadd.remote.s32 @!p0 $0x1  }
0xb4: {  	s26 =	simm.s32 $execute0_lowered;
	[smem:$0x3FD2] =	sst s25  }
0xb5: {  	s5 =	sshll.u32 s26, $0x1;
	_ =	strace $0x80000049;
	[dreg:$0x1] =	wrdreg $0xFFFFFFFF  }
0xb6: {  	s28 =	simm.s32 $_size_execute0_lowered;
	s3 =	sadd.s32 s3, s5;
	[dreg:$0x0] =	wrdreg $0x0  }
0xb7: {  	s5 =	sshll.u32 s28, $0x1;
	[dreg:$0x2] =	wrdreg s3  }
0xb8: {  	[dreg:$0x3] =	wrdreg s5  }
0xb9: {  	[dreg:$0x4] =	wrdreg $0xC0  }
0xba: {  	_ =	task [dreg:s22], $0x5FFFF  }
0xbb: {  	[dreg:$0x1] =	wrdreg $0xFFFFFFFF  }
0xbc: {  	[dreg:$0x0] =	wrdreg $0x60  }
0xbd: {  	[dreg:$0x2] =	wrdreg s24  }
0xbe: {  	[dreg:$0x3] =	wrdreg $0xA  }
0xbf: {  	_ =	task.clear_ibuf [dreg:s22], $0x4FFFF;
	_ =	strace $0x90000049  }
0xc0: {  	s29 =	simm.s32 $0xA;
	_ =	strace $0x8000004B  }
0xc1: {  	_ =	swait.ge [sflag:s29], $0x1  }
0xc2: {  	[sflag:s29] =	ssyncadd.s32 $0xFFFFFFFF  }
0xc3: {  	_ =	strace $0x9000004B  }
0xc4: {  	_ =	sfence  }
0xc5: {  	s30 =	sld [smem:$0x0];
	_ =	sdelay $0x2  }
0xc6: {  	s31 =	sshll.u32 s1, $0xD;
	s1 =	sshrl.u32 s1, $0x2  }
0xc7: {  	s4 =	sand.u32 $0x4000, s31;
	s1 =	sadd.s32 s1, s30  }
0xc8: {  	s0 =	sor.u32 s4, s0;
	s1 =	sshll.u32 s1, $0x11  }
0xc9: {  	s0 =	sor.u32 s1, s0  }
0xca: {  	s0 =	sadd.s32 $0x8F2B, s0  }
0xcb: {  	[sflag:s0] =	ssyncadd.remote.s32 $0x1  }
0xcc: {  	_ =	sfence.sel $0xFFFF  }
0xcd: {  	[dreg:$0x0] =	wrdreg $0xFFFFFFFF;
	(pc) =	sbr.abs _section_cstart, $3  }
0xce: {  	[dreg:$0x1] =	wrdreg $0xFFFFFFFF  }
0xcf: {  	_ =	task.clear_ibuf [dreg:s22], $0x2FFFF;
	_ =	strace $0x9FFFFFFF  }
0xd0: {  	(tm) =	ssettm $0x7FFFFFFF  }
0xd1: {  	_ =	shalt  }
tec
execute0_lowered:
.L_overlay_start_1:
0x0: {  	(tag) =	ssettag $0x1  }
0x1: {  	s0 =	srdreg.scid  }
0x2: {  	s2 =	stileid.u32;
	s1 =	rddreg [dreg:$0x0];
	s11 =	simm.s32 $0x7  }
0x3: {  	s13 =	simm.s32 $0x28;
	s14 =	simm.s32 $0x2800;
	s15 =	simm.s32 $0x5000  }
0x4: {  	s16 =	simm.s32 $0x3C00;
	s17 =	simm.s32 $0x6400;
	s18 =	simm.s32 $0x1  }
0x5: {  	s19 =	simm.s32 $0x3;
	s20 =	simm.s32 $0x7800;
	s21 =	simm.s32 $0x2  }
0x6: {  	s22 =	simm.s32 $0x4;
	s0 =	sand.u32 $0x1, s0;
	s3 =	sshll.u32 s2, $0x1  }
0x7: {  	s23 =	simm.s32 $0x8C00;
	s24 =	simm.s32 $0x5;
	s5 =	sor.u32 s0, s3  }
0x8: {  	s25 =	simm.s32 $0x6;
	s2 =	simm.s32 $0x0;
	s3 =	smul.u32 $0x1388, s5  }
0x9: {  	s4 =	sadd.s32 $0x10A00, s1;
	[smem:$0x7FF] =	sst s2;
	s0 =	ssub.s32 $0x2, s0  }
0xa: {  	_ =	strace $0x8000004A;
	s7 =	smul.u32 $0x9C400, s5;
	s6 =	sshrl.u32 s3, $0x3  }
0xb: {  	s5 =	sadd.s32 $0x37C00, s1;
	s9 =	sshrl.u32 s0, $0x1;
	s8 =	sadd.s32 s6, s1  }
0xc: {  	s29 =	sshrl.u32 s7, $0x3;
	s6 =	sadd.s32 $0x2CFE00, s1;
	s30 =	sadd.s32 $0xBA00, s8  }
0xd: {  	s31 =	sadd.s32 $0x6A00, s8;
	s1 =	sadd.s32 s6, s29;
	[dreg:$0x2] =	wrdreg s30  }
0xe: {  	s0 =	ssub.s32 s0, s9;
	[dreg:$0x3] =	wrdreg s31;
	s1 =	sadd.s32 $0x13600, s1  }
0xf: {  	s26 =	simm.s32 $0x0;
	s10 =	smax.u32 s0, $0x1;
	[dreg:$0x4] =	wrdreg s1  }
.LBB2_1:
0x10: {  	s0 =	rddreg [dreg:$0x2]  }
0x11: {  	[tilespmem:s2], [sflag:$0x7] =	stream.linear.gather [hbm4b:s0+s2], $0x1388, $0x38;
	[tilespmem:$0xA000] =	vst v63  }
0x12: {  	_ =	swait.ge [sflag:s11], $0x1388  }
0x13: {  	[sflag:s11] =	ssyncset.done $0x0  }
0x14: {  	s1 =	simm.s32 $0x1400;
	s31 =	rddreg [dreg:$0x3];
	[sflag:s11] =	ssyncadd.s32 $0xFFFFEC78  }
0x15: {  	[tilespmem:s1], [sflag:$0x7] =	stream.linear.gather [hbm4b:s31+s2], $0x1388, $0x38;
	[tilespmem:$0xA000] =	vst v63  }
0x16: {  	_ =	swait.ge [sflag:s11], $0x1388  }
0x17: {  	[sflag:s11] =	ssyncset.done $0x0  }
0x18: {  	[sflag:s11] =	ssyncadd.s32 $0xFFFFEC78  }
0x19: {  	[tilespmem:s14], [sflag:$0x1] =	stream.indirect.gather [hbm4b:s4+s13], $0x80, s2, s13, $0xb8;
	[tilespmem:$0xA000] =	vst v63  }
0x1a: {  	s28 =	simm.s32 $0x0  }
0x1b: {  	[tilespmem:s15], [sflag:$0x3] =	stream.indirect.gather [hbm4b:s5+s13], $0x80, s1, s13, $0xb8;
	[tilespmem:$0xA000] =	vst v63  }
.LBB2_2:
0x1c: {  	s30 =	smul.u32 $0x50, s28;
	_ =	sdelay $0x1  }
0x1d: {  	s29 =	sadd.s32 $0x28, s30  }
0x1e: {  	[tilespmem:s16], [sflag:$0x2] =	stream.indirect.gather [hbm4b:s4+s13], $0x80, s29, s13, $0xb8;
	[tilespmem:$0xA000] =	vst v63  }
0x1f: {  	s0 =	sadd.s32 $0x1428, s30  }
0x20: {  	[tilespmem:s17], [sflag:$0x4] =	stream.indirect.gather [hbm4b:s5+s13], $0x80, s0, s13, $0xb8;
	[tilespmem:$0xA000] =	vst v63  }
0x21: {  	_ =	swait.ge [sflag:s18], $0x1400  }
0x22: {  	[sflag:s18] =	ssyncset.done $0x0  }
0x23: {  	[sflag:s18] =	ssyncadd.s32 $0xFFFFEC00  }
0x24: {  	_ =	swait.ge [sflag:s19], $0x1400  }
0x25: {  	p0 =	seq.s32 s28, $0x0;
	[sflag:s19] =	ssyncset.done $0x0  }
0x26: {  	s0 =	simm.s32 @!p0 $0x5;
	[sflag:s19] =	ssyncadd.s32 $0xFFFFEC00  }
0x27: {  	_ =	swait.ge @!p0 [sflag:s0], $0x1400  }
0x28: {  	[sflag:s0] =	ssyncset.done @!p0 $0x0  }
0x29: {  	s31 =	simm.s32 $0x2900;
	[sflag:s0] =	ssyncadd.s32 @!p0 $0xFFFFEC00  }
0x2a: {  	s1 =	simm.s32 $0x5100;
	v0 =	vld [tilespmem:s31+$0x80]  }
0x2b: {  	v1 =	vld [tilespmem:s1+$0x80];
	_ =	sdelay $0x2  }
0x2c: {  	v2 =	vld [tilespmem:s31+$0xFFFFFF80]  }
0x2d: {  	v3 =	vld [tilespmem:s1+$0xFFFFFF80]  }
0x2e: {  	v4 =	vld [tilespmem:s1+$0xFFFFFF00];
	v0 =	vadd.f32 v1, v0  }
0x2f: {  	s0 =	simm.s32 $0x7900;
	v1 =	vld [tilespmem:s31+$0xFFFFFF00]  }
0x30: {  	[tilespmem:s0+$0x80] =	vst v0  }
0x31: {  	v0 =	vld [tilespmem:s31+$0x90]  }
0x32: {  	v2 =	vadd.f32 v3, v2;
	v3 =	vld [tilespmem:s1+$0x90]  }
0x33: {  	v5 =	vld [tilespmem:s31+$0x0]  }
0x34: {  	v6 =	vld [tilespmem:s1+$0x0];
	[tilespmem:s0+$0xFFFFFF80] =	vst v2;
	v1 =	vadd.f32 v4, v1  }
0x35: {  	v2 =	vld [tilespmem:s31+$0xFFFFFF90]  }
0x36: {  	v4 =	vld [tilespmem:s1+$0xFFFFFF90];
	[tilespmem:s0+$0xFFFFFF00] =	vst v1  }
0x37: {  	v1 =	vld [tilespmem:s31+$0xFFFFFF10];
	v0 =	vadd.f32 v3, v0  }
0x38: {  	v3 =	vld [tilespmem:s1+$0xFFFFFF10]  }
0x39: {  	v5 =	vadd.f32 v6, v5;
	[tilespmem:s0+$0x90] =	vst v0  }
0x3a: {  	v0 =	vld [tilespmem:s31+$0xA0]  }
0x3b: {  	[tilespmem:s0+$0x0] =	vst v5;
	v2 =	vadd.f32 v4, v2;
	v4 =	vld [tilespmem:s1+$0xA0]  }
0x3c: {  	v5 =	vld [tilespmem:s31+$0x10]  }
0x3d: {  	v6 =	vld [tilespmem:s1+$0x10];
	[tilespmem:s0+$0xFFFFFF90] =	vst v2;
	v1 =	vadd.f32 v3, v1  }
0x3e: {  	v2 =	vld [tilespmem:s31+$0xFFFFFFA0]  }
0x3f: {  	v3 =	vld [tilespmem:s1+$0xFFFFFFA0];
	[tilespmem:s0+$0xFFFFFF10] =	vst v1  }
0x40: {  	v1 =	vld [tilespmem:s31+$0xFFFFFF20];
	v0 =	vadd.f32 v4, v0  }
0x41: {  	v4 =	vld [tilespmem:s1+$0xFFFFFF20]  }
0x42: {  	v5 =	vadd.f32 v6, v5;
	[tilespmem:s0+$0xA0] =	vst v0  }
0x43: {  	v0 =	vld [tilespmem:s31+$0xB0]  }
0x44: {  	[tilespmem:s0+$0x10] =	vst v5;
	v2 =	vadd.f32 v3, v2;
	v3 =	vld [tilespmem:s1+$0xB0]  }
0x45: {  	v5 =	vld [tilespmem:s31+$0x20]  }
0x46: {  	[tilespmem:s0+$0xFFFFFFA0] =	vst v2;
	v2 =	vld [tilespmem:s1+$0x20];
	v1 =	vadd.f32 v4, v1  }
0x47: {  	v4 =	vld [tilespmem:s31+$0xFFFFFFB0]  }
0x48: {  	v6 =	vld [tilespmem:s1+$0xFFFFFFB0];
	[tilespmem:s0+$0xFFFFFF20] =	vst v1  }
0x49: {  	v1 =	vld [tilespmem:s31+$0xFFFFFF30];
	v0 =	vadd.f32 v3, v0  }
0x4a: {  	v3 =	vld [tilespmem:s1+$0xFFFFFF30]  }
0x4b: {  	v2 =	vadd.f32 v2, v5;
	[tilespmem:s0+$0xB0] =	vst v0  }
0x4c: {  	v0 =	vld [tilespmem:s31+$0xC0]  }
0x4d: {  	v4 =	vadd.f32 v6, v4;
	[tilespmem:s0+$0x20] =	vst v2;
	v2 =	vld [tilespmem:s1+$0xC0]  }
0x4e: {  	v5 =	vld [tilespmem:s31+$0x30]  }
0x4f: {  	[tilespmem:s0+$0xFFFFFFB0] =	vst v4;
	v1 =	vadd.f32 v3, v1;
	v3 =	vld [tilespmem:s1+$0x30]  }
0x50: {  	v4 =	vld [tilespmem:s31+$0xFFFFFFC0]  }
0x51: {  	[tilespmem:s0+$0xFFFFFF30] =	vst v1;
	v1 =	vld [tilespmem:s1+$0xFFFFFFC0]  }
0x52: {  	v6 =	vld [tilespmem:s31+$0xFFFFFF40];
	v0 =	vadd.f32 v2, v0  }
0x53: {  	v2 =	vld [tilespmem:s1+$0xFFFFFF40]  }
0x54: {  	v3 =	vadd.f32 v3, v5;
	[tilespmem:s0+$0xC0] =	vst v0  }
0x55: {  	v0 =	vld [tilespmem:s31+$0xD0]  }
0x56: {  	v1 =	vadd.f32 v1, v4;
	[tilespmem:s0+$0x30] =	vst v3;
	v3 =	vld [tilespmem:s1+$0xD0]  }
0x57: {  	v4 =	vld [tilespmem:s31+$0x40]  }
0x58: {  	v2 =	vadd.f32 v2, v6;
	[tilespmem:s0+$0xFFFFFFC0] =	vst v1;
	v1 =	vld [tilespmem:s1+$0x40]  }
0x59: {  	v5 =	vld [tilespmem:s31+$0xFFFFFFD0]  }
0x5a: {  	[tilespmem:s0+$0xFFFFFF40] =	vst v2;
	v2 =	vld [tilespmem:s1+$0xFFFFFFD0]  }
0x5b: {  	v6 =	vld [tilespmem:s31+$0xFFFFFF50];
	v0 =	vadd.f32 v3, v0  }
0x5c: {  	v3 =	vld [tilespmem:s1+$0xFFFFFF50]  }
0x5d: {  	v1 =	vadd.f32 v1, v4;
	[tilespmem:s0+$0xD0] =	vst v0  }
0x5e: {  	v7 =	vld [tilespmem:s31+$0xE0]  }
0x5f: {  	v0 =	vadd.f32 v2, v5;
	v5 =	vld [tilespmem:s1+$0xE0];
	[tilespmem:s0+$0x40] =	vst v1  }
0x60: {  	v1 =	vld [tilespmem:s31+$0x50]  }
0x61: {  	v2 =	vadd.f32 v3, v6;
	[tilespmem:s0+$0xFFFFFFD0] =	vst v0;
	v4 =	vld [tilespmem:s1+$0x50]  }
0x62: {  	v0 =	vld [tilespmem:s31+$0xFFFFFFE0]  }
0x63: {  	v3 =	vld [tilespmem:s1+$0xFFFFFFE0];
	[tilespmem:s0+$0xFFFFFF50] =	vst v2  }
0x64: {  	s7 =	simm.s32 $0x0;
	v2 =	vld [tilespmem:s31+$0xFFFFFF60];
	v6 =	vadd.f32 v5, v7  }
0x65: {  	s8 =	simm.s32 $0x2B00;
	s9 =	simm.s32 $0x5100;
	s12 =	simm.s32 $0x7900;
	v5 =	vld [tilespmem:s1+$0xFFFFFF60]  }
.LBB2_3:
0x66: {  	v7 =	vld [tilespmem:s8+$0x80];
	v1 =	vadd.f32 v4, v1;
	[tilespmem:s0+$0xE0] =	vst v6  }
0x67: {  	v4 =	vld [tilespmem:s31+$0xF0]  }
0x68: {  	s9 =	sadd.s32 $0x200, s9;
	v0 =	vadd.f32 v3, v0;
	[tilespmem:s0+$0x50] =	vst v1;
	v1 =	vld [tilespmem:s1+$0xF0]  }
0x69: {  	v3 =	vld [tilespmem:s9+$0x80]  }
0x6a: {  	v6 =	vld [tilespmem:s9+$0xFFFFFF00];
	v2 =	vadd.f32 v5, v2;
	[tilespmem:s0+$0xFFFFFFE0] =	vst v0  }
0x6b: {  	v0 =	vld [tilespmem:s8+$0xFFFFFF80]  }
0x6c: {  	v5 =	vld [tilespmem:s9+$0xFFFFFF80];
	[tilespmem:s0+$0xFFFFFF60] =	vst v2  }
0x6d: {  	v2 =	vld [tilespmem:s8+$0x0];
	v1 =	vadd.f32 v1, v4  }
0x6e: {  	v4 =	vld [tilespmem:s9+$0x0];
	v3 =	vadd.f32 v3, v7  }
0x6f: {  	s0 =	sadd.s32 $0x200, s0;
	v7 =	vld [tilespmem:s8+$0xFFFFFF00];
	[tilespmem:s12+$0xF0] =	vst v1  }
0x70: {  	s7 =	sadd.s32 $0x4, s7;
	[tilespmem:s0+$0x80] =	vst v3;
	v1 =	vld [tilespmem:s31+$0x60]  }
0x71: {  	p1 =	slt.u32 s7, $0x24;
	v0 =	vadd.f32 v5, v0;
	v3 =	vld [tilespmem:s8+$0x90]  }
0x72: {  	v5 =	vld [tilespmem:s9+$0x90]  }
0x73: {  	[tilespmem:s0+$0xFFFFFF80] =	vst v0;
	v0 =	vadd.f32 v4, v2;
	v2 =	vld [tilespmem:s1+$0x60]  }
0x74: {  	v4 =	vadd.f32 v6, v7;
	v6 =	vld [tilespmem:s8+$0xFFFFFF90]  }
0x75: {  	v7 =	vld [tilespmem:s9+$0xFFFFFF90];
	[tilespmem:s0+$0x0] =	vst v0  }
0x76: {  	[tilespmem:s0+$0xFFFFFF00] =	vst v4;
	v0 =	vld [tilespmem:s8+$0x10]  }
0x77: {  	v4 =	vld [tilespmem:s8+$0xFFFFFF10];
	v3 =	vadd.f32 v5, v3  }
0x78: {  	v5 =	vld [tilespmem:s9+$0xFFFFFF10];
	v1 =	vadd.f32 v2, v1  }
0x79: {  	v2 =	vld [tilespmem:s9+$0x10];
	[tilespmem:s0+$0x90] =	vst v3  }
0x7a: {  	v3 =	vadd.f32 v7, v6;
	v6 =	vld [tilespmem:s8+$0xA0];
	[tilespmem:s12+$0x60] =	vst v1  }
0x7b: {  	v1 =	vld [tilespmem:s9+$0xA0]  }
0x7c: {  	[tilespmem:s0+$0xFFFFFF90] =	vst v3;
	v3 =	vld [tilespmem:s31+$0xFFFFFF70]  }
0x7d: {  	v4 =	vadd.f32 v5, v4;
	v5 =	vld [tilespmem:s8+$0xFFFFFFA0]  }
0x7e: {  	v7 =	vld [tilespmem:s9+$0xFFFFFFA0];
	v0 =	vadd.f32 v2, v0  }
0x7f: {  	[tilespmem:s0+$0xFFFFFF10] =	vst v4;
	v2 =	vld [tilespmem:s1+$0xFFFFFF70]  }
0x80: {  	v4 =	vld [tilespmem:s8+$0xFFFFFF20];
	[tilespmem:s0+$0x10] =	vst v0;
	v0 =	vadd.f32 v1, v6  }
0x81: {  	v1 =	vld [tilespmem:s9+$0xFFFFFF20]  }
0x82: {  	v6 =	vld [tilespmem:s8+$0x20];
	[tilespmem:s0+$0xA0] =	vst v0  }
0x83: {  	v0 =	vadd.f32 v7, v5;
	v5 =	vld [tilespmem:s8+$0xB0]  }
0x84: {  	v7 =	vld [tilespmem:s9+$0xB0];
	v2 =	vadd.f32 v2, v3  }
0x85: {  	[tilespmem:s0+$0xFFFFFFA0] =	vst v0;
	v0 =	vld [tilespmem:s9+$0x20]  }
0x86: {  	v1 =	vadd.f32 v1, v4;
	v3 =	vld [tilespmem:s8+$0xFFFFFFB0];
	[tilespmem:s12+$0xFFFFFF70] =	vst v2  }
0x87: {  	v2 =	vld [tilespmem:s9+$0xFFFFFFB0]  }
0x88: {  	[tilespmem:s0+$0xFFFFFF20] =	vst v1;
	v1 =	vld [tilespmem:s31+$0xFFFFFFF0]  }
0x89: {  	v4 =	vld [tilespmem:s8+$0xFFFFFF30];
	v5 =	vadd.f32 v7, v5  }
0x8a: {  	v7 =	vld [tilespmem:s9+$0xFFFFFF30];
	v0 =	vadd.f32 v0, v6  }
0x8b: {  	[tilespmem:s0+$0xB0] =	vst v5;
	v5 =	vld [tilespmem:s1+$0xFFFFFFF0]  }
0x8c: {  	v2 =	vadd.f32 v2, v3;
	[tilespmem:s0+$0x20] =	vst v0;
	v0 =	vld [tilespmem:s8+$0xC0]  }
0x8d: {  	v3 =	vld [tilespmem:s9+$0xC0]  }
0x8e: {  	[tilespmem:s0+$0xFFFFFFB0] =	vst v2;
	v2 =	vld [tilespmem:s8+$0x30]  }
0x8f: {  	v4 =	vadd.f32 v7, v4;
	v6 =	vld [tilespmem:s9+$0x30]  }
0x90: {  	v7 =	vld [tilespmem:s8+$0xFFFFFFC0];
	v1 =	vadd.f32 v5, v1  }
0x91: {  	[tilespmem:s0+$0xFFFFFF30] =	vst v4;
	v4 =	vld [tilespmem:s9+$0xFFFFFFC0]  }
0x92: {  	v5 =	vld [tilespmem:s8+$0xFFFFFF40];
	v0 =	vadd.f32 v3, v0;
	[tilespmem:s12+$0xFFFFFFF0] =	vst v1  }
0x93: {  	v1 =	vld [tilespmem:s9+$0xFFFFFF40]  }
0x94: {  	v2 =	vadd.f32 v6, v2;
	[tilespmem:s0+$0xC0] =	vst v0;
	v3 =	vld [tilespmem:s31+$0x70];
	s31 =	smov.u32 s8  }
0x95: {  	v0 =	vld [tilespmem:s8+$0xD0]  }
0x96: {  	v4 =	vadd.f32 v4, v7;
	[tilespmem:s0+$0x30] =	vst v2;
	v2 =	vld [tilespmem:s9+$0xD0]  }
0x97: {  	v6 =	vld [tilespmem:s8+$0x40]  }
0x98: {  	v1 =	vadd.f32 v1, v5;
	[tilespmem:s0+$0xFFFFFFC0] =	vst v4;
	v4 =	vld [tilespmem:s9+$0x40]  }
0x99: {  	v5 =	vld [tilespmem:s8+$0xFFFFFFD0]  }
0x9a: {  	[tilespmem:s0+$0xFFFFFF40] =	vst v1;
	v1 =	vld [tilespmem:s9+$0xFFFFFFD0]  }
0x9b: {  	v7 =	vld [tilespmem:s8+$0xFFFFFF50];
	v0 =	vadd.f32 v2, v0  }
0x9c: {  	v2 =	vld [tilespmem:s9+$0xFFFFFF50]  }
0x9d: {  	v4 =	vadd.f32 v4, v6;
	[tilespmem:s0+$0xD0] =	vst v0;
	v6 =	vld [tilespmem:s1+$0x70];
	s1 =	smov.u32 s9  }
0x9e: {  	v8 =	vld [tilespmem:s8+$0xE0]  }
0x9f: {  	v0 =	vadd.f32 v1, v5;
	[tilespmem:s0+$0x40] =	vst v4;
	v5 =	vld [tilespmem:s9+$0xE0]  }
0xa0: {  	v1 =	vld [tilespmem:s8+$0x50]  }
.Ltmp0:
0xa1: {  	v2 =	vadd.f32 v2, v7;
	[tilespmem:s0+$0xFFFFFFD0] =	vst v0;
	v4 =	vld [tilespmem:s9+$0x50];
	(pc) =	sbr.rel @p1 .LBB2_3-.Ltmp0, $4  }
0xa2: {  	v0 =	vld [tilespmem:s8+$0xFFFFFFE0];
	v7 =	vadd.f32 v6, v3  }
0xa3: {  	[tilespmem:s0+$0xFFFFFF50] =	vst v2;
	v3 =	vld [tilespmem:s9+$0xFFFFFFE0]  }
0xa4: {  	v2 =	vld [tilespmem:s8+$0xFFFFFF60];
	v6 =	vadd.f32 v5, v8;
	[tilespmem:s12+$0x70] =	vst v7;
	s12 =	smov.u32 s0  }
0xa5: {  	s8 =	sadd.s32 $0x200, s8;
	v5 =	vld [tilespmem:s9+$0xFFFFFF60]  }
0xa6: {  	v1 =	vadd.f32 v4, v1;
	_ =	sdelay $0x1  }
0xa7: {  	[tilespmem:s0+$0x50] =	vst v1  }
0xa8: {  	v1 =	vld [tilespmem:s31+$0x60]  }
0xa9: {  	v4 =	vld [tilespmem:s1+$0x60]  }
0xaa: {  	[tilespmem:s0+$0xE0] =	vst v6;
	v2 =	vadd.f32 v5, v2  }
0xab: {  	v0 =	vadd.f32 v3, v0;
	v3 =	vld [tilespmem:s1+$0xF0]  }
0xac: {  	v5 =	vld [tilespmem:s31+$0xF0];
	[tilespmem:s0+$0xFFFFFF60] =	vst v2  }
0xad: {  	v2 =	vld [tilespmem:s31+$0xFFFFFF70]  }
0xae: {  	[tilespmem:s0+$0xFFFFFFE0] =	vst v0;
	v0 =	vadd.f32 v4, v1;
	v1 =	vld [tilespmem:s1+$0xFFFFFF70]  }
0xaf: {  	v4 =	vld [tilespmem:s31+$0xFFFFFFF0]  }
0xb0: {  	[tilespmem:s12+$0x60] =	vst v0;
	v0 =	vld [tilespmem:s1+$0xFFFFFFF0]  }
0xb1: {  	v6 =	vld [tilespmem:s31+$0x70]  }
0xb2: {  	v7 =	vld [tilespmem:s1+$0x70];
	_ =	sdelay $0x1  }
0xb3: {  	v3 =	vadd.f32 v3, v5  }
0xb4: {  	v1 =	vadd.f32 v1, v2  }
0xb5: {  	[tilespmem:s12+$0xF0] =	vst v3;
	v0 =	vadd.f32 v0, v4  }
0xb6: {  	s9 =	sadd.s32 s3, s30;
	[tilespmem:s12+$0xFFFFFF70] =	vst v1;
	v1 =	vadd.f32 v7, v6  }
0xb7: {  	s0 =	sshll.u32 s9, $0x4;
	[tilespmem:s12+$0xFFFFFFF0] =	vst v0  }
0xb8: {  	s0 =	sadd.s32 s6, s0;
	[tilespmem:s12+$0x70] =	vst v1  }
0xb9: {  	[hbm4b:s0+s2] =	stream.linear.scatter [tilespmem:s20], [sflag:$0x5], $0x1400, $0x38;
	[tilespmem:$0xA000] =	vst v63  }
0xba: {  	s12 =	sadd.s32 $0x50, s30  }
0xbb: {  	[tilespmem:s14], [sflag:$0x1] =	stream.indirect.gather [hbm4b:s4+s13], $0x80, s12, s13, $0xb8;
	[tilespmem:$0xA000] =	vst v63  }
0xbc: {  	s31 =	sadd.s32 $0x1450, s30  }
0xbd: {  	[tilespmem:s15], [sflag:$0x3] =	stream.indirect.gather [hbm4b:s5+s13], $0x80, s31, s13, $0xb8;
	[tilespmem:$0xA000] =	vst v63  }
0xbe: {  	_ =	swait.ge [sflag:s21], $0x1400  }
0xbf: {  	[sflag:s21] =	ssyncset.done $0x0  }
0xc0: {  	[sflag:s21] =	ssyncadd.s32 $0xFFFFEC00  }
0xc1: {  	_ =	swait.ge [sflag:s22], $0x1400  }
0xc2: {  	[sflag:s22] =	ssyncset.done $0x0  }
0xc3: {  	s0 =	simm.s32 @!p0 $0x6;
	[sflag:s22] =	ssyncadd.s32 $0xFFFFEC00  }
0xc4: {  	_ =	swait.ge @!p0 [sflag:s0], $0x1400  }
0xc5: {  	[sflag:s0] =	ssyncset.done @!p0 $0x0  }
0xc6: {  	s1 =	simm.s32 $0x3D00;
	[sflag:s0] =	ssyncadd.s32 @!p0 $0xFFFFEC00  }
0xc7: {  	s30 =	simm.s32 $0x6500;
	v0 =	vld [tilespmem:s1+$0x80]  }
0xc8: {  	v1 =	vld [tilespmem:s30+$0x80];
	_ =	sdelay $0x2  }
0xc9: {  	v2 =	vld [tilespmem:s1+$0xFFFFFF80]  }
0xca: {  	v3 =	vld [tilespmem:s30+$0xFFFFFF80]  }
0xcb: {  	v4 =	vld [tilespmem:s30+$0xFFFFFF00];
	v0 =	vadd.f32 v1, v0  }
0xcc: {  	s0 =	simm.s32 $0x8D00;
	v1 =	vld [tilespmem:s1+$0xFFFFFF00]  }
0xcd: {  	[tilespmem:s0+$0x80] =	vst v0  }
0xce: {  	v0 =	vld [tilespmem:s1+$0x90]  }
0xcf: {  	v2 =	vadd.f32 v3, v2;
	v3 =	vld [tilespmem:s30+$0x90]  }
0xd0: {  	v5 =	vld [tilespmem:s1+$0x0]  }
0xd1: {  	v6 =	vld [tilespmem:s30+$0x0];
	[tilespmem:s0+$0xFFFFFF80] =	vst v2;
	v1 =	vadd.f32 v4, v1  }
0xd2: {  	v2 =	vld [tilespmem:s1+$0xFFFFFF90]  }
0xd3: {  	v4 =	vld [tilespmem:s30+$0xFFFFFF90];
	[tilespmem:s0+$0xFFFFFF00] =	vst v1  }
0xd4: {  	v1 =	vld [tilespmem:s1+$0xFFFFFF10];
	v0 =	vadd.f32 v3, v0  }
0xd5: {  	v3 =	vld [tilespmem:s30+$0xFFFFFF10]  }
0xd6: {  	v5 =	vadd.f32 v6, v5;
	[tilespmem:s0+$0x90] =	vst v0  }
0xd7: {  	v0 =	vld [tilespmem:s1+$0xA0]  }
0xd8: {  	[tilespmem:s0+$0x0] =	vst v5;
	v2 =	vadd.f32 v4, v2;
	v4 =	vld [tilespmem:s30+$0xA0]  }
0xd9: {  	v5 =	vld [tilespmem:s1+$0x10]  }
0xda: {  	v6 =	vld [tilespmem:s30+$0x10];
	[tilespmem:s0+$0xFFFFFF90] =	vst v2;
	v1 =	vadd.f32 v3, v1  }
0xdb: {  	v2 =	vld [tilespmem:s1+$0xFFFFFFA0]  }
0xdc: {  	v3 =	vld [tilespmem:s30+$0xFFFFFFA0];
	[tilespmem:s0+$0xFFFFFF10] =	vst v1  }
0xdd: {  	v1 =	vld [tilespmem:s1+$0xFFFFFF20];
	v0 =	vadd.f32 v4, v0  }
0xde: {  	v4 =	vld [tilespmem:s30+$0xFFFFFF20]  }
0xdf: {  	v5 =	vadd.f32 v6, v5;
	[tilespmem:s0+$0xA0] =	vst v0  }
0xe0: {  	v0 =	vld [tilespmem:s1+$0xB0]  }
0xe1: {  	[tilespmem:s0+$0x10] =	vst v5;
	v2 =	vadd.f32 v3, v2;
	v3 =	vld [tilespmem:s30+$0xB0]  }
0xe2: {  	v5 =	vld [tilespmem:s1+$0x20]  }
0xe3: {  	[tilespmem:s0+$0xFFFFFFA0] =	vst v2;
	v2 =	vld [tilespmem:s30+$0x20];
	v1 =	vadd.f32 v4, v1  }
0xe4: {  	v4 =	vld [tilespmem:s1+$0xFFFFFFB0]  }
0xe5: {  	v6 =	vld [tilespmem:s30+$0xFFFFFFB0];
	[tilespmem:s0+$0xFFFFFF20] =	vst v1  }
0xe6: {  	v1 =	vld [tilespmem:s1+$0xFFFFFF30];
	v0 =	vadd.f32 v3, v0  }
0xe7: {  	v3 =	vld [tilespmem:s30+$0xFFFFFF30]  }
0xe8: {  	v2 =	vadd.f32 v2, v5;
	[tilespmem:s0+$0xB0] =	vst v0  }
0xe9: {  	v0 =	vld [tilespmem:s1+$0xC0]  }
0xea: {  	v4 =	vadd.f32 v6, v4;
	[tilespmem:s0+$0x20] =	vst v2;
	v2 =	vld [tilespmem:s30+$0xC0]  }
0xeb: {  	v5 =	vld [tilespmem:s1+$0x30]  }
0xec: {  	[tilespmem:s0+$0xFFFFFFB0] =	vst v4;
	v1 =	vadd.f32 v3, v1;
	v3 =	vld [tilespmem:s30+$0x30]  }
0xed: {  	v4 =	vld [tilespmem:s1+$0xFFFFFFC0]  }
0xee: {  	[tilespmem:s0+$0xFFFFFF30] =	vst v1;
	v1 =	vld [tilespmem:s30+$0xFFFFFFC0]  }
0xef: {  	v6 =	vld [tilespmem:s1+$0xFFFFFF40];
	v0 =	vadd.f32 v2, v0  }
0xf0: {  	v2 =	vld [tilespmem:s30+$0xFFFFFF40]  }
0xf1: {  	v3 =	vadd.f32 v3, v5;
	[tilespmem:s0+$0xC0] =	vst v0  }
0xf2: {  	v0 =	vld [tilespmem:s1+$0xD0]  }
0xf3: {  	v1 =	vadd.f32 v1, v4;
	[tilespmem:s0+$0x30] =	vst v3;
	v3 =	vld [tilespmem:s30+$0xD0]  }
0xf4: {  	v4 =	vld [tilespmem:s1+$0x40]  }
0xf5: {  	v2 =	vadd.f32 v2, v6;
	[tilespmem:s0+$0xFFFFFFC0] =	vst v1;
	v1 =	vld [tilespmem:s30+$0x40]  }
0xf6: {  	v5 =	vld [tilespmem:s1+$0xFFFFFFD0]  }
0xf7: {  	[tilespmem:s0+$0xFFFFFF40] =	vst v2;
	v2 =	vld [tilespmem:s30+$0xFFFFFFD0]  }
0xf8: {  	v6 =	vld [tilespmem:s1+$0xFFFFFF50];
	v0 =	vadd.f32 v3, v0  }
0xf9: {  	v3 =	vld [tilespmem:s30+$0xFFFFFF50]  }
0xfa: {  	v1 =	vadd.f32 v1, v4;
	[tilespmem:s0+$0xD0] =	vst v0  }
0xfb: {  	v7 =	vld [tilespmem:s1+$0xE0]  }
0xfc: {  	v0 =	vadd.f32 v2, v5;
	v5 =	vld [tilespmem:s30+$0xE0];
	[tilespmem:s0+$0x40] =	vst v1  }
0xfd: {  	v1 =	vld [tilespmem:s1+$0x50]  }
0xfe: {  	v2 =	vadd.f32 v3, v6;
	[tilespmem:s0+$0xFFFFFFD0] =	vst v0;
	v4 =	vld [tilespmem:s30+$0x50]  }
0xff: {  	v0 =	vld [tilespmem:s1+$0xFFFFFFE0]  }
0x100: {  	v3 =	vld [tilespmem:s30+$0xFFFFFFE0];
	[tilespmem:s0+$0xFFFFFF50] =	vst v2  }
0x101: {  	s7 =	simm.s32 $0x0;
	v2 =	vld [tilespmem:s1+$0xFFFFFF60];
	v6 =	vadd.f32 v5, v7  }
0x102: {  	s8 =	simm.s32 $0x3F00;
	s9 =	simm.s32 $0x6500;
	s12 =	simm.s32 $0x8D00;
	v5 =	vld [tilespmem:s30+$0xFFFFFF60]  }
.LBB2_5:
0x103: {  	v7 =	vld [tilespmem:s8+$0x80];
	v1 =	vadd.f32 v4, v1;
	[tilespmem:s0+$0xE0] =	vst v6  }
0x104: {  	v4 =	vld [tilespmem:s1+$0xF0]  }
0x105: {  	s9 =	sadd.s32 $0x200, s9;
	v0 =	vadd.f32 v3, v0;
	[tilespmem:s0+$0x50] =	vst v1;
	v1 =	vld [tilespmem:s30+$0xF0]  }
0x106: {  	v3 =	vld [tilespmem:s9+$0x80]  }
0x107: {  	v6 =	vld [tilespmem:s9+$0xFFFFFF00];
	v2 =	vadd.f32 v5, v2;
	[tilespmem:s0+$0xFFFFFFE0] =	vst v0  }
0x108: {  	v0 =	vld [tilespmem:s8+$0xFFFFFF80]  }
0x109: {  	v5 =	vld [tilespmem:s9+$0xFFFFFF80];
	[tilespmem:s0+$0xFFFFFF60] =	vst v2  }
0x10a: {  	v2 =	vld [tilespmem:s8+$0x0];
	v1 =	vadd.f32 v1, v4  }
0x10b: {  	v4 =	vld [tilespmem:s9+$0x0];
	v3 =	vadd.f32 v3, v7  }
0x10c: {  	s0 =	sadd.s32 $0x200, s0;
	v7 =	vld [tilespmem:s8+$0xFFFFFF00];
	[tilespmem:s12+$0xF0] =	vst v1  }
0x10d: {  	s7 =	sadd.s32 $0x4, s7;
	[tilespmem:s0+$0x80] =	vst v3;
	v1 =	vld [tilespmem:s1+$0x60]  }
0x10e: {  	p0 =	slt.u32 s7, $0x24;
	v0 =	vadd.f32 v5, v0;
	v3 =	vld [tilespmem:s8+$0x90]  }
0x10f: {  	v5 =	vld [tilespmem:s9+$0x90]  }
0x110: {  	[tilespmem:s0+$0xFFFFFF80] =	vst v0;
	v0 =	vadd.f32 v4, v2;
	v2 =	vld [tilespmem:s30+$0x60]  }
0x111: {  	v4 =	vadd.f32 v6, v7;
	v6 =	vld [tilespmem:s8+$0xFFFFFF90]  }
0x112: {  	v7 =	vld [tilespmem:s9+$0xFFFFFF90];
	[tilespmem:s0+$0x0] =	vst v0  }
0x113: {  	[tilespmem:s0+$0xFFFFFF00] =	vst v4;
	v0 =	vld [tilespmem:s8+$0x10]  }
0x114: {  	v4 =	vld [tilespmem:s8+$0xFFFFFF10];
	v3 =	vadd.f32 v5, v3  }
0x115: {  	v5 =	vld [tilespmem:s9+$0xFFFFFF10];
	v1 =	vadd.f32 v2, v1  }
0x116: {  	v2 =	vld [tilespmem:s9+$0x10];
	[tilespmem:s0+$0x90] =	vst v3  }
0x117: {  	v3 =	vadd.f32 v7, v6;
	v6 =	vld [tilespmem:s8+$0xA0];
	[tilespmem:s12+$0x60] =	vst v1  }
0x118: {  	v1 =	vld [tilespmem:s9+$0xA0]  }
0x119: {  	[tilespmem:s0+$0xFFFFFF90] =	vst v3;
	v3 =	vld [tilespmem:s1+$0xFFFFFF70]  }
0x11a: {  	v4 =	vadd.f32 v5, v4;
	v5 =	vld [tilespmem:s8+$0xFFFFFFA0]  }
0x11b: {  	v7 =	vld [tilespmem:s9+$0xFFFFFFA0];
	v0 =	vadd.f32 v2, v0  }
0x11c: {  	[tilespmem:s0+$0xFFFFFF10] =	vst v4;
	v2 =	vld [tilespmem:s30+$0xFFFFFF70]  }
0x11d: {  	v4 =	vld [tilespmem:s8+$0xFFFFFF20];
	[tilespmem:s0+$0x10] =	vst v0;
	v0 =	vadd.f32 v1, v6  }
0x11e: {  	v1 =	vld [tilespmem:s9+$0xFFFFFF20]  }
0x11f: {  	v6 =	vld [tilespmem:s8+$0x20];
	[tilespmem:s0+$0xA0] =	vst v0  }
0x120: {  	v0 =	vadd.f32 v7, v5;
	v5 =	vld [tilespmem:s8+$0xB0]  }
0x121: {  	v7 =	vld [tilespmem:s9+$0xB0];
	v2 =	vadd.f32 v2, v3  }
0x122: {  	[tilespmem:s0+$0xFFFFFFA0] =	vst v0;
	v0 =	vld [tilespmem:s9+$0x20]  }
0x123: {  	v1 =	vadd.f32 v1, v4;
	v3 =	vld [tilespmem:s8+$0xFFFFFFB0];
	[tilespmem:s12+$0xFFFFFF70] =	vst v2  }
0x124: {  	v2 =	vld [tilespmem:s9+$0xFFFFFFB0]  }
0x125: {  	[tilespmem:s0+$0xFFFFFF20] =	vst v1;
	v1 =	vld [tilespmem:s1+$0xFFFFFFF0]  }
0x126: {  	v4 =	vld [tilespmem:s8+$0xFFFFFF30];
	v5 =	vadd.f32 v7, v5  }
0x127: {  	v7 =	vld [tilespmem:s9+$0xFFFFFF30];
	v0 =	vadd.f32 v0, v6  }
0x128: {  	[tilespmem:s0+$0xB0] =	vst v5;
	v5 =	vld [tilespmem:s30+$0xFFFFFFF0]  }
0x129: {  	v2 =	vadd.f32 v2, v3;
	[tilespmem:s0+$0x20] =	vst v0;
	v0 =	vld [tilespmem:s8+$0xC0]  }
0x12a: {  	v3 =	vld [tilespmem:s9+$0xC0]  }
0x12b: {  	[tilespmem:s0+$0xFFFFFFB0] =	vst v2;
	v2 =	vld [tilespmem:s8+$0x30]  }
0x12c: {  	v4 =	vadd.f32 v7, v4;
	v6 =	vld [tilespmem:s9+$0x30]  }
0x12d: {  	v7 =	vld [tilespmem:s8+$0xFFFFFFC0];
	v1 =	vadd.f32 v5, v1  }
0x12e: {  	[tilespmem:s0+$0xFFFFFF30] =	vst v4;
	v4 =	vld [tilespmem:s9+$0xFFFFFFC0]  }
0x12f: {  	v5 =	vld [tilespmem:s8+$0xFFFFFF40];
	v0 =	vadd.f32 v3, v0;
	[tilespmem:s12+$0xFFFFFFF0] =	vst v1  }
0x130: {  	v1 =	vld [tilespmem:s9+$0xFFFFFF40]  }
0x131: {  	v2 =	vadd.f32 v6, v2;
	[tilespmem:s0+$0xC0] =	vst v0;
	v3 =	vld [tilespmem:s1+$0x70];
	s1 =	smov.u32 s8  }
0x132: {  	v0 =	vld [tilespmem:s8+$0xD0]  }
0x133: {  	v4 =	vadd.f32 v4, v7;
	[tilespmem:s0+$0x30] =	vst v2;
	v2 =	vld [tilespmem:s9+$0xD0]  }
0x134: {  	v6 =	vld [tilespmem:s8+$0x40]  }
0x135: {  	v1 =	vadd.f32 v1, v5;
	[tilespmem:s0+$0xFFFFFFC0] =	vst v4;
	v4 =	vld [tilespmem:s9+$0x40]  }
0x136: {  	v5 =	vld [tilespmem:s8+$0xFFFFFFD0]  }
0x137: {  	[tilespmem:s0+$0xFFFFFF40] =	vst v1;
	v1 =	vld [tilespmem:s9+$0xFFFFFFD0]  }
0x138: {  	v7 =	vld [tilespmem:s8+$0xFFFFFF50];
	v0 =	vadd.f32 v2, v0  }
0x139: {  	v2 =	vld [tilespmem:s9+$0xFFFFFF50]  }
0x13a: {  	v4 =	vadd.f32 v4, v6;
	[tilespmem:s0+$0xD0] =	vst v0;
	v6 =	vld [tilespmem:s30+$0x70];
	s30 =	smov.u32 s9  }
0x13b: {  	v8 =	vld [tilespmem:s8+$0xE0]  }
0x13c: {  	v0 =	vadd.f32 v1, v5;
	[tilespmem:s0+$0x40] =	vst v4;
	v5 =	vld [tilespmem:s9+$0xE0]  }
0x13d: {  	v1 =	vld [tilespmem:s8+$0x50]  }
.Ltmp1:
0x13e: {  	v2 =	vadd.f32 v2, v7;
	[tilespmem:s0+$0xFFFFFFD0] =	vst v0;
	v4 =	vld [tilespmem:s9+$0x50];
	(pc) =	sbr.rel @p0 .LBB2_5-.Ltmp1, $4  }
0x13f: {  	v0 =	vld [tilespmem:s8+$0xFFFFFFE0];
	v7 =	vadd.f32 v6, v3  }
0x140: {  	[tilespmem:s0+$0xFFFFFF50] =	vst v2;
	v3 =	vld [tilespmem:s9+$0xFFFFFFE0]  }
0x141: {  	v2 =	vld [tilespmem:s8+$0xFFFFFF60];
	v6 =	vadd.f32 v5, v8;
	[tilespmem:s12+$0x70] =	vst v7;
	s12 =	smov.u32 s0  }
0x142: {  	s8 =	sadd.s32 $0x200, s8;
	v5 =	vld [tilespmem:s9+$0xFFFFFF60]  }
0x143: {  	v1 =	vadd.f32 v4, v1;
	_ =	sdelay $0x1  }
0x144: {  	[tilespmem:s0+$0x50] =	vst v1  }
0x145: {  	v1 =	vld [tilespmem:s1+$0x60]  }
0x146: {  	v55 =	vld [tilespmem:s30+$0x60]  }
0x147: {  	[tilespmem:s0+$0xE0] =	vst v6;
	v0 =	vadd.f32 v3, v0  }
0x148: {  	v56 =	vld [tilespmem:s1+$0xF0]  }
0x149: {  	v57 =	vld [tilespmem:s30+$0xF0];
	v2 =	vadd.f32 v5, v2;
	[tilespmem:s0+$0xFFFFFFE0] =	vst v0  }
0x14a: {  	v60 =	vld [tilespmem:s1+$0xFFFFFFF0]  }
0x14b: {  	v61 =	vld [tilespmem:s30+$0xFFFFFFF0];
	[tilespmem:s0+$0xFFFFFF60] =	vst v2;
	v58 =	vadd.f32 v55, v1  }
0x14c: {  	v2 =	vld [tilespmem:s1+$0xFFFFFF70]  }
0x14d: {  	v59 =	vld [tilespmem:s30+$0xFFFFFF70];
	[tilespmem:s12+$0x60] =	vst v58  }
0x14e: {  	v62 =	vld [tilespmem:s1+$0x70]  }
0x14f: {  	v7 =	vld [tilespmem:s30+$0x70];
	_ =	sdelay $0x1  }
0x150: {  	s28 =	sadd.s32 $0x1, s28;
	v3 =	vadd.f32 v57, v56  }
0x151: {  	p0 =	sne.s32 s28, $0x3E;
	v0 =	vadd.f32 v61, v60  }
.Ltmp2:
0x152: {  	[tilespmem:s12+$0xF0] =	vst v3;
	v1 =	vadd.f32 v59, v2;
	(pc) =	sbr.rel @p0 .LBB2_2-.Ltmp2, $4  }
0x153: {  	s31 =	sadd.s32 s3, s29;
	[tilespmem:s12+$0xFFFFFFF0] =	vst v0;
	v63 =	vadd.f32 v7, v62  }
0x154: {  	s0 =	sshll.u32 s31, $0x4;
	[tilespmem:s12+$0xFFFFFF70] =	vst v1  }
0x155: {  	s0 =	sadd.s32 s6, s0;
	[tilespmem:s12+$0x70] =	vst v63  }
0x156: {  	[hbm4b:s0+s2] =	stream.linear.scatter [tilespmem:s23], [sflag:$0x6], $0x1400, $0x38;
	[tilespmem:$0xA000] =	vst v63  }
0x157: {  	_ =	swait.ge [sflag:s18], $0x1400  }
0x158: {  	[sflag:s18] =	ssyncset.done $0x0  }
0x159: {  	[sflag:s18] =	ssyncadd.s32 $0xFFFFEC00  }
0x15a: {  	_ =	swait.ge [sflag:s19], $0x1400  }
0x15b: {  	[sflag:s19] =	ssyncset.done $0x0  }
0x15c: {  	[sflag:s19] =	ssyncadd.s32 $0xFFFFEC00  }
0x15d: {  	_ =	swait.ge [sflag:s24], $0x1400  }
0x15e: {  	[sflag:s24] =	ssyncset.done $0x0  }
0x15f: {  	s1 =	simm.s32 $0x2900;
	[sflag:s24] =	ssyncadd.s32 $0xFFFFEC00  }
0x160: {  	s28 =	simm.s32 $0x5100;
	v0 =	vld [tilespmem:s1+$0x80]  }
0x161: {  	v1 =	vld [tilespmem:s28+$0x80];
	_ =	sdelay $0x2  }
0x162: {  	v2 =	vld [tilespmem:s1+$0xFFFFFF80]  }
0x163: {  	v3 =	vld [tilespmem:s28+$0xFFFFFF80]  }
0x164: {  	v4 =	vld [tilespmem:s28+$0xFFFFFF00];
	v0 =	vadd.f32 v1, v0  }
0x165: {  	s0 =	simm.s32 $0x7900;
	v1 =	vld [tilespmem:s1+$0xFFFFFF00]  }
0x166: {  	[tilespmem:s0+$0x80] =	vst v0  }
0x167: {  	v0 =	vld [tilespmem:s1+$0x90]  }
0x168: {  	v2 =	vadd.f32 v3, v2;
	v3 =	vld [tilespmem:s28+$0x90]  }
0x169: {  	v5 =	vld [tilespmem:s1+$0x0]  }
0x16a: {  	v6 =	vld [tilespmem:s28+$0x0];
	[tilespmem:s0+$0xFFFFFF80] =	vst v2;
	v1 =	vadd.f32 v4, v1  }
0x16b: {  	v2 =	vld [tilespmem:s1+$0xFFFFFF90]  }
0x16c: {  	v4 =	vld [tilespmem:s28+$0xFFFFFF90];
	[tilespmem:s0+$0xFFFFFF00] =	vst v1  }
0x16d: {  	v1 =	vld [tilespmem:s1+$0xFFFFFF10];
	v0 =	vadd.f32 v3, v0  }
0x16e: {  	v3 =	vld [tilespmem:s28+$0xFFFFFF10]  }
0x16f: {  	v5 =	vadd.f32 v6, v5;
	[tilespmem:s0+$0x90] =	vst v0  }
0x170: {  	v0 =	vld [tilespmem:s1+$0xA0]  }
0x171: {  	[tilespmem:s0+$0x0] =	vst v5;
	v2 =	vadd.f32 v4, v2;
	v4 =	vld [tilespmem:s28+$0xA0]  }
0x172: {  	v5 =	vld [tilespmem:s1+$0x10]  }
0x173: {  	v6 =	vld [tilespmem:s28+$0x10];
	[tilespmem:s0+$0xFFFFFF90] =	vst v2;
	v1 =	vadd.f32 v3, v1  }
0x174: {  	v2 =	vld [tilespmem:s1+$0xFFFFFFA0]  }
0x175: {  	v3 =	vld [tilespmem:s28+$0xFFFFFFA0];
	[tilespmem:s0+$0xFFFFFF10] =	vst v1  }
0x176: {  	v1 =	vld [tilespmem:s1+$0xFFFFFF20];
	v0 =	vadd.f32 v4, v0  }
0x177: {  	v4 =	vld [tilespmem:s28+$0xFFFFFF20]  }
0x178: {  	v5 =	vadd.f32 v6, v5;
	[tilespmem:s0+$0xA0] =	vst v0  }
0x179: {  	v0 =	vld [tilespmem:s1+$0xB0]  }
0x17a: {  	[tilespmem:s0+$0x10] =	vst v5;
	v2 =	vadd.f32 v3, v2;
	v3 =	vld [tilespmem:s28+$0xB0]  }
0x17b: {  	v5 =	vld [tilespmem:s1+$0x20]  }
0x17c: {  	[tilespmem:s0+$0xFFFFFFA0] =	vst v2;
	v2 =	vld [tilespmem:s28+$0x20];
	v1 =	vadd.f32 v4, v1  }
0x17d: {  	v4 =	vld [tilespmem:s1+$0xFFFFFFB0]  }
0x17e: {  	v6 =	vld [tilespmem:s28+$0xFFFFFFB0];
	[tilespmem:s0+$0xFFFFFF20] =	vst v1  }
0x17f: {  	v1 =	vld [tilespmem:s1+$0xFFFFFF30];
	v0 =	vadd.f32 v3, v0  }
0x180: {  	v3 =	vld [tilespmem:s28+$0xFFFFFF30]  }
0x181: {  	v2 =	vadd.f32 v2, v5;
	[tilespmem:s0+$0xB0] =	vst v0  }
0x182: {  	v0 =	vld [tilespmem:s1+$0xC0]  }
0x183: {  	v4 =	vadd.f32 v6, v4;
	[tilespmem:s0+$0x20] =	vst v2;
	v2 =	vld [tilespmem:s28+$0xC0]  }
0x184: {  	v5 =	vld [tilespmem:s1+$0x30]  }
0x185: {  	[tilespmem:s0+$0xFFFFFFB0] =	vst v4;
	v1 =	vadd.f32 v3, v1;
	v3 =	vld [tilespmem:s28+$0x30]  }
0x186: {  	v4 =	vld [tilespmem:s1+$0xFFFFFFC0]  }
0x187: {  	[tilespmem:s0+$0xFFFFFF30] =	vst v1;
	v1 =	vld [tilespmem:s28+$0xFFFFFFC0]  }
0x188: {  	v6 =	vld [tilespmem:s1+$0xFFFFFF40];
	v0 =	vadd.f32 v2, v0  }
0x189: {  	v2 =	vld [tilespmem:s28+$0xFFFFFF40]  }
0x18a: {  	v3 =	vadd.f32 v3, v5;
	[tilespmem:s0+$0xC0] =	vst v0  }
0x18b: {  	v0 =	vld [tilespmem:s1+$0xD0]  }
0x18c: {  	v1 =	vadd.f32 v1, v4;
	[tilespmem:s0+$0x30] =	vst v3;
	v3 =	vld [tilespmem:s28+$0xD0]  }
0x18d: {  	v4 =	vld [tilespmem:s1+$0x40]  }
0x18e: {  	v2 =	vadd.f32 v2, v6;
	[tilespmem:s0+$0xFFFFFFC0] =	vst v1;
	v1 =	vld [tilespmem:s28+$0x40]  }
0x18f: {  	v5 =	vld [tilespmem:s1+$0xFFFFFFD0]  }
0x190: {  	[tilespmem:s0+$0xFFFFFF40] =	vst v2;
	v2 =	vld [tilespmem:s28+$0xFFFFFFD0]  }
0x191: {  	v6 =	vld [tilespmem:s1+$0xFFFFFF50];
	v0 =	vadd.f32 v3, v0  }
0x192: {  	v3 =	vld [tilespmem:s28+$0xFFFFFF50]  }
0x193: {  	v1 =	vadd.f32 v1, v4;
	[tilespmem:s0+$0xD0] =	vst v0  }
0x194: {  	v7 =	vld [tilespmem:s1+$0xE0]  }
0x195: {  	v0 =	vadd.f32 v2, v5;
	v5 =	vld [tilespmem:s28+$0xE0];
	[tilespmem:s0+$0x40] =	vst v1  }
0x196: {  	v1 =	vld [tilespmem:s1+$0x50]  }
0x197: {  	v2 =	vadd.f32 v3, v6;
	[tilespmem:s0+$0xFFFFFFD0] =	vst v0;
	v4 =	vld [tilespmem:s28+$0x50]  }
0x198: {  	v0 =	vld [tilespmem:s1+$0xFFFFFFE0]  }
0x199: {  	v3 =	vld [tilespmem:s28+$0xFFFFFFE0];
	[tilespmem:s0+$0xFFFFFF50] =	vst v2  }
0x19a: {  	s7 =	simm.s32 $0x0;
	v2 =	vld [tilespmem:s1+$0xFFFFFF60];
	v6 =	vadd.f32 v5, v7  }
0x19b: {  	s8 =	simm.s32 $0x2B00;
	s9 =	simm.s32 $0x5100;
	s12 =	simm.s32 $0x7900;
	v5 =	vld [tilespmem:s28+$0xFFFFFF60]  }
.LBB2_8:
0x19c: {  	v7 =	vld [tilespmem:s8+$0x80];
	v1 =	vadd.f32 v4, v1;
	[tilespmem:s0+$0xE0] =	vst v6  }
0x19d: {  	v4 =	vld [tilespmem:s1+$0xF0]  }
0x19e: {  	s9 =	sadd.s32 $0x200, s9;
	v0 =	vadd.f32 v3, v0;
	[tilespmem:s0+$0x50] =	vst v1;
	v1 =	vld [tilespmem:s28+$0xF0]  }
0x19f: {  	v3 =	vld [tilespmem:s9+$0x80]  }
0x1a0: {  	v6 =	vld [tilespmem:s9+$0xFFFFFF00];
	v2 =	vadd.f32 v5, v2;
	[tilespmem:s0+$0xFFFFFFE0] =	vst v0  }
0x1a1: {  	v0 =	vld [tilespmem:s8+$0xFFFFFF80]  }
0x1a2: {  	v5 =	vld [tilespmem:s9+$0xFFFFFF80];
	[tilespmem:s0+$0xFFFFFF60] =	vst v2  }
0x1a3: {  	v2 =	vld [tilespmem:s8+$0x0];
	v1 =	vadd.f32 v1, v4  }
0x1a4: {  	v4 =	vld [tilespmem:s9+$0x0];
	v3 =	vadd.f32 v3, v7  }
0x1a5: {  	s0 =	sadd.s32 $0x200, s0;
	v7 =	vld [tilespmem:s8+$0xFFFFFF00];
	[tilespmem:s12+$0xF0] =	vst v1  }
0x1a6: {  	s7 =	sadd.s32 $0x4, s7;
	[tilespmem:s0+$0x80] =	vst v3;
	v1 =	vld [tilespmem:s1+$0x60]  }
0x1a7: {  	p0 =	slt.u32 s7, $0x24;
	v0 =	vadd.f32 v5, v0;
	v3 =	vld [tilespmem:s8+$0x90]  }
0x1a8: {  	v5 =	vld [tilespmem:s9+$0x90]  }
0x1a9: {  	[tilespmem:s0+$0xFFFFFF80] =	vst v0;
	v0 =	vadd.f32 v4, v2;
	v2 =	vld [tilespmem:s28+$0x60]  }
0x1aa: {  	v4 =	vadd.f32 v6, v7;
	v6 =	vld [tilespmem:s8+$0xFFFFFF90]  }
0x1ab: {  	v7 =	vld [tilespmem:s9+$0xFFFFFF90];
	[tilespmem:s0+$0x0] =	vst v0  }
0x1ac: {  	[tilespmem:s0+$0xFFFFFF00] =	vst v4;
	v0 =	vld [tilespmem:s8+$0x10]  }
0x1ad: {  	v4 =	vld [tilespmem:s8+$0xFFFFFF10];
	v3 =	vadd.f32 v5, v3  }
0x1ae: {  	v5 =	vld [tilespmem:s9+$0xFFFFFF10];
	v1 =	vadd.f32 v2, v1  }
0x1af: {  	v2 =	vld [tilespmem:s9+$0x10];
	[tilespmem:s0+$0x90] =	vst v3  }
0x1b0: {  	v3 =	vadd.f32 v7, v6;
	v6 =	vld [tilespmem:s8+$0xA0];
	[tilespmem:s12+$0x60] =	vst v1  }
0x1b1: {  	v1 =	vld [tilespmem:s9+$0xA0]  }
0x1b2: {  	[tilespmem:s0+$0xFFFFFF90] =	vst v3;
	v3 =	vld [tilespmem:s1+$0xFFFFFF70]  }
0x1b3: {  	v4 =	vadd.f32 v5, v4;
	v5 =	vld [tilespmem:s8+$0xFFFFFFA0]  }
0x1b4: {  	v7 =	vld [tilespmem:s9+$0xFFFFFFA0];
	v0 =	vadd.f32 v2, v0  }
0x1b5: {  	[tilespmem:s0+$0xFFFFFF10] =	vst v4;
	v2 =	vld [tilespmem:s28+$0xFFFFFF70]  }
0x1b6: {  	v4 =	vld [tilespmem:s8+$0xFFFFFF20];
	[tilespmem:s0+$0x10] =	vst v0;
	v0 =	vadd.f32 v1, v6  }
0x1b7: {  	v1 =	vld [tilespmem:s9+$0xFFFFFF20]  }
0x1b8: {  	v6 =	vld [tilespmem:s8+$0x20];
	[tilespmem:s0+$0xA0] =	vst v0  }
0x1b9: {  	v0 =	vadd.f32 v7, v5;
	v5 =	vld [tilespmem:s8+$0xB0]  }
0x1ba: {  	v7 =	vld [tilespmem:s9+$0xB0];
	v2 =	vadd.f32 v2, v3  }
0x1bb: {  	[tilespmem:s0+$0xFFFFFFA0] =	vst v0;
	v0 =	vld [tilespmem:s9+$0x20]  }
0x1bc: {  	v1 =	vadd.f32 v1, v4;
	v3 =	vld [tilespmem:s8+$0xFFFFFFB0];
	[tilespmem:s12+$0xFFFFFF70] =	vst v2  }
0x1bd: {  	v2 =	vld [tilespmem:s9+$0xFFFFFFB0]  }
0x1be: {  	[tilespmem:s0+$0xFFFFFF20] =	vst v1;
	v1 =	vld [tilespmem:s1+$0xFFFFFFF0]  }
0x1bf: {  	v4 =	vld [tilespmem:s8+$0xFFFFFF30];
	v5 =	vadd.f32 v7, v5  }
0x1c0: {  	v7 =	vld [tilespmem:s9+$0xFFFFFF30];
	v0 =	vadd.f32 v0, v6  }
0x1c1: {  	[tilespmem:s0+$0xB0] =	vst v5;
	v5 =	vld [tilespmem:s28+$0xFFFFFFF0]  }
0x1c2: {  	v2 =	vadd.f32 v2, v3;
	[tilespmem:s0+$0x20] =	vst v0;
	v0 =	vld [tilespmem:s8+$0xC0]  }
0x1c3: {  	v3 =	vld [tilespmem:s9+$0xC0]  }
0x1c4: {  	[tilespmem:s0+$0xFFFFFFB0] =	vst v2;
	v2 =	vld [tilespmem:s8+$0x30]  }
0x1c5: {  	v4 =	vadd.f32 v7, v4;
	v6 =	vld [tilespmem:s9+$0x30]  }
0x1c6: {  	v7 =	vld [tilespmem:s8+$0xFFFFFFC0];
	v1 =	vadd.f32 v5, v1  }
0x1c7: {  	[tilespmem:s0+$0xFFFFFF30] =	vst v4;
	v4 =	vld [tilespmem:s9+$0xFFFFFFC0]  }
0x1c8: {  	v5 =	vld [tilespmem:s8+$0xFFFFFF40];
	v0 =	vadd.f32 v3, v0;
	[tilespmem:s12+$0xFFFFFFF0] =	vst v1  }
0x1c9: {  	v1 =	vld [tilespmem:s9+$0xFFFFFF40]  }
0x1ca: {  	v2 =	vadd.f32 v6, v2;
	[tilespmem:s0+$0xC0] =	vst v0;
	v3 =	vld [tilespmem:s1+$0x70];
	s1 =	smov.u32 s8  }
0x1cb: {  	v0 =	vld [tilespmem:s8+$0xD0]  }
0x1cc: {  	v4 =	vadd.f32 v4, v7;
	[tilespmem:s0+$0x30] =	vst v2;
	v2 =	vld [tilespmem:s9+$0xD0]  }
0x1cd: {  	v6 =	vld [tilespmem:s8+$0x40]  }
0x1ce: {  	v1 =	vadd.f32 v1, v5;
	[tilespmem:s0+$0xFFFFFFC0] =	vst v4;
	v4 =	vld [tilespmem:s9+$0x40]  }
0x1cf: {  	v5 =	vld [tilespmem:s8+$0xFFFFFFD0]  }
0x1d0: {  	[tilespmem:s0+$0xFFFFFF40] =	vst v1;
	v1 =	vld [tilespmem:s9+$0xFFFFFFD0]  }
0x1d1: {  	v7 =	vld [tilespmem:s8+$0xFFFFFF50];
	v0 =	vadd.f32 v2, v0  }
0x1d2: {  	v2 =	vld [tilespmem:s9+$0xFFFFFF50]  }
0x1d3: {  	v4 =	vadd.f32 v4, v6;
	[tilespmem:s0+$0xD0] =	vst v0;
	v6 =	vld [tilespmem:s28+$0x70];
	s28 =	smov.u32 s9  }
0x1d4: {  	v8 =	vld [tilespmem:s8+$0xE0]  }
0x1d5: {  	v0 =	vadd.f32 v1, v5;
	[tilespmem:s0+$0x40] =	vst v4;
	v5 =	vld [tilespmem:s9+$0xE0]  }
0x1d6: {  	v1 =	vld [tilespmem:s8+$0x50]  }
.Ltmp3:
0x1d7: {  	v2 =	vadd.f32 v2, v7;
	[tilespmem:s0+$0xFFFFFFD0] =	vst v0;
	v4 =	vld [tilespmem:s9+$0x50];
	(pc) =	sbr.rel @p0 .LBB2_8-.Ltmp3, $4  }
0x1d8: {  	v0 =	vld [tilespmem:s8+$0xFFFFFFE0];
	v7 =	vadd.f32 v6, v3  }
0x1d9: {  	[tilespmem:s0+$0xFFFFFF50] =	vst v2;
	v3 =	vld [tilespmem:s9+$0xFFFFFFE0]  }
0x1da: {  	v2 =	vld [tilespmem:s8+$0xFFFFFF60];
	v6 =	vadd.f32 v5, v8;
	[tilespmem:s12+$0x70] =	vst v7;
	s12 =	smov.u32 s0  }
0x1db: {  	s8 =	sadd.s32 $0x200, s8;
	v5 =	vld [tilespmem:s9+$0xFFFFFF60]  }
0x1dc: {  	v1 =	vadd.f32 v4, v1;
	_ =	sdelay $0x1  }
0x1dd: {  	[tilespmem:s0+$0x50] =	vst v1  }
0x1de: {  	v1 =	vld [tilespmem:s1+$0x60]  }
0x1df: {  	v55 =	vld [tilespmem:s28+$0x60]  }
0x1e0: {  	[tilespmem:s0+$0xE0] =	vst v6;
	v0 =	vadd.f32 v3, v0  }
0x1e1: {  	v56 =	vld [tilespmem:s1+$0xF0]  }
0x1e2: {  	v57 =	vld [tilespmem:s28+$0xF0];
	v2 =	vadd.f32 v5, v2;
	[tilespmem:s0+$0xFFFFFFE0] =	vst v0  }
0x1e3: {  	v60 =	vld [tilespmem:s1+$0xFFFFFFF0]  }
0x1e4: {  	v61 =	vld [tilespmem:s28+$0xFFFFFFF0];
	[tilespmem:s0+$0xFFFFFF60] =	vst v2;
	v58 =	vadd.f32 v55, v1  }
0x1e5: {  	v2 =	vld [tilespmem:s1+$0xFFFFFF70]  }
0x1e6: {  	v59 =	vld [tilespmem:s28+$0xFFFFFF70];
	[tilespmem:s12+$0x60] =	vst v58  }
0x1e7: {  	v62 =	vld [tilespmem:s1+$0x70]  }
0x1e8: {  	v7 =	vld [tilespmem:s28+$0x70];
	_ =	sdelay $0x1  }
0x1e9: {  	v3 =	vadd.f32 v57, v56  }
0x1ea: {  	v0 =	vadd.f32 v61, v60  }
0x1eb: {  	[tilespmem:s12+$0xF0] =	vst v3;
	v1 =	vadd.f32 v59, v2  }
0x1ec: {  	[tilespmem:s12+$0xFFFFFFF0] =	vst v0;
	v63 =	vadd.f32 v7, v62  }
0x1ed: {  	[tilespmem:s12+$0xFFFFFF70] =	vst v1  }
0x1ee: {  	[tilespmem:s12+$0x70] =	vst v63  }
0x1ef: {  	s26 =	sadd.s32 $0x1, s26;
	s0 =	rddreg [dreg:$0x4]  }
0x1f0: {  	[hbm4b:s0+s2] =	stream.linear.scatter [tilespmem:s20], [sflag:$0x5], $0x1400, $0x38;
	[tilespmem:$0xA000] =	vst v63  }
0x1f1: {  	p0 =	sne.s32 s26, s10;
	_ =	swait.ge [sflag:s25], $0x1400  }
.Ltmp4:
0x1f2: {  	[sflag:s25] =	ssyncset.done $0x0;
	(pc) =	sbr.rel @p0 .LBB2_1-.Ltmp4, $4  }
0x1f3: {  	[sflag:s25] =	ssyncadd.s32 $0xFFFFEC00  }
0x1f4: {  	_ =	swait.ge [sflag:s24], $0x1400  }
0x1f5: {  	[sflag:s24] =	ssyncset.done $0x0  }
0x1f6: {  	[sflag:s24] =	ssyncadd.s32 $0xFFFFEC00  }
0x1f7: {  	_ =	sfence.sel $0x180000  }
0x1f8: {  	[bflag:$0x0] =	sbarrier.arrive $0xFFFF  }
0x1f9: {  	_ =	strace $0x9000004A  }
0x1fa: {  	s0 =	stileid.u32;
	[bflag:$0x2] =	sbarrier.arrive $0xFFFF  }
0x1fb: {  	p0 =	sne.s32 s0, $0x0;
	s0 =	rddreg [dreg:$0x1]  }
0x1fc: {  	s0 =	sadd.s32 @!p0 $0x100000, s0  }
0x1fd: {  	[sflag:s0] =	ssyncadd.tile.s32 @!p0 $0x1;
	_ =	shalt  }
.Lfunc_end2:
_tile_overlayer_lowered:
.L_overlay_start_2:
0x1fe: {  	(tag) =	ssettag $0x2  }
0x1ff: {  	s0 =	rddreg [dreg:$0x0];
	s2 =	stileid.u32  }
0x200: {  	s1 =	rddreg [dreg:$0x1];
	p0 =	sne.s32 s2, $0x0  }
0x201: {  	s3 =	rddreg [dreg:$0x2];
	[bflag:$0x3] =	sbarrier.arrive $0xFFFF;
	s2 =	simm.s32 @!p0 $0x1C07  }
0x202: {  	[timem:s3], [sflag:s2] =	dma.local @!p0 [hbm:s0], s1  }
0x203: {  	s0 =	simm.s32 @!p0 $0x7  }
0x204: {  	_ =	swait.ge @!p0 [sflag:s0], s1  }
0x205: {  	s1 =	ssub.s32 @!p0 $0x0, s1;
	[sflag:s0] =	ssyncset.done @!p0 $0x0  }
0x206: {  	[sflag:s0] =	ssyncadd.s32 @!p0 s1  }
0x207: {  	[bflag:$0x3] =	sbarrier.arrive $0xFFFF  }
0x208: {  	_ =	shalt  }

// kernel: kernel.7.cloned.1.call-start
scs
__scs_entry_jumppad:
0x0: {  	(pc) =	sbr.rel $0x88, $3  }
0x1: {  	(tag) =	ssettag $0x0;
	lr =	simm.s32 $0x1  }
0x2: {  	[smem:$0x3F9A] =	sst lr;
	_ =	strace $0xD0000000  }
0x3: {  	_ = 	snop  }
0x4: {  	_ = 	snop  }
0x5: {  	_ = 	snop  }
0x6: {  	_ = 	snop  }
0x7: {  	_ = 	snop  }
__scs_overlays_trampoline_lowered:
0x8: {  	[smem:$0x3FA9] =	sst s0  }
0x9: {  	[smem:$0x3FAA] =	sst s1  }
0xa: {  	[smem:$0x3FAB] =	sst s2  }
0xb: {  	[smem:$0x3FAC] =	sst s3  }
0xc: {  	[smem:$0x3FAD] =	sst s4  }
0xd: {  	[smem:$0x3FAE] =	sst s5  }
0xe: {  	[smem:$0x3FAF] =	sst s6  }
0xf: {  	[smem:$0x3FB0] =	sst s7  }
0x10: {  	[smem:$0x3FB1] =	sst s8  }
0x11: {  	[smem:$0x3FB2] =	sst s9;
	s0 =	simm.s32 @!p0 $0x0  }
0x12: {  	s1 =	sld [smem:$0x3F98];
	s0 =	simm.s32 @p0 $0x1  }
0x13: {  	[smem:$0x3FB3] =	sst s0;
	s0 =	simm.s32 @!p1 $0x0  }
0x14: {  	s2 =	sld [smem:$0x3F97];
	s0 =	simm.s32 @p1 $0x1  }
0x15: {  	[smem:$0x3FB4] =	sst s0;
	s0 =	simm.s32 @!p2 $0x0  }
0x16: {  	s3 =	sld [smem:$0x3FDB];
	s0 =	simm.s32 @p2 $0x1  }
0x17: {  	s4 =	simm.s32 $0x1BF5;
	[smem:$0x3FB6] =	sst s0  }
0x18: {  	s0 =	sld [smem:$0x3F99];
	_ =	swait.ge [sflag:s4], $0x0  }
0x19: {  	s7 =	sld [smem:$0x3F9A]  }
0x1a: {  	s8 =	sadd.s32 $0xFFFFE003, lr  }
0x1b: {  	s9 =	sadd.s32 $0xFFFFFEF7, lr;
	s5 =	simm.s32 $0xFFFFFFFF;
	p2 =	slt.u32 s8, $0xFFFFF086  }
0x1c: {  	p1 =	slt.u32 s9, $0xF7A;
	s5 =	simm.s32 @!p2 $0x0  }
0x1d: {  	s5 =	simm.s32 @p1 $0x1;
	p0 =	seq.s32 s7, s2  }
0x1e: {  	s7 =	smul.u32 @!p0 $0xF7A, s2;
	p2 =	seq.s32 @!p0 s5, $0x0  }
0x1f: {  	s9 =	smul.u32 $0xF7A, s1;
	s8 =	simm.s32 @!p0 $0x1BF5;
	p2 =	por !p2, p0  }
0x20: {  	[sflag:s8] =	ssyncset.s32 @!p0 $0xFFFFF086;
	s6 =	sadd.s32 @!p0 s3, s7;
	s7 =	simm.s32 @!p0 $0x108  }
0x21: {  	s3 =	sadd.s32 s3, s9;
	s6 =	sadd.s32 @!p0 $0x88, s6;
	s7 =	simm.s32 @p2 $0x1082  }
0x22: {  	[simem:s7], [sflag:s8] =	dma.local @!p0 [hbm:s6], $0xF7A  }
0x23: {  	s9 =	sor.u32 $0xD0000000, s2;
	s6 =	simm.s32 $0x108;
	_ =	swait.ge @!p0 [sflag:s8], $0x0  }
0x24: {  	s3 =	sadd.s32 $0x88, s3;
	s6 =	simm.s32 @!p1 $0x1082;
	[sflag:s4] =	ssyncset.s32 $0xFFFFF086  }
0x25: {  	[simem:s6], [sflag:s4] =	dma.local [hbm:s3], $0xF7A  }
0x26: {  	[smem:$0x3F9A] =	sst s1;
	(tag) =	ssettag s2;
	_ =	strace s9  }
0x27: {  	s1 =	sld [smem:$0x3FAA]  }
0x28: {  	s2 =	sld [smem:$0x3FAB]  }
0x29: {  	s4 =	sld [smem:$0x3FAD]  }
0x2a: {  	p0 =	seq.s32 s5, $0x0;
	s5 =	sld [smem:$0x3FAE]  }
0x2b: {  	s6 =	sld [smem:$0x3FAF]  }
0x2c: {  	s7 =	sld [smem:$0x3FB0]  }
0x2d: {  	s3 =	simm.s32 $0x108;
	s8 =	sld [smem:$0x3FB1]  }
0x2e: {  	s3 =	simm.s32 @!p0 $0x1082;
	s9 =	sld [smem:$0x3FB2]  }
0x2f: {  	lr =	sadd.s32 s0, s3;
	s0 =	sld [smem:$0x3FA9]  }
0x30: {  	s3 =	sld [smem:$0x3FAC]  }
0x31: {  	[smem:$0x3FB5] =	sst s10  }
0x32: {  	s10 =	sld [smem:$0x3FB3];
	_ =	sdelay $0x3  }
0x33: {  	p0 =	seq.s32 s10, $0x1;
	s10 =	sld [smem:$0x3FB5];
	_ =	sdelay $0x3  }
0x34: {  	[smem:$0x3FB5] =	sst s10  }
0x35: {  	s10 =	sld [smem:$0x3FB4];
	_ =	sdelay $0x3  }
0x36: {  	p1 =	seq.s32 s10, $0x1;
	s10 =	sld [smem:$0x3FB5];
	_ =	sdelay $0x3  }
0x37: {  	[smem:$0x3FB5] =	sst s10  }
0x38: {  	s10 =	sld [smem:$0x3FB6]  }
0x39: {  	_ = 	snop;
	(pc) =	sbr.ind lr, $3  }
0x3a: {  	_ = 	snop  }
0x3b: {  	_ = 	snop  }
0x3c: {  	p2 =	seq.s32 s10, $0x1;
	s10 =	sld [smem:$0x3FB5]  }
0x3d: {  	_ =	shalt  }
0x3e: {  	_ =	shalt  }
0x3f: {  	_ =	shalt  }
0x40: {  	_ =	shalt  }
0x41: {  	_ =	shalt  }
0x42: {  	_ =	shalt  }
0x43: {  	_ =	shalt  }
0x44: {  	_ =	shalt  }
0x45: {  	_ =	shalt  }
0x46: {  	_ =	shalt  }
0x47: {  	_ =	shalt  }
0x48: {  	_ =	shalt  }
0x49: {  	_ =	shalt  }
0x4a: {  	_ =	shalt  }
0x4b: {  	_ =	shalt  }
0x4c: {  	_ =	shalt  }
0x4d: {  	_ =	shalt  }
0x4e: {  	_ =	shalt  }
0x4f: {  	_ =	shalt  }
0x50: {  	_ =	shalt  }
0x51: {  	_ =	shalt  }
0x52: {  	_ =	shalt  }
0x53: {  	_ =	shalt  }
0x54: {  	_ =	shalt  }
0x55: {  	_ =	shalt  }
0x56: {  	_ =	shalt  }
0x57: {  	_ =	shalt  }
0x58: {  	_ =	shalt  }
0x59: {  	_ =	shalt  }
0x5a: {  	_ =	shalt  }
0x5b: {  	_ =	shalt  }
0x5c: {  	_ =	shalt  }
0x5d: {  	_ =	shalt  }
0x5e: {  	_ =	shalt  }
0x5f: {  	_ =	shalt  }
0x60: {  	_ =	shalt  }
0x61: {  	_ =	shalt  }
0x62: {  	_ =	shalt  }
0x63: {  	_ =	shalt  }
0x64: {  	_ =	shalt  }
0x65: {  	_ =	shalt  }
0x66: {  	_ =	shalt  }
0x67: {  	_ =	shalt  }
0x68: {  	_ =	shalt  }
0x69: {  	_ =	shalt  }
0x6a: {  	_ =	shalt  }
0x6b: {  	_ =	shalt  }
0x6c: {  	_ =	shalt  }
0x6d: {  	_ =	shalt  }
0x6e: {  	_ =	shalt  }
0x6f: {  	_ =	shalt  }
0x70: {  	_ =	shalt  }
0x71: {  	_ =	shalt  }
0x72: {  	_ =	shalt  }
0x73: {  	_ =	shalt  }
0x74: {  	_ =	shalt  }
0x75: {  	_ =	shalt  }
0x76: {  	_ =	shalt  }
0x77: {  	_ =	shalt  }
0x78: {  	_ =	shalt  }
0x79: {  	_ =	shalt  }
0x7a: {  	_ =	shalt  }
0x7b: {  	_ =	shalt  }
0x7c: {  	_ =	shalt  }
0x7d: {  	_ =	shalt  }
0x7e: {  	_ =	shalt  }
0x7f: {  	_ =	shalt  }
0x80: {  	_ =	shalt  }
0x81: {  	_ =	shalt  }
0x82: {  	_ =	shalt  }
0x83: {  	_ =	shalt  }
0x84: {  	_ =	shalt  }
0x85: {  	_ =	shalt  }
0x86: {  	_ =	shalt  }
0x87: {  	_ =	shalt  }
.Lfunc_end0:
.L_simem_size_0:
called_computation_lowered:
.L_overlay_start_0:
0x88: {  	s2 =	sld [smem:$0x3FD9]  }
0x89: {  	s3 =	sld [smem:$0x3FFE];
	_ =	sdelay $0x1  }
0x8a: {  	s1 =	srdreg.scid  }
0x8b: {  	s0 =	sand.u32 $0x1, s1  }
0x8c: {  	s17 =	sshll.u32 s0, $0xA;
	s2 =	sadd.s32 s3, s2  }
0x8d: {  	s2 =	sadd.s32 s2, s17  }
0x8e: {  	[smem:$0x3FC1] =	sst s2  }
0x8f: {  	_ = 	snop  }
0x90: {  	s2 =	sld [smem:$0x3FD0];
	(tm) =	ssettm $0x1  }
0x91: {  	s18 =	sld [smem:$0x3FFB];
	_ =	sdelay $0x3  }
0x92: {  	_ =	strace s18  }
0x93: {  	s3 =	sld [smem:$0x3FFC];
	_ =	sdelay $0x3  }
0x94: {  	_ =	strace s3  }
0x95: {  	s3 =	sld [smem:$0x3FFD];
	_ =	sdelay $0x3  }
0x96: {  	_ =	strace s3  }
0x97: {  	_ =	strace $0x8FFFFFFF  }
0x98: {  	s19 =	sld [smem:$0x3FDB];
	_ =	sdelay $0x1  }
0x99: {  	s4 =	simm.s32 $_scs_section_size  }
0x9a: {  	s5 =	simm.s32 $_size__tile_overlayer_lowered;
	s6 =	simm.s32 $_tile_overlayer_lowered  }
0x9b: {  	s22 =	simm.s32 $0x1BFF;
	s21 =	sshll.u32 s6, $0x1;
	s3 =	sadd.s32 s4, s19  }
0x9c: {  	s7 =	simm.s32 $0x0;
	s20 =	sshll.u32 s5, $0x1;
	s5 =	sadd.s32 s21, s3  }
0x9d: {  	[timem:s7], [sflag:s22] =	dma.local [hbm:s5], s20  }
0x9e: {  	_ =	swait.ge [sflag:s22], s20  }
0x9f: {  	s4 =	ssub.s32 $0x0, s20;
	[sflag:s22] =	ssyncset.done $0x0  }
0xa0: {  	[sflag:s22] =	ssyncadd.s32 s4;
	_ =	sdelay $0x1  }
0xa1: {  	s23 =	simm.s32 $0x1B8B  }
0xa2: {  	_ =	swait.ge [sflag:s23], $0x1  }
0xa3: {  	[sflag:s23] =	ssyncset.done $0x0  }
0xa4: {  	s25 =	simm.s32 $0x1B8E;
	s24 =	sld [smem:$0x3FFE];
	[sflag:s23] =	ssyncadd.s32 $0xFFFFFFFF  }
0xa5: {  	s26 =	simm.s32 $execute0_lowered;
	[smem:$0x3FD2] =	sst s25  }
0xa6: {  	s5 =	sshll.u32 s26, $0x1;
	_ =	strace $0x80000046;
	[dreg:$0x1] =	wrdreg $0xFFFFFFFF  }
0xa7: {  	s28 =	simm.s32 $_size_execute0_lowered;
	s3 =	sadd.s32 s3, s5;
	[dreg:$0x0] =	wrdreg $0x0  }
0xa8: {  	s5 =	sshll.u32 s28, $0x1;
	[dreg:$0x2] =	wrdreg s3  }
0xa9: {  	[dreg:$0x3] =	wrdreg s5  }
0xaa: {  	[dreg:$0x4] =	wrdreg $0xC0  }
0xab: {  	_ =	task [dreg:s7], $0x5FFFF  }
0xac: {  	[dreg:$0x1] =	wrdreg $0xFFFFFFFF  }
0xad: {  	[dreg:$0x0] =	wrdreg $0x60  }
0xae: {  	[dreg:$0x2] =	wrdreg s24  }
0xaf: {  	[dreg:$0x3] =	wrdreg s2  }
0xb0: {  	[dreg:$0x4] =	wrdreg $0x9  }
0xb1: {  	_ =	task.clear_ibuf [dreg:s7], $0x5FFFF;
	_ =	strace $0x90000046  }
0xb2: {  	s29 =	simm.s32 $0x9;
	_ =	strace $0x80000048  }
0xb3: {  	_ =	swait.ge [sflag:s29], $0x1  }
0xb4: {  	[sflag:s29] =	ssyncadd.s32 $0xFFFFFFFF  }
0xb5: {  	_ =	strace $0x90000048  }
0xb6: {  	_ =	sfence  }
0xb7: {  	s30 =	sld [smem:$0x0];
	_ =	sdelay $0x2  }
0xb8: {  	s31 =	sshll.u32 s1, $0xD;
	s1 =	sshrl.u32 s1, $0x2  }
0xb9: {  	s3 =	sand.u32 $0x4000, s31;
	s1 =	sadd.s32 s1, s30  }
0xba: {  	s0 =	sor.u32 s3, s0;
	s1 =	sshll.u32 s1, $0x11  }
0xbb: {  	s0 =	sor.u32 s1, s0  }
0xbc: {  	s0 =	sadd.s32 $0x8F2B, s0  }
0xbd: {  	[sflag:s0] =	ssyncadd.remote.s32 $0x1  }
0xbe: {  	_ =	sfence.sel $0xFFFF  }
0xbf: {  	[dreg:$0x0] =	wrdreg $0xFFFFFFFF;
	(pc) =	sbr.abs _section_cstart, $3  }
0xc0: {  	[dreg:$0x1] =	wrdreg $0xFFFFFFFF  }
0xc1: {  	_ =	task.clear_ibuf [dreg:s7], $0x2FFFF;
	_ =	strace $0x9FFFFFFF  }
0xc2: {  	(tm) =	ssettm $0x7FFFFFFF  }
0xc3: {  	_ =	shalt  }
tec
execute0_lowered:
.L_overlay_start_1:
0x0: {  	(tag) =	ssettag $0x1  }
0x1: {  	s0 =	rddreg [dreg:$0x0];
	s1 =	srdreg.scid  }
0x2: {  	s2 =	stileid.u32;
	s7 =	rddreg [dreg:$0x1];
	s13 =	simm.s32 $0x28  }
0x3: {  	s14 =	simm.s32 $0x2800;
	s15 =	simm.s32 $0x5000;
	s16 =	simm.s32 $0x3C00  }
0x4: {  	s17 =	simm.s32 $0x6400;
	s18 =	simm.s32 $0x1;
	s19 =	simm.s32 $0x3  }
0x5: {  	s20 =	simm.s32 $0x7800;
	s21 =	simm.s32 $0x2;
	s22 =	simm.s32 $0x4  }
0x6: {  	s23 =	simm.s32 $0x8C00;
	s24 =	simm.s32 $0x5;
	s25 =	simm.s32 $0x6  }
0x7: {  	s26 =	simm.s32 $0x0;
	s1 =	sand.u32 $0x1, s1;
	s3 =	sshll.u32 s2, $0x1  }
0x8: {  	s2 =	simm.s32 $0x0;
	s4 =	sadd.s32 $0x10A00, s0;
	s5 =	sor.u32 s1, s3  }
0x9: {  	s6 =	sadd.s32 $0x5EE00, s0;
	s1 =	ssub.s32 $0x2, s1;
	s3 =	smul.u32 $0x1388, s5  }
0xa: {  	[smem:$0x7FF] =	sst s2;
	s9 =	smul.u32 $0x9C400, s5;
	s11 =	sshrl.u32 s1, $0x1  }
0xb: {  	_ =	strace $0x80000047;
	s29 =	ssub.s32 s1, s11;
	s8 =	sshrl.u32 s3, $0x3  }
0xc: {  	s30 =	sshrl.u32 s9, $0x3;
	s10 =	sadd.s32 s8, s0;
	s7 =	sadd.s32 s7, s8  }
0xd: {  	s1 =	sadd.s32 s6, s30;
	s31 =	sadd.s32 $0x1A00, s10;
	[dreg:$0x4] =	wrdreg s7  }
0xe: {  	s5 =	sadd.s32 $0x37C00, s0;
	s1 =	sadd.s32 $0x13600, s1;
	[dreg:$0x3] =	wrdreg s31  }
0xf: {  	s11 =	simm.s32 $0x7;
	s10 =	smax.u32 s29, $0x1;
	[dreg:$0x5] =	wrdreg s1  }
.LBB2_1:
0x10: {  	s0 =	rddreg [dreg:$0x3]  }
0x11: {  	[tilespmem:s2], [sflag:$0x7] =	stream.linear.gather [hbm4b:s0+s2], $0x1388, $0x38;
	[tilespmem:$0xA000] =	vst v63  }
0x12: {  	_ =	swait.ge [sflag:s11], $0x1388  }
0x13: {  	[sflag:s11] =	ssyncset.done $0x0  }
0x14: {  	s1 =	simm.s32 $0x1400;
	s31 =	rddreg [dreg:$0x4];
	[sflag:s11] =	ssyncadd.s32 $0xFFFFEC78  }
0x15: {  	[tilespmem:s1], [sflag:$0x7] =	stream.linear.gather [hbm4b:s31+s2], $0x1388, $0x38;
	[tilespmem:$0xA000] =	vst v63  }
0x16: {  	_ =	swait.ge [sflag:s11], $0x1388  }
0x17: {  	[sflag:s11] =	ssyncset.done $0x0  }
0x18: {  	[sflag:s11] =	ssyncadd.s32 $0xFFFFEC78  }
0x19: {  	[tilespmem:s14], [sflag:$0x1] =	stream.indirect.gather [hbm4b:s4+s13], $0x80, s2, s13, $0xb8;
	[tilespmem:$0xA000] =	vst v63  }
0x1a: {  	s28 =	simm.s32 $0x0  }
0x1b: {  	[tilespmem:s15], [sflag:$0x3] =	stream.indirect.gather [hbm4b:s5+s13], $0x80, s1, s13, $0xb8;
	[tilespmem:$0xA000] =	vst v63  }
.LBB2_2:
0x1c: {  	s30 =	smul.u32 $0x50, s28;
	_ =	sdelay $0x1  }
0x1d: {  	s29 =	sadd.s32 $0x28, s30  }
0x1e: {  	[tilespmem:s16], [sflag:$0x2] =	stream.indirect.gather [hbm4b:s4+s13], $0x80, s29, s13, $0xb8;
	[tilespmem:$0xA000] =	vst v63  }
0x1f: {  	s0 =	sadd.s32 $0x1428, s30  }
0x20: {  	[tilespmem:s17], [sflag:$0x4] =	stream.indirect.gather [hbm4b:s5+s13], $0x80, s0, s13, $0xb8;
	[tilespmem:$0xA000] =	vst v63  }
0x21: {  	_ =	swait.ge [sflag:s18], $0x1400  }
0x22: {  	[sflag:s18] =	ssyncset.done $0x0  }
0x23: {  	[sflag:s18] =	ssyncadd.s32 $0xFFFFEC00  }
0x24: {  	_ =	swait.ge [sflag:s19], $0x1400  }
0x25: {  	p0 =	seq.s32 s28, $0x0;
	[sflag:s19] =	ssyncset.done $0x0  }
0x26: {  	s0 =	simm.s32 @!p0 $0x5;
	[sflag:s19] =	ssyncadd.s32 $0xFFFFEC00  }
0x27: {  	_ =	swait.ge @!p0 [sflag:s0], $0x1400  }
0x28: {  	[sflag:s0] =	ssyncset.done @!p0 $0x0  }
0x29: {  	s31 =	simm.s32 $0x2900;
	[sflag:s0] =	ssyncadd.s32 @!p0 $0xFFFFEC00  }
0x2a: {  	s1 =	simm.s32 $0x5100;
	v0 =	vld [tilespmem:s31+$0x80]  }
0x2b: {  	v1 =	vld [tilespmem:s1+$0x80];
	_ =	sdelay $0x2  }
0x2c: {  	v2 =	vld [tilespmem:s31+$0xFFFFFF80]  }
0x2d: {  	v3 =	vld [tilespmem:s1+$0xFFFFFF80]  }
0x2e: {  	v4 =	vld [tilespmem:s1+$0xFFFFFF00];
	v0 =	vadd.f32 v1, v0  }
0x2f: {  	s0 =	simm.s32 $0x7900;
	v1 =	vld [tilespmem:s31+$0xFFFFFF00]  }
0x30: {  	[tilespmem:s0+$0x80] =	vst v0  }
0x31: {  	v0 =	vld [tilespmem:s31+$0x90]  }
0x32: {  	v2 =	vadd.f32 v3, v2;
	v3 =	vld [tilespmem:s1+$0x90]  }
0x33: {  	v5 =	vld [tilespmem:s31+$0x0]  }
0x34: {  	v6 =	vld [tilespmem:s1+$0x0];
	[tilespmem:s0+$0xFFFFFF80] =	vst v2;
	v1 =	vadd.f32 v4, v1  }
0x35: {  	v2 =	vld [tilespmem:s31+$0xFFFFFF90]  }
0x36: {  	v4 =	vld [tilespmem:s1+$0xFFFFFF90];
	[tilespmem:s0+$0xFFFFFF00] =	vst v1  }
0x37: {  	v1 =	vld [tilespmem:s31+$0xFFFFFF10];
	v0 =	vadd.f32 v3, v0  }
0x38: {  	v3 =	vld [tilespmem:s1+$0xFFFFFF10]  }
0x39: {  	v5 =	vadd.f32 v6, v5;
	[tilespmem:s0+$0x90] =	vst v0  }
0x3a: {  	v0 =	vld [tilespmem:s31+$0xA0]  }
0x3b: {  	[tilespmem:s0+$0x0] =	vst v5;
	v2 =	vadd.f32 v4, v2;
	v4 =	vld [tilespmem:s1+$0xA0]  }
0x3c: {  	v5 =	vld [tilespmem:s31+$0x10]  }
0x3d: {  	v6 =	vld [tilespmem:s1+$0x10];
	[tilespmem:s0+$0xFFFFFF90] =	vst v2;
	v1 =	vadd.f32 v3, v1  }
0x3e: {  	v2 =	vld [tilespmem:s31+$0xFFFFFFA0]  }
0x3f: {  	v3 =	vld [tilespmem:s1+$0xFFFFFFA0];
	[tilespmem:s0+$0xFFFFFF10] =	vst v1  }
0x40: {  	v1 =	vld [tilespmem:s31+$0xFFFFFF20];
	v0 =	vadd.f32 v4, v0  }
0x41: {  	v4 =	vld [tilespmem:s1+$0xFFFFFF20]  }
0x42: {  	v5 =	vadd.f32 v6, v5;
	[tilespmem:s0+$0xA0] =	vst v0  }
0x43: {  	v0 =	vld [tilespmem:s31+$0xB0]  }
0x44: {  	[tilespmem:s0+$0x10] =	vst v5;
	v2 =	vadd.f32 v3, v2;
	v3 =	vld [tilespmem:s1+$0xB0]  }
0x45: {  	v5 =	vld [tilespmem:s31+$0x20]  }
0x46: {  	[tilespmem:s0+$0xFFFFFFA0] =	vst v2;
	v2 =	vld [tilespmem:s1+$0x20];
	v1 =	vadd.f32 v4, v1  }
0x47: {  	v4 =	vld [tilespmem:s31+$0xFFFFFFB0]  }
0x48: {  	v6 =	vld [tilespmem:s1+$0xFFFFFFB0];
	[tilespmem:s0+$0xFFFFFF20] =	vst v1  }
0x49: {  	v1 =	vld [tilespmem:s31+$0xFFFFFF30];
	v0 =	vadd.f32 v3, v0  }
0x4a: {  	v3 =	vld [tilespmem:s1+$0xFFFFFF30]  }
0x4b: {  	v2 =	vadd.f32 v2, v5;
	[tilespmem:s0+$0xB0] =	vst v0  }
0x4c: {  	v0 =	vld [tilespmem:s31+$0xC0]  }
0x4d: {  	v4 =	vadd.f32 v6, v4;
	[tilespmem:s0+$0x20] =	vst v2;
	v2 =	vld [tilespmem:s1+$0xC0]  }
0x4e: {  	v5 =	vld [tilespmem:s31+$0x30]  }
0x4f: {  	[tilespmem:s0+$0xFFFFFFB0] =	vst v4;
	v1 =	vadd.f32 v3, v1;
	v3 =	vld [tilespmem:s1+$0x30]  }
0x50: {  	v4 =	vld [tilespmem:s31+$0xFFFFFFC0]  }
0x51: {  	[tilespmem:s0+$0xFFFFFF30] =	vst v1;
	v1 =	vld [tilespmem:s1+$0xFFFFFFC0]  }
0x52: {  	v6 =	vld [tilespmem:s31+$0xFFFFFF40];
	v0 =	vadd.f32 v2, v0  }
0x53: {  	v2 =	vld [tilespmem:s1+$0xFFFFFF40]  }
0x54: {  	v3 =	vadd.f32 v3, v5;
	[tilespmem:s0+$0xC0] =	vst v0  }
0x55: {  	v0 =	vld [tilespmem:s31+$0xD0]  }
0x56: {  	v1 =	vadd.f32 v1, v4;
	[tilespmem:s0+$0x30] =	vst v3;
	v3 =	vld [tilespmem:s1+$0xD0]  }
0x57: {  	v4 =	vld [tilespmem:s31+$0x40]  }
0x58: {  	v2 =	vadd.f32 v2, v6;
	[tilespmem:s0+$0xFFFFFFC0] =	vst v1;
	v1 =	vld [tilespmem:s1+$0x40]  }
0x59: {  	v5 =	vld [tilespmem:s31+$0xFFFFFFD0]  }
0x5a: {  	[tilespmem:s0+$0xFFFFFF40] =	vst v2;
	v2 =	vld [tilespmem:s1+$0xFFFFFFD0]  }
0x5b: {  	v6 =	vld [tilespmem:s31+$0xFFFFFF50];
	v0 =	vadd.f32 v3, v0  }
0x5c: {  	v3 =	vld [tilespmem:s1+$0xFFFFFF50]  }
0x5d: {  	v1 =	vadd.f32 v1, v4;
	[tilespmem:s0+$0xD0] =	vst v0  }
0x5e: {  	v7 =	vld [tilespmem:s31+$0xE0]  }
0x5f: {  	v0 =	vadd.f32 v2, v5;
	v5 =	vld [tilespmem:s1+$0xE0];
	[tilespmem:s0+$0x40] =	vst v1  }
0x60: {  	v1 =	vld [tilespmem:s31+$0x50]  }
0x61: {  	v2 =	vadd.f32 v3, v6;
	[tilespmem:s0+$0xFFFFFFD0] =	vst v0;
	v4 =	vld [tilespmem:s1+$0x50]  }
0x62: {  	v0 =	vld [tilespmem:s31+$0xFFFFFFE0]  }
0x63: {  	v3 =	vld [tilespmem:s1+$0xFFFFFFE0];
	[tilespmem:s0+$0xFFFFFF50] =	vst v2  }
0x64: {  	s7 =	simm.s32 $0x0;
	v2 =	vld [tilespmem:s31+$0xFFFFFF60];
	v6 =	vadd.f32 v5, v7  }
0x65: {  	s8 =	simm.s32 $0x2B00;
	s9 =	simm.s32 $0x5100;
	s12 =	simm.s32 $0x7900;
	v5 =	vld [tilespmem:s1+$0xFFFFFF60]  }
.LBB2_3:
0x66: {  	v7 =	vld [tilespmem:s8+$0x80];
	v1 =	vadd.f32 v4, v1;
	[tilespmem:s0+$0xE0] =	vst v6  }
0x67: {  	v4 =	vld [tilespmem:s31+$0xF0]  }
0x68: {  	s9 =	sadd.s32 $0x200, s9;
	v0 =	vadd.f32 v3, v0;
	[tilespmem:s0+$0x50] =	vst v1;
	v1 =	vld [tilespmem:s1+$0xF0]  }
0x69: {  	v3 =	vld [tilespmem:s9+$0x80]  }
0x6a: {  	v6 =	vld [tilespmem:s9+$0xFFFFFF00];
	v2 =	vadd.f32 v5, v2;
	[tilespmem:s0+$0xFFFFFFE0] =	vst v0  }
0x6b: {  	v0 =	vld [tilespmem:s8+$0xFFFFFF80]  }
0x6c: {  	v5 =	vld [tilespmem:s9+$0xFFFFFF80];
	[tilespmem:s0+$0xFFFFFF60] =	vst v2  }
0x6d: {  	v2 =	vld [tilespmem:s8+$0x0];
	v1 =	vadd.f32 v1, v4  }
0x6e: {  	v4 =	vld [tilespmem:s9+$0x0];
	v3 =	vadd.f32 v3, v7  }
0x6f: {  	s0 =	sadd.s32 $0x200, s0;
	v7 =	vld [tilespmem:s8+$0xFFFFFF00];
	[tilespmem:s12+$0xF0] =	vst v1  }
0x70: {  	s7 =	sadd.s32 $0x4, s7;
	[tilespmem:s0+$0x80] =	vst v3;
	v1 =	vld [tilespmem:s31+$0x60]  }
0x71: {  	p1 =	slt.u32 s7, $0x24;
	v0 =	vadd.f32 v5, v0;
	v3 =	vld [tilespmem:s8+$0x90]  }
0x72: {  	v5 =	vld [tilespmem:s9+$0x90]  }
0x73: {  	[tilespmem:s0+$0xFFFFFF80] =	vst v0;
	v0 =	vadd.f32 v4, v2;
	v2 =	vld [tilespmem:s1+$0x60]  }
0x74: {  	v4 =	vadd.f32 v6, v7;
	v6 =	vld [tilespmem:s8+$0xFFFFFF90]  }
0x75: {  	v7 =	vld [tilespmem:s9+$0xFFFFFF90];
	[tilespmem:s0+$0x0] =	vst v0  }
0x76: {  	[tilespmem:s0+$0xFFFFFF00] =	vst v4;
	v0 =	vld [tilespmem:s8+$0x10]  }
0x77: {  	v4 =	vld [tilespmem:s8+$0xFFFFFF10];
	v3 =	vadd.f32 v5, v3  }
0x78: {  	v5 =	vld [tilespmem:s9+$0xFFFFFF10];
	v1 =	vadd.f32 v2, v1  }
0x79: {  	v2 =	vld [tilespmem:s9+$0x10];
	[tilespmem:s0+$0x90] =	vst v3  }
0x7a: {  	v3 =	vadd.f32 v7, v6;
	v6 =	vld [tilespmem:s8+$0xA0];
	[tilespmem:s12+$0x60] =	vst v1  }
0x7b: {  	v1 =	vld [tilespmem:s9+$0xA0]  }
0x7c: {  	[tilespmem:s0+$0xFFFFFF90] =	vst v3;
	v3 =	vld [tilespmem:s31+$0xFFFFFF70]  }
0x7d: {  	v4 =	vadd.f32 v5, v4;
	v5 =	vld [tilespmem:s8+$0xFFFFFFA0]  }
0x7e: {  	v7 =	vld [tilespmem:s9+$0xFFFFFFA0];
	v0 =	vadd.f32 v2, v0  }
0x7f: {  	[tilespmem:s0+$0xFFFFFF10] =	vst v4;
	v2 =	vld [tilespmem:s1+$0xFFFFFF70]  }
0x80: {  	v4 =	vld [tilespmem:s8+$0xFFFFFF20];
	[tilespmem:s0+$0x10] =	vst v0;
	v0 =	vadd.f32 v1, v6  }
0x81: {  	v1 =	vld [tilespmem:s9+$0xFFFFFF20]  }
0x82: {  	v6 =	vld [tilespmem:s8+$0x20];
	[tilespmem:s0+$0xA0] =	vst v0  }
0x83: {  	v0 =	vadd.f32 v7, v5;
	v5 =	vld [tilespmem:s8+$0xB0]  }
0x84: {  	v7 =	vld [tilespmem:s9+$0xB0];
	v2 =	vadd.f32 v2, v3  }
0x85: {  	[tilespmem:s0+$0xFFFFFFA0] =	vst v0;
	v0 =	vld [tilespmem:s9+$0x20]  }
0x86: {  	v1 =	vadd.f32 v1, v4;
	v3 =	vld [tilespmem:s8+$0xFFFFFFB0];
	[tilespmem:s12+$0xFFFFFF70] =	vst v2  }
0x87: {  	v2 =	vld [tilespmem:s9+$0xFFFFFFB0]  }
0x88: {  	[tilespmem:s0+$0xFFFFFF20] =	vst v1;
	v1 =	vld [tilespmem:s31+$0xFFFFFFF0]  }
0x89: {  	v4 =	vld [tilespmem:s8+$0xFFFFFF30];
	v5 =	vadd.f32 v7, v5  }
0x8a: {  	v7 =	vld [tilespmem:s9+$0xFFFFFF30];
	v0 =	vadd.f32 v0, v6  }
0x8b: {  	[tilespmem:s0+$0xB0] =	vst v5;
	v5 =	vld [tilespmem:s1+$0xFFFFFFF0]  }
0x8c: {  	v2 =	vadd.f32 v2, v3;
	[tilespmem:s0+$0x20] =	vst v0;
	v0 =	vld [tilespmem:s8+$0xC0]  }
0x8d: {  	v3 =	vld [tilespmem:s9+$0xC0]  }
0x8e: {  	[tilespmem:s0+$0xFFFFFFB0] =	vst v2;
	v2 =	vld [tilespmem:s8+$0x30]  }
0x8f: {  	v4 =	vadd.f32 v7, v4;
	v6 =	vld [tilespmem:s9+$0x30]  }
0x90: {  	v7 =	vld [tilespmem:s8+$0xFFFFFFC0];
	v1 =	vadd.f32 v5, v1  }
0x91: {  	[tilespmem:s0+$0xFFFFFF30] =	vst v4;
	v4 =	vld [tilespmem:s9+$0xFFFFFFC0]  }
0x92: {  	v5 =	vld [tilespmem:s8+$0xFFFFFF40];
	v0 =	vadd.f32 v3, v0;
	[tilespmem:s12+$0xFFFFFFF0] =	vst v1  }
0x93: {  	v1 =	vld [tilespmem:s9+$0xFFFFFF40]  }
0x94: {  	v2 =	vadd.f32 v6, v2;
	[tilespmem:s0+$0xC0] =	vst v0;
	v3 =	vld [tilespmem:s31+$0x70];
	s31 =	smov.u32 s8  }
0x95: {  	v0 =	vld [tilespmem:s8+$0xD0]  }
0x96: {  	v4 =	vadd.f32 v4, v7;
	[tilespmem:s0+$0x30] =	vst v2;
	v2 =	vld [tilespmem:s9+$0xD0]  }
0x97: {  	v6 =	vld [tilespmem:s8+$0x40]  }
0x98: {  	v1 =	vadd.f32 v1, v5;
	[tilespmem:s0+$0xFFFFFFC0] =	vst v4;
	v4 =	vld [tilespmem:s9+$0x40]  }
0x99: {  	v5 =	vld [tilespmem:s8+$0xFFFFFFD0]  }
0x9a: {  	[tilespmem:s0+$0xFFFFFF40] =	vst v1;
	v1 =	vld [tilespmem:s9+$0xFFFFFFD0]  }
0x9b: {  	v7 =	vld [tilespmem:s8+$0xFFFFFF50];
	v0 =	vadd.f32 v2, v0  }
0x9c: {  	v2 =	vld [tilespmem:s9+$0xFFFFFF50]  }
0x9d: {  	v4 =	vadd.f32 v4, v6;
	[tilespmem:s0+$0xD0] =	vst v0;
	v6 =	vld [tilespmem:s1+$0x70];
	s1 =	smov.u32 s9  }
0x9e: {  	v8 =	vld [tilespmem:s8+$0xE0]  }
0x9f: {  	v0 =	vadd.f32 v1, v5;
	[tilespmem:s0+$0x40] =	vst v4;
	v5 =	vld [tilespmem:s9+$0xE0]  }
0xa0: {  	v1 =	vld [tilespmem:s8+$0x50]  }
.Ltmp0:
0xa1: {  	v2 =	vadd.f32 v2, v7;
	[tilespmem:s0+$0xFFFFFFD0] =	vst v0;
	v4 =	vld [tilespmem:s9+$0x50];
	(pc) =	sbr.rel @p1 .LBB2_3-.Ltmp0, $4  }
0xa2: {  	v0 =	vld [tilespmem:s8+$0xFFFFFFE0];
	v7 =	vadd.f32 v6, v3  }
0xa3: {  	[tilespmem:s0+$0xFFFFFF50] =	vst v2;
	v3 =	vld [tilespmem:s9+$0xFFFFFFE0]  }
0xa4: {  	v2 =	vld [tilespmem:s8+$0xFFFFFF60];
	v6 =	vadd.f32 v5, v8;
	[tilespmem:s12+$0x70] =	vst v7;
	s12 =	smov.u32 s0  }
0xa5: {  	s8 =	sadd.s32 $0x200, s8;
	v5 =	vld [tilespmem:s9+$0xFFFFFF60]  }
0xa6: {  	v1 =	vadd.f32 v4, v1;
	_ =	sdelay $0x1  }
0xa7: {  	[tilespmem:s0+$0x50] =	vst v1  }
0xa8: {  	v1 =	vld [tilespmem:s31+$0x60]  }
0xa9: {  	v4 =	vld [tilespmem:s1+$0x60]  }
0xaa: {  	[tilespmem:s0+$0xE0] =	vst v6;
	v2 =	vadd.f32 v5, v2  }
0xab: {  	v0 =	vadd.f32 v3, v0;
	v3 =	vld [tilespmem:s1+$0xF0]  }
0xac: {  	v5 =	vld [tilespmem:s31+$0xF0];
	[tilespmem:s0+$0xFFFFFF60] =	vst v2  }
0xad: {  	v2 =	vld [tilespmem:s31+$0xFFFFFF70]  }
0xae: {  	[tilespmem:s0+$0xFFFFFFE0] =	vst v0;
	v0 =	vadd.f32 v4, v1;
	v1 =	vld [tilespmem:s1+$0xFFFFFF70]  }
0xaf: {  	v4 =	vld [tilespmem:s31+$0xFFFFFFF0]  }
0xb0: {  	[tilespmem:s12+$0x60] =	vst v0;
	v0 =	vld [tilespmem:s1+$0xFFFFFFF0]  }
0xb1: {  	v6 =	vld [tilespmem:s31+$0x70]  }
0xb2: {  	v7 =	vld [tilespmem:s1+$0x70];
	_ =	sdelay $0x1  }
0xb3: {  	v3 =	vadd.f32 v3, v5  }
0xb4: {  	v1 =	vadd.f32 v1, v2  }
0xb5: {  	[tilespmem:s12+$0xF0] =	vst v3;
	v0 =	vadd.f32 v0, v4  }
0xb6: {  	s9 =	sadd.s32 s3, s30;
	[tilespmem:s12+$0xFFFFFF70] =	vst v1;
	v1 =	vadd.f32 v7, v6  }
0xb7: {  	s0 =	sshll.u32 s9, $0x4;
	[tilespmem:s12+$0xFFFFFFF0] =	vst v0  }
0xb8: {  	s0 =	sadd.s32 s6, s0;
	[tilespmem:s12+$0x70] =	vst v1  }
0xb9: {  	[hbm4b:s0+s2] =	stream.linear.scatter [tilespmem:s20], [sflag:$0x5], $0x1400, $0x38;
	[tilespmem:$0xA000] =	vst v63  }
0xba: {  	s12 =	sadd.s32 $0x50, s30  }
0xbb: {  	[tilespmem:s14], [sflag:$0x1] =	stream.indirect.gather [hbm4b:s4+s13], $0x80, s12, s13, $0xb8;
	[tilespmem:$0xA000] =	vst v63  }
0xbc: {  	s31 =	sadd.s32 $0x1450, s30  }
0xbd: {  	[tilespmem:s15], [sflag:$0x3] =	stream.indirect.gather [hbm4b:s5+s13], $0x80, s31, s13, $0xb8;
	[tilespmem:$0xA000] =	vst v63  }
0xbe: {  	_ =	swait.ge [sflag:s21], $0x1400  }
0xbf: {  	[sflag:s21] =	ssyncset.done $0x0  }
0xc0: {  	[sflag:s21] =	ssyncadd.s32 $0xFFFFEC00  }
0xc1: {  	_ =	swait.ge [sflag:s22], $0x1400  }
0xc2: {  	[sflag:s22] =	ssyncset.done $0x0  }
0xc3: {  	s0 =	simm.s32 @!p0 $0x6;
	[sflag:s22] =	ssyncadd.s32 $0xFFFFEC00  }
0xc4: {  	_ =	swait.ge @!p0 [sflag:s0], $0x1400  }
0xc5: {  	[sflag:s0] =	ssyncset.done @!p0 $0x0  }
0xc6: {  	s1 =	simm.s32 $0x3D00;
	[sflag:s0] =	ssyncadd.s32 @!p0 $0xFFFFEC00  }
0xc7: {  	s30 =	simm.s32 $0x6500;
	v0 =	vld [tilespmem:s1+$0x80]  }
0xc8: {  	v1 =	vld [tilespmem:s30+$0x80];
	_ =	sdelay $0x2  }
0xc9: {  	v2 =	vld [tilespmem:s1+$0xFFFFFF80]  }
0xca: {  	v3 =	vld [tilespmem:s30+$0xFFFFFF80]  }
0xcb: {  	v4 =	vld [tilespmem:s30+$0xFFFFFF00];
	v0 =	vadd.f32 v1, v0  }
0xcc: {  	s0 =	simm.s32 $0x8D00;
	v1 =	vld [tilespmem:s1+$0xFFFFFF00]  }
0xcd: {  	[tilespmem:s0+$0x80] =	vst v0  }
0xce: {  	v0 =	vld [tilespmem:s1+$0x90]  }
0xcf: {  	v2 =	vadd.f32 v3, v2;
	v3 =	vld [tilespmem:s30+$0x90]  }
0xd0: {  	v5 =	vld [tilespmem:s1+$0x0]  }
0xd1: {  	v6 =	vld [tilespmem:s30+$0x0];
	[tilespmem:s0+$0xFFFFFF80] =	vst v2;
	v1 =	vadd.f32 v4, v1  }
0xd2: {  	v2 =	vld [tilespmem:s1+$0xFFFFFF90]  }
0xd3: {  	v4 =	vld [tilespmem:s30+$0xFFFFFF90];
	[tilespmem:s0+$0xFFFFFF00] =	vst v1  }
0xd4: {  	v1 =	vld [tilespmem:s1+$0xFFFFFF10];
	v0 =	vadd.f32 v3, v0  }
0xd5: {  	v3 =	vld [tilespmem:s30+$0xFFFFFF10]  }
0xd6: {  	v5 =	vadd.f32 v6, v5;
	[tilespmem:s0+$0x90] =	vst v0  }
0xd7: {  	v0 =	vld [tilespmem:s1+$0xA0]  }
0xd8: {  	[tilespmem:s0+$0x0] =	vst v5;
	v2 =	vadd.f32 v4, v2;
	v4 =	vld [tilespmem:s30+$0xA0]  }
0xd9: {  	v5 =	vld [tilespmem:s1+$0x10]  }
0xda: {  	v6 =	vld [tilespmem:s30+$0x10];
	[tilespmem:s0+$0xFFFFFF90] =	vst v2;
	v1 =	vadd.f32 v3, v1  }
0xdb: {  	v2 =	vld [tilespmem:s1+$0xFFFFFFA0]  }
0xdc: {  	v3 =	vld [tilespmem:s30+$0xFFFFFFA0];
	[tilespmem:s0+$0xFFFFFF10] =	vst v1  }
0xdd: {  	v1 =	vld [tilespmem:s1+$0xFFFFFF20];
	v0 =	vadd.f32 v4, v0  }
0xde: {  	v4 =	vld [tilespmem:s30+$0xFFFFFF20]  }
0xdf: {  	v5 =	vadd.f32 v6, v5;
	[tilespmem:s0+$0xA0] =	vst v0  }
0xe0: {  	v0 =	vld [tilespmem:s1+$0xB0]  }
0xe1: {  	[tilespmem:s0+$0x10] =	vst v5;
	v2 =	vadd.f32 v3, v2;
	v3 =	vld [tilespmem:s30+$0xB0]  }
0xe2: {  	v5 =	vld [tilespmem:s1+$0x20]  }
0xe3: {  	[tilespmem:s0+$0xFFFFFFA0] =	vst v2;
	v2 =	vld [tilespmem:s30+$0x20];
	v1 =	vadd.f32 v4, v1  }
0xe4: {  	v4 =	vld [tilespmem:s1+$0xFFFFFFB0]  }
0xe5: {  	v6 =	vld [tilespmem:s30+$0xFFFFFFB0];
	[tilespmem:s0+$0xFFFFFF20] =	vst v1  }
0xe6: {  	v1 =	vld [tilespmem:s1+$0xFFFFFF30];
	v0 =	vadd.f32 v3, v0  }
0xe7: {  	v3 =	vld [tilespmem:s30+$0xFFFFFF30]  }
0xe8: {  	v2 =	vadd.f32 v2, v5;
	[tilespmem:s0+$0xB0] =	vst v0  }
0xe9: {  	v0 =	vld [tilespmem:s1+$0xC0]  }
0xea: {  	v4 =	vadd.f32 v6, v4;
	[tilespmem:s0+$0x20] =	vst v2;
	v2 =	vld [tilespmem:s30+$0xC0]  }
0xeb: {  	v5 =	vld [tilespmem:s1+$0x30]  }
0xec: {  	[tilespmem:s0+$0xFFFFFFB0] =	vst v4;
	v1 =	vadd.f32 v3, v1;
	v3 =	vld [tilespmem:s30+$0x30]  }
0xed: {  	v4 =	vld [tilespmem:s1+$0xFFFFFFC0]  }
0xee: {  	[tilespmem:s0+$0xFFFFFF30] =	vst v1;
	v1 =	vld [tilespmem:s30+$0xFFFFFFC0]  }
0xef: {  	v6 =	vld [tilespmem:s1+$0xFFFFFF40];
	v0 =	vadd.f32 v2, v0  }
0xf0: {  	v2 =	vld [tilespmem:s30+$0xFFFFFF40]  }
0xf1: {  	v3 =	vadd.f32 v3, v5;
	[tilespmem:s0+$0xC0] =	vst v0  }
0xf2: {  	v0 =	vld [tilespmem:s1+$0xD0]  }
0xf3: {  	v1 =	vadd.f32 v1, v4;
	[tilespmem:s0+$0x30] =	vst v3;
	v3 =	vld [tilespmem:s30+$0xD0]  }
0xf4: {  	v4 =	vld [tilespmem:s1+$0x40]  }
0xf5: {  	v2 =	vadd.f32 v2, v6;
	[tilespmem:s0+$0xFFFFFFC0] =	vst v1;
	v1 =	vld [tilespmem:s30+$0x40]  }
0xf6: {  	v5 =	vld [tilespmem:s1+$0xFFFFFFD0]  }
0xf7: {  	[tilespmem:s0+$0xFFFFFF40] =	vst v2;
	v2 =	vld [tilespmem:s30+$0xFFFFFFD0]  }
0xf8: {  	v6 =	vld [tilespmem:s1+$0xFFFFFF50];
	v0 =	vadd.f32 v3, v0  }
0xf9: {  	v3 =	vld [tilespmem:s30+$0xFFFFFF50]  }
0xfa: {  	v1 =	vadd.f32 v1, v4;
	[tilespmem:s0+$0xD0] =	vst v0  }
0xfb: {  	v7 =	vld [tilespmem:s1+$0xE0]  }
0xfc: {  	v0 =	vadd.f32 v2, v5;
	v5 =	vld [tilespmem:s30+$0xE0];
	[tilespmem:s0+$0x40] =	vst v1  }
0xfd: {  	v1 =	vld [tilespmem:s1+$0x50]  }
0xfe: {  	v2 =	vadd.f32 v3, v6;
	[tilespmem:s0+$0xFFFFFFD0] =	vst v0;
	v4 =	vld [tilespmem:s30+$0x50]  }
0xff: {  	v0 =	vld [tilespmem:s1+$0xFFFFFFE0]  }
0x100: {  	v3 =	vld [tilespmem:s30+$0xFFFFFFE0];
	[tilespmem:s0+$0xFFFFFF50] =	vst v2  }
0x101: {  	s7 =	simm.s32 $0x0;
	v2 =	vld [tilespmem:s1+$0xFFFFFF60];
	v6 =	vadd.f32 v5, v7  }
0x102: {  	s8 =	simm.s32 $0x3F00;
	s9 =	simm.s32 $0x6500;
	s12 =	simm.s32 $0x8D00;
	v5 =	vld [tilespmem:s30+$0xFFFFFF60]  }
.LBB2_5:
0x103: {  	v7 =	vld [tilespmem:s8+$0x80];
	v1 =	vadd.f32 v4, v1;
	[tilespmem:s0+$0xE0] =	vst v6  }
0x104: {  	v4 =	vld [tilespmem:s1+$0xF0]  }
0x105: {  	s9 =	sadd.s32 $0x200, s9;
	v0 =	vadd.f32 v3, v0;
	[tilespmem:s0+$0x50] =	vst v1;
	v1 =	vld [tilespmem:s30+$0xF0]  }
0x106: {  	v3 =	vld [tilespmem:s9+$0x80]  }
0x107: {  	v6 =	vld [tilespmem:s9+$0xFFFFFF00];
	v2 =	vadd.f32 v5, v2;
	[tilespmem:s0+$0xFFFFFFE0] =	vst v0  }
0x108: {  	v0 =	vld [tilespmem:s8+$0xFFFFFF80]  }
0x109: {  	v5 =	vld [tilespmem:s9+$0xFFFFFF80];
	[tilespmem:s0+$0xFFFFFF60] =	vst v2  }
0x10a: {  	v2 =	vld [tilespmem:s8+$0x0];
	v1 =	vadd.f32 v1, v4  }
0x10b: {  	v4 =	vld [tilespmem:s9+$0x0];
	v3 =	vadd.f32 v3, v7  }
0x10c: {  	s0 =	sadd.s32 $0x200, s0;
	v7 =	vld [tilespmem:s8+$0xFFFFFF00];
	[tilespmem:s12+$0xF0] =	vst v1  }
0x10d: {  	s7 =	sadd.s32 $0x4, s7;
	[tilespmem:s0+$0x80] =	vst v3;
	v1 =	vld [tilespmem:s1+$0x60]  }
0x10e: {  	p0 =	slt.u32 s7, $0x24;
	v0 =	vadd.f32 v5, v0;
	v3 =	vld [tilespmem:s8+$0x90]  }
0x10f: {  	v5 =	vld [tilespmem:s9+$0x90]  }
0x110: {  	[tilespmem:s0+$0xFFFFFF80] =	vst v0;
	v0 =	vadd.f32 v4, v2;
	v2 =	vld [tilespmem:s30+$0x60]  }
0x111: {  	v4 =	vadd.f32 v6, v7;
	v6 =	vld [tilespmem:s8+$0xFFFFFF90]  }
0x112: {  	v7 =	vld [tilespmem:s9+$0xFFFFFF90];
	[tilespmem:s0+$0x0] =	vst v0  }
0x113: {  	[tilespmem:s0+$0xFFFFFF00] =	vst v4;
	v0 =	vld [tilespmem:s8+$0x10]  }
0x114: {  	v4 =	vld [tilespmem:s8+$0xFFFFFF10];
	v3 =	vadd.f32 v5, v3  }
0x115: {  	v5 =	vld [tilespmem:s9+$0xFFFFFF10];
	v1 =	vadd.f32 v2, v1  }
0x116: {  	v2 =	vld [tilespmem:s9+$0x10];
	[tilespmem:s0+$0x90] =	vst v3  }
0x117: {  	v3 =	vadd.f32 v7, v6;
	v6 =	vld [tilespmem:s8+$0xA0];
	[tilespmem:s12+$0x60] =	vst v1  }
0x118: {  	v1 =	vld [tilespmem:s9+$0xA0]  }
0x119: {  	[tilespmem:s0+$0xFFFFFF90] =	vst v3;
	v3 =	vld [tilespmem:s1+$0xFFFFFF70]  }
0x11a: {  	v4 =	vadd.f32 v5, v4;
	v5 =	vld [tilespmem:s8+$0xFFFFFFA0]  }
0x11b: {  	v7 =	vld [tilespmem:s9+$0xFFFFFFA0];
	v0 =	vadd.f32 v2, v0  }
0x11c: {  	[tilespmem:s0+$0xFFFFFF10] =	vst v4;
	v2 =	vld [tilespmem:s30+$0xFFFFFF70]  }
0x11d: {  	v4 =	vld [tilespmem:s8+$0xFFFFFF20];
	[tilespmem:s0+$0x10] =	vst v0;
	v0 =	vadd.f32 v1, v6  }
0x11e: {  	v1 =	vld [tilespmem:s9+$0xFFFFFF20]  }
0x11f: {  	v6 =	vld [tilespmem:s8+$0x20];
	[tilespmem:s0+$0xA0] =	vst v0  }
0x120: {  	v0 =	vadd.f32 v7, v5;
	v5 =	vld [tilespmem:s8+$0xB0]  }
0x121: {  	v7 =	vld [tilespmem:s9+$0xB0];
	v2 =	vadd.f32 v2, v3  }
0x122: {  	[tilespmem:s0+$0xFFFFFFA0] =	vst v0;
	v0 =	vld [tilespmem:s9+$0x20]  }
0x123: {  	v1 =	vadd.f32 v1, v4;
	v3 =	vld [tilespmem:s8+$0xFFFFFFB0];
	[tilespmem:s12+$0xFFFFFF70] =	vst v2  }
0x124: {  	v2 =	vld [tilespmem:s9+$0xFFFFFFB0]  }
0x125: {  	[tilespmem:s0+$0xFFFFFF20] =	vst v1;
	v1 =	vld [tilespmem:s1+$0xFFFFFFF0]  }
0x126: {  	v4 =	vld [tilespmem:s8+$0xFFFFFF30];
	v5 =	vadd.f32 v7, v5  }
0x127: {  	v7 =	vld [tilespmem:s9+$0xFFFFFF30];
	v0 =	vadd.f32 v0, v6  }
0x128: {  	[tilespmem:s0+$0xB0] =	vst v5;
	v5 =	vld [tilespmem:s30+$0xFFFFFFF0]  }
0x129: {  	v2 =	vadd.f32 v2, v3;
	[tilespmem:s0+$0x20] =	vst v0;
	v0 =	vld [tilespmem:s8+$0xC0]  }
0x12a: {  	v3 =	vld [tilespmem:s9+$0xC0]  }
0x12b: {  	[tilespmem:s0+$0xFFFFFFB0] =	vst v2;
	v2 =	vld [tilespmem:s8+$0x30]  }
0x12c: {  	v4 =	vadd.f32 v7, v4;
	v6 =	vld [tilespmem:s9+$0x30]  }
0x12d: {  	v7 =	vld [tilespmem:s8+$0xFFFFFFC0];
	v1 =	vadd.f32 v5, v1  }
0x12e: {  	[tilespmem:s0+$0xFFFFFF30] =	vst v4;
	v4 =	vld [tilespmem:s9+$0xFFFFFFC0]  }
0x12f: {  	v5 =	vld [tilespmem:s8+$0xFFFFFF40];
	v0 =	vadd.f32 v3, v0;
	[tilespmem:s12+$0xFFFFFFF0] =	vst v1  }
0x130: {  	v1 =	vld [tilespmem:s9+$0xFFFFFF40]  }
0x131: {  	v2 =	vadd.f32 v6, v2;
	[tilespmem:s0+$0xC0] =	vst v0;
	v3 =	vld [tilespmem:s1+$0x70];
	s1 =	smov.u32 s8  }
0x132: {  	v0 =	vld [tilespmem:s8+$0xD0]  }
0x133: {  	v4 =	vadd.f32 v4, v7;
	[tilespmem:s0+$0x30] =	vst v2;
	v2 =	vld [tilespmem:s9+$0xD0]  }
0x134: {  	v6 =	vld [tilespmem:s8+$0x40]  }
0x135: {  	v1 =	vadd.f32 v1, v5;
	[tilespmem:s0+$0xFFFFFFC0] =	vst v4;
	v4 =	vld [tilespmem:s9+$0x40]  }
0x136: {  	v5 =	vld [tilespmem:s8+$0xFFFFFFD0]  }
0x137: {  	[tilespmem:s0+$0xFFFFFF40] =	vst v1;
	v1 =	vld [tilespmem:s9+$0xFFFFFFD0]  }
0x138: {  	v7 =	vld [tilespmem:s8+$0xFFFFFF50];
	v0 =	vadd.f32 v2, v0  }
0x139: {  	v2 =	vld [tilespmem:s9+$0xFFFFFF50]  }
0x13a: {  	v4 =	vadd.f32 v4, v6;
	[tilespmem:s0+$0xD0] =	vst v0;
	v6 =	vld [tilespmem:s30+$0x70];
	s30 =	smov.u32 s9  }
0x13b: {  	v8 =	vld [tilespmem:s8+$0xE0]  }
0x13c: {  	v0 =	vadd.f32 v1, v5;
	[tilespmem:s0+$0x40] =	vst v4;
	v5 =	vld [tilespmem:s9+$0xE0]  }
0x13d: {  	v1 =	vld [tilespmem:s8+$0x50]  }
.Ltmp1:
0x13e: {  	v2 =	vadd.f32 v2, v7;
	[tilespmem:s0+$0xFFFFFFD0] =	vst v0;
	v4 =	vld [tilespmem:s9+$0x50];
	(pc) =	sbr.rel @p0 .LBB2_5-.Ltmp1, $4  }
0x13f: {  	v0 =	vld [tilespmem:s8+$0xFFFFFFE0];
	v7 =	vadd.f32 v6, v3  }
0x140: {  	[tilespmem:s0+$0xFFFFFF50] =	vst v2;
	v3 =	vld [tilespmem:s9+$0xFFFFFFE0]  }
0x141: {  	v2 =	vld [tilespmem:s8+$0xFFFFFF60];
	v6 =	vadd.f32 v5, v8;
	[tilespmem:s12+$0x70] =	vst v7;
	s12 =	smov.u32 s0  }
0x142: {  	s8 =	sadd.s32 $0x200, s8;
	v5 =	vld [tilespmem:s9+$0xFFFFFF60]  }
0x143: {  	v1 =	vadd.f32 v4, v1;
	_ =	sdelay $0x1  }
0x144: {  	[tilespmem:s0+$0x50] =	vst v1  }
0x145: {  	v1 =	vld [tilespmem:s1+$0x60]  }
0x146: {  	v55 =	vld [tilespmem:s30+$0x60]  }
0x147: {  	[tilespmem:s0+$0xE0] =	vst v6;
	v0 =	vadd.f32 v3, v0  }
0x148: {  	v56 =	vld [tilespmem:s1+$0xF0]  }
0x149: {  	v57 =	vld [tilespmem:s30+$0xF0];
	v2 =	vadd.f32 v5, v2;
	[tilespmem:s0+$0xFFFFFFE0] =	vst v0  }
0x14a: {  	v60 =	vld [tilespmem:s1+$0xFFFFFFF0]  }
0x14b: {  	v61 =	vld [tilespmem:s30+$0xFFFFFFF0];
	[tilespmem:s0+$0xFFFFFF60] =	vst v2;
	v58 =	vadd.f32 v55, v1  }
0x14c: {  	v2 =	vld [tilespmem:s1+$0xFFFFFF70]  }
0x14d: {  	v59 =	vld [tilespmem:s30+$0xFFFFFF70];
	[tilespmem:s12+$0x60] =	vst v58  }
0x14e: {  	v62 =	vld [tilespmem:s1+$0x70]  }
0x14f: {  	v7 =	vld [tilespmem:s30+$0x70];
	_ =	sdelay $0x1  }
0x150: {  	s28 =	sadd.s32 $0x1, s28;
	v3 =	vadd.f32 v57, v56  }
0x151: {  	p0 =	sne.s32 s28, $0x3E;
	v0 =	vadd.f32 v61, v60  }
.Ltmp2:
0x152: {  	[tilespmem:s12+$0xF0] =	vst v3;
	v1 =	vadd.f32 v59, v2;
	(pc) =	sbr.rel @p0 .LBB2_2-.Ltmp2, $4  }
0x153: {  	s31 =	sadd.s32 s3, s29;
	[tilespmem:s12+$0xFFFFFFF0] =	vst v0;
	v63 =	vadd.f32 v7, v62  }
0x154: {  	s0 =	sshll.u32 s31, $0x4;
	[tilespmem:s12+$0xFFFFFF70] =	vst v1  }
0x155: {  	s0 =	sadd.s32 s6, s0;
	[tilespmem:s12+$0x70] =	vst v63  }
0x156: {  	[hbm4b:s0+s2] =	stream.linear.scatter [tilespmem:s23], [sflag:$0x6], $0x1400, $0x38;
	[tilespmem:$0xA000] =	vst v63  }
0x157: {  	_ =	swait.ge [sflag:s18], $0x1400  }
0x158: {  	[sflag:s18] =	ssyncset.done $0x0  }
0x159: {  	[sflag:s18] =	ssyncadd.s32 $0xFFFFEC00  }
0x15a: {  	_ =	swait.ge [sflag:s19], $0x1400  }
0x15b: {  	[sflag:s19] =	ssyncset.done $0x0  }
0x15c: {  	[sflag:s19] =	ssyncadd.s32 $0xFFFFEC00  }
0x15d: {  	_ =	swait.ge [sflag:s24], $0x1400  }
0x15e: {  	[sflag:s24] =	ssyncset.done $0x0  }
0x15f: {  	s1 =	simm.s32 $0x2900;
	[sflag:s24] =	ssyncadd.s32 $0xFFFFEC00  }
0x160: {  	s28 =	simm.s32 $0x5100;
	v0 =	vld [tilespmem:s1+$0x80]  }
0x161: {  	v1 =	vld [tilespmem:s28+$0x80];
	_ =	sdelay $0x2  }
0x162: {  	v2 =	vld [tilespmem:s1+$0xFFFFFF80]  }
0x163: {  	v3 =	vld [tilespmem:s28+$0xFFFFFF80]  }
0x164: {  	v4 =	vld [tilespmem:s28+$0xFFFFFF00];
	v0 =	vadd.f32 v1, v0  }
0x165: {  	s0 =	simm.s32 $0x7900;
	v1 =	vld [tilespmem:s1+$0xFFFFFF00]  }
0x166: {  	[tilespmem:s0+$0x80] =	vst v0  }
0x167: {  	v0 =	vld [tilespmem:s1+$0x90]  }
0x168: {  	v2 =	vadd.f32 v3, v2;
	v3 =	vld [tilespmem:s28+$0x90]  }
0x169: {  	v5 =	vld [tilespmem:s1+$0x0]  }
0x16a: {  	v6 =	vld [tilespmem:s28+$0x0];
	[tilespmem:s0+$0xFFFFFF80] =	vst v2;
	v1 =	vadd.f32 v4, v1  }
0x16b: {  	v2 =	vld [tilespmem:s1+$0xFFFFFF90]  }
0x16c: {  	v4 =	vld [tilespmem:s28+$0xFFFFFF90];
	[tilespmem:s0+$0xFFFFFF00] =	vst v1  }
0x16d: {  	v1 =	vld [tilespmem:s1+$0xFFFFFF10];
	v0 =	vadd.f32 v3, v0  }
0x16e: {  	v3 =	vld [tilespmem:s28+$0xFFFFFF10]  }
0x16f: {  	v5 =	vadd.f32 v6, v5;
	[tilespmem:s0+$0x90] =	vst v0  }
0x170: {  	v0 =	vld [tilespmem:s1+$0xA0]  }
0x171: {  	[tilespmem:s0+$0x0] =	vst v5;
	v2 =	vadd.f32 v4, v2;
	v4 =	vld [tilespmem:s28+$0xA0]  }
0x172: {  	v5 =	vld [tilespmem:s1+$0x10]  }
0x173: {  	v6 =	vld [tilespmem:s28+$0x10];
	[tilespmem:s0+$0xFFFFFF90] =	vst v2;
	v1 =	vadd.f32 v3, v1  }
0x174: {  	v2 =	vld [tilespmem:s1+$0xFFFFFFA0]  }
0x175: {  	v3 =	vld [tilespmem:s28+$0xFFFFFFA0];
	[tilespmem:s0+$0xFFFFFF10] =	vst v1  }
0x176: {  	v1 =	vld [tilespmem:s1+$0xFFFFFF20];
	v0 =	vadd.f32 v4, v0  }
0x177: {  	v4 =	vld [tilespmem:s28+$0xFFFFFF20]  }
0x178: {  	v5 =	vadd.f32 v6, v5;
	[tilespmem:s0+$0xA0] =	vst v0  }
0x179: {  	v0 =	vld [tilespmem:s1+$0xB0]  }
0x17a: {  	[tilespmem:s0+$0x10] =	vst v5;
	v2 =	vadd.f32 v3, v2;
	v3 =	vld [tilespmem:s28+$0xB0]  }
0x17b: {  	v5 =	vld [tilespmem:s1+$0x20]  }
0x17c: {  	[tilespmem:s0+$0xFFFFFFA0] =	vst v2;
	v2 =	vld [tilespmem:s28+$0x20];
	v1 =	vadd.f32 v4, v1  }
0x17d: {  	v4 =	vld [tilespmem:s1+$0xFFFFFFB0]  }
0x17e: {  	v6 =	vld [tilespmem:s28+$0xFFFFFFB0];
	[tilespmem:s0+$0xFFFFFF20] =	vst v1  }
0x17f: {  	v1 =	vld [tilespmem:s1+$0xFFFFFF30];
	v0 =	vadd.f32 v3, v0  }
0x180: {  	v3 =	vld [tilespmem:s28+$0xFFFFFF30]  }
0x181: {  	v2 =	vadd.f32 v2, v5;
	[tilespmem:s0+$0xB0] =	vst v0  }
0x182: {  	v0 =	vld [tilespmem:s1+$0xC0]  }
0x183: {  	v4 =	vadd.f32 v6, v4;
	[tilespmem:s0+$0x20] =	vst v2;
	v2 =	vld [tilespmem:s28+$0xC0]  }
0x184: {  	v5 =	vld [tilespmem:s1+$0x30]  }
0x185: {  	[tilespmem:s0+$0xFFFFFFB0] =	vst v4;
	v1 =	vadd.f32 v3, v1;
	v3 =	vld [tilespmem:s28+$0x30]  }
0x186: {  	v4 =	vld [tilespmem:s1+$0xFFFFFFC0]  }
0x187: {  	[tilespmem:s0+$0xFFFFFF30] =	vst v1;
	v1 =	vld [tilespmem:s28+$0xFFFFFFC0]  }
0x188: {  	v6 =	vld [tilespmem:s1+$0xFFFFFF40];
	v0 =	vadd.f32 v2, v0  }
0x189: {  	v2 =	vld [tilespmem:s28+$0xFFFFFF40]  }
0x18a: {  	v3 =	vadd.f32 v3, v5;
	[tilespmem:s0+$0xC0] =	vst v0  }
0x18b: {  	v0 =	vld [tilespmem:s1+$0xD0]  }
0x18c: {  	v1 =	vadd.f32 v1, v4;
	[tilespmem:s0+$0x30] =	vst v3;
	v3 =	vld [tilespmem:s28+$0xD0]  }
0x18d: {  	v4 =	vld [tilespmem:s1+$0x40]  }
0x18e: {  	v2 =	vadd.f32 v2, v6;
	[tilespmem:s0+$0xFFFFFFC0] =	vst v1;
	v1 =	vld [tilespmem:s28+$0x40]  }
0x18f: {  	v5 =	vld [tilespmem:s1+$0xFFFFFFD0]  }
0x190: {  	[tilespmem:s0+$0xFFFFFF40] =	vst v2;
	v2 =	vld [tilespmem:s28+$0xFFFFFFD0]  }
0x191: {  	v6 =	vld [tilespmem:s1+$0xFFFFFF50];
	v0 =	vadd.f32 v3, v0  }
0x192: {  	v3 =	vld [tilespmem:s28+$0xFFFFFF50]  }
0x193: {  	v1 =	vadd.f32 v1, v4;
	[tilespmem:s0+$0xD0] =	vst v0  }
0x194: {  	v7 =	vld [tilespmem:s1+$0xE0]  }
0x195: {  	v0 =	vadd.f32 v2, v5;
	v5 =	vld [tilespmem:s28+$0xE0];
	[tilespmem:s0+$0x40] =	vst v1  }
0x196: {  	v1 =	vld [tilespmem:s1+$0x50]  }
0x197: {  	v2 =	vadd.f32 v3, v6;
	[tilespmem:s0+$0xFFFFFFD0] =	vst v0;
	v4 =	vld [tilespmem:s28+$0x50]  }
0x198: {  	v0 =	vld [tilespmem:s1+$0xFFFFFFE0]  }
0x199: {  	v3 =	vld [tilespmem:s28+$0xFFFFFFE0];
	[tilespmem:s0+$0xFFFFFF50] =	vst v2  }
0x19a: {  	s7 =	simm.s32 $0x0;
	v2 =	vld [tilespmem:s1+$0xFFFFFF60];
	v6 =	vadd.f32 v5, v7  }
0x19b: {  	s8 =	simm.s32 $0x2B00;
	s9 =	simm.s32 $0x5100;
	s12 =	simm.s32 $0x7900;
	v5 =	vld [tilespmem:s28+$0xFFFFFF60]  }
.LBB2_8:
0x19c: {  	v7 =	vld [tilespmem:s8+$0x80];
	v1 =	vadd.f32 v4, v1;
	[tilespmem:s0+$0xE0] =	vst v6  }
0x19d: {  	v4 =	vld [tilespmem:s1+$0xF0]  }
0x19e: {  	s9 =	sadd.s32 $0x200, s9;
	v0 =	vadd.f32 v3, v0;
	[tilespmem:s0+$0x50] =	vst v1;
	v1 =	vld [tilespmem:s28+$0xF0]  }
0x19f: {  	v3 =	vld [tilespmem:s9+$0x80]  }
0x1a0: {  	v6 =	vld [tilespmem:s9+$0xFFFFFF00];
	v2 =	vadd.f32 v5, v2;
	[tilespmem:s0+$0xFFFFFFE0] =	vst v0  }
0x1a1: {  	v0 =	vld [tilespmem:s8+$0xFFFFFF80]  }
0x1a2: {  	v5 =	vld [tilespmem:s9+$0xFFFFFF80];
	[tilespmem:s0+$0xFFFFFF60] =	vst v2  }
0x1a3: {  	v2 =	vld [tilespmem:s8+$0x0];
	v1 =	vadd.f32 v1, v4  }
0x1a4: {  	v4 =	vld [tilespmem:s9+$0x0];
	v3 =	vadd.f32 v3, v7  }
0x1a5: {  	s0 =	sadd.s32 $0x200, s0;
	v7 =	vld [tilespmem:s8+$0xFFFFFF00];
	[tilespmem:s12+$0xF0] =	vst v1  }
0x1a6: {  	s7 =	sadd.s32 $0x4, s7;
	[tilespmem:s0+$0x80] =	vst v3;
	v1 =	vld [tilespmem:s1+$0x60]  }
0x1a7: {  	p0 =	slt.u32 s7, $0x24;
	v0 =	vadd.f32 v5, v0;
	v3 =	vld [tilespmem:s8+$0x90]  }
0x1a8: {  	v5 =	vld [tilespmem:s9+$0x90]  }
0x1a9: {  	[tilespmem:s0+$0xFFFFFF80] =	vst v0;
	v0 =	vadd.f32 v4, v2;
	v2 =	vld [tilespmem:s28+$0x60]  }
0x1aa: {  	v4 =	vadd.f32 v6, v7;
	v6 =	vld [tilespmem:s8+$0xFFFFFF90]  }
0x1ab: {  	v7 =	vld [tilespmem:s9+$0xFFFFFF90];
	[tilespmem:s0+$0x0] =	vst v0  }
0x1ac: {  	[tilespmem:s0+$0xFFFFFF00] =	vst v4;
	v0 =	vld [tilespmem:s8+$0x10]  }
0x1ad: {  	v4 =	vld [tilespmem:s8+$0xFFFFFF10];
	v3 =	vadd.f32 v5, v3  }
0x1ae: {  	v5 =	vld [tilespmem:s9+$0xFFFFFF10];
	v1 =	vadd.f32 v2, v1  }
0x1af: {  	v2 =	vld [tilespmem:s9+$0x10];
	[tilespmem:s0+$0x90] =	vst v3  }
0x1b0: {  	v3 =	vadd.f32 v7, v6;
	v6 =	vld [tilespmem:s8+$0xA0];
	[tilespmem:s12+$0x60] =	vst v1  }
0x1b1: {  	v1 =	vld [tilespmem:s9+$0xA0]  }
0x1b2: {  	[tilespmem:s0+$0xFFFFFF90] =	vst v3;
	v3 =	vld [tilespmem:s1+$0xFFFFFF70]  }
0x1b3: {  	v4 =	vadd.f32 v5, v4;
	v5 =	vld [tilespmem:s8+$0xFFFFFFA0]  }
0x1b4: {  	v7 =	vld [tilespmem:s9+$0xFFFFFFA0];
	v0 =	vadd.f32 v2, v0  }
0x1b5: {  	[tilespmem:s0+$0xFFFFFF10] =	vst v4;
	v2 =	vld [tilespmem:s28+$0xFFFFFF70]  }
0x1b6: {  	v4 =	vld [tilespmem:s8+$0xFFFFFF20];
	[tilespmem:s0+$0x10] =	vst v0;
	v0 =	vadd.f32 v1, v6  }
0x1b7: {  	v1 =	vld [tilespmem:s9+$0xFFFFFF20]  }
0x1b8: {  	v6 =	vld [tilespmem:s8+$0x20];
	[tilespmem:s0+$0xA0] =	vst v0  }
0x1b9: {  	v0 =	vadd.f32 v7, v5;
	v5 =	vld [tilespmem:s8+$0xB0]  }
0x1ba: {  	v7 =	vld [tilespmem:s9+$0xB0];
	v2 =	vadd.f32 v2, v3  }
0x1bb: {  	[tilespmem:s0+$0xFFFFFFA0] =	vst v0;
	v0 =	vld [tilespmem:s9+$0x20]  }
0x1bc: {  	v1 =	vadd.f32 v1, v4;
	v3 =	vld [tilespmem:s8+$0xFFFFFFB0];
	[tilespmem:s12+$0xFFFFFF70] =	vst v2  }
0x1bd: {  	v2 =	vld [tilespmem:s9+$0xFFFFFFB0]  }
0x1be: {  	[tilespmem:s0+$0xFFFFFF20] =	vst v1;
	v1 =	vld [tilespmem:s1+$0xFFFFFFF0]  }
0x1bf: {  	v4 =	vld [tilespmem:s8+$0xFFFFFF30];
	v5 =	vadd.f32 v7, v5  }
0x1c0: {  	v7 =	vld [tilespmem:s9+$0xFFFFFF30];
	v0 =	vadd.f32 v0, v6  }
0x1c1: {  	[tilespmem:s0+$0xB0] =	vst v5;
	v5 =	vld [tilespmem:s28+$0xFFFFFFF0]  }
0x1c2: {  	v2 =	vadd.f32 v2, v3;
	[tilespmem:s0+$0x20] =	vst v0;
	v0 =	vld [tilespmem:s8+$0xC0]  }
0x1c3: {  	v3 =	vld [tilespmem:s9+$0xC0]  }
0x1c4: {  	[tilespmem:s0+$0xFFFFFFB0] =	vst v2;
	v2 =	vld [tilespmem:s8+$0x30]  }
0x1c5: {  	v4 =	vadd.f32 v7, v4;
	v6 =	vld [tilespmem:s9+$0x30]  }
0x1c6: {  	v7 =	vld [tilespmem:s8+$0xFFFFFFC0];
	v1 =	vadd.f32 v5, v1  }
0x1c7: {  	[tilespmem:s0+$0xFFFFFF30] =	vst v4;
	v4 =	vld [tilespmem:s9+$0xFFFFFFC0]  }
0x1c8: {  	v5 =	vld [tilespmem:s8+$0xFFFFFF40];
	v0 =	vadd.f32 v3, v0;
	[tilespmem:s12+$0xFFFFFFF0] =	vst v1  }
0x1c9: {  	v1 =	vld [tilespmem:s9+$0xFFFFFF40]  }
0x1ca: {  	v2 =	vadd.f32 v6, v2;
	[tilespmem:s0+$0xC0] =	vst v0;
	v3 =	vld [tilespmem:s1+$0x70];
	s1 =	smov.u32 s8  }
0x1cb: {  	v0 =	vld [tilespmem:s8+$0xD0]  }
0x1cc: {  	v4 =	vadd.f32 v4, v7;
	[tilespmem:s0+$0x30] =	vst v2;
	v2 =	vld [tilespmem:s9+$0xD0]  }
0x1cd: {  	v6 =	vld [tilespmem:s8+$0x40]  }
0x1ce: {  	v1 =	vadd.f32 v1, v5;
	[tilespmem:s0+$0xFFFFFFC0] =	vst v4;
	v4 =	vld [tilespmem:s9+$0x40]  }
0x1cf: {  	v5 =	vld [tilespmem:s8+$0xFFFFFFD0]  }
0x1d0: {  	[tilespmem:s0+$0xFFFFFF40] =	vst v1;
	v1 =	vld [tilespmem:s9+$0xFFFFFFD0]  }
0x1d1: {  	v7 =	vld [tilespmem:s8+$0xFFFFFF50];
	v0 =	vadd.f32 v2, v0  }
0x1d2: {  	v2 =	vld [tilespmem:s9+$0xFFFFFF50]  }
0x1d3: {  	v4 =	vadd.f32 v4, v6;
	[tilespmem:s0+$0xD0] =	vst v0;
	v6 =	vld [tilespmem:s28+$0x70];
	s28 =	smov.u32 s9  }
0x1d4: {  	v8 =	vld [tilespmem:s8+$0xE0]  }
0x1d5: {  	v0 =	vadd.f32 v1, v5;
	[tilespmem:s0+$0x40] =	vst v4;
	v5 =	vld [tilespmem:s9+$0xE0]  }
0x1d6: {  	v1 =	vld [tilespmem:s8+$0x50]  }
.Ltmp3:
0x1d7: {  	v2 =	vadd.f32 v2, v7;
	[tilespmem:s0+$0xFFFFFFD0] =	vst v0;
	v4 =	vld [tilespmem:s9+$0x50];
	(pc) =	sbr.rel @p0 .LBB2_8-.Ltmp3, $4  }
0x1d8: {  	v0 =	vld [tilespmem:s8+$0xFFFFFFE0];
	v7 =	vadd.f32 v6, v3  }
0x1d9: {  	[tilespmem:s0+$0xFFFFFF50] =	vst v2;
	v3 =	vld [tilespmem:s9+$0xFFFFFFE0]  }
0x1da: {  	v2 =	vld [tilespmem:s8+$0xFFFFFF60];
	v6 =	vadd.f32 v5, v8;
	[tilespmem:s12+$0x70] =	vst v7;
	s12 =	smov.u32 s0  }
0x1db: {  	s8 =	sadd.s32 $0x200, s8;
	v5 =	vld [tilespmem:s9+$0xFFFFFF60]  }
0x1dc: {  	v1 =	vadd.f32 v4, v1;
	_ =	sdelay $0x1  }
0x1dd: {  	[tilespmem:s0+$0x50] =	vst v1  }
0x1de: {  	v1 =	vld [tilespmem:s1+$0x60]  }
0x1df: {  	v55 =	vld [tilespmem:s28+$0x60]  }
0x1e0: {  	[tilespmem:s0+$0xE0] =	vst v6;
	v0 =	vadd.f32 v3, v0  }
0x1e1: {  	v56 =	vld [tilespmem:s1+$0xF0]  }
0x1e2: {  	v57 =	vld [tilespmem:s28+$0xF0];
	v2 =	vadd.f32 v5, v2;
	[tilespmem:s0+$0xFFFFFFE0] =	vst v0  }
0x1e3: {  	v60 =	vld [tilespmem:s1+$0xFFFFFFF0]  }
0x1e4: {  	v61 =	vld [tilespmem:s28+$0xFFFFFFF0];
	[tilespmem:s0+$0xFFFFFF60] =	vst v2;
	v58 =	vadd.f32 v55, v1  }
0x1e5: {  	v2 =	vld [tilespmem:s1+$0xFFFFFF70]  }
0x1e6: {  	v59 =	vld [tilespmem:s28+$0xFFFFFF70];
	[tilespmem:s12+$0x60] =	vst v58  }
0x1e7: {  	v62 =	vld [tilespmem:s1+$0x70]  }
0x1e8: {  	v7 =	vld [tilespmem:s28+$0x70];
	_ =	sdelay $0x1  }
0x1e9: {  	v3 =	vadd.f32 v57, v56  }
0x1ea: {  	v0 =	vadd.f32 v61, v60  }
0x1eb: {  	[tilespmem:s12+$0xF0] =	vst v3;
	v1 =	vadd.f32 v59, v2  }
0x1ec: {  	[tilespmem:s12+$0xFFFFFFF0] =	vst v0;
	v63 =	vadd.f32 v7, v62  }
0x1ed: {  	[tilespmem:s12+$0xFFFFFF70] =	vst v1  }
0x1ee: {  	[tilespmem:s12+$0x70] =	vst v63  }
0x1ef: {  	s26 =	sadd.s32 $0x1, s26;
	s0 =	rddreg [dreg:$0x5]  }
0x1f0: {  	[hbm4b:s0+s2] =	stream.linear.scatter [tilespmem:s20], [sflag:$0x5], $0x1400, $0x38;
	[tilespmem:$0xA000] =	vst v63  }
0x1f1: {  	p0 =	sne.s32 s26, s10;
	_ =	swait.ge [sflag:s25], $0x1400  }
.Ltmp4:
0x1f2: {  	[sflag:s25] =	ssyncset.done $0x0;
	(pc) =	sbr.rel @p0 .LBB2_1-.Ltmp4, $4  }
0x1f3: {  	[sflag:s25] =	ssyncadd.s32 $0xFFFFEC00  }
0x1f4: {  	_ =	swait.ge [sflag:s24], $0x1400  }
0x1f5: {  	[sflag:s24] =	ssyncset.done $0x0  }
0x1f6: {  	[sflag:s24] =	ssyncadd.s32 $0xFFFFEC00  }
0x1f7: {  	_ =	sfence.sel $0x180000  }
0x1f8: {  	[bflag:$0x0] =	sbarrier.arrive $0xFFFF  }
0x1f9: {  	_ =	strace $0x90000047  }
0x1fa: {  	s0 =	stileid.u32;
	[bflag:$0x2] =	sbarrier.arrive $0xFFFF  }
0x1fb: {  	p0 =	sne.s32 s0, $0x0;
	s0 =	rddreg [dreg:$0x2]  }
0x1fc: {  	s0 =	sadd.s32 @!p0 $0x100000, s0  }
0x1fd: {  	[sflag:s0] =	ssyncadd.tile.s32 @!p0 $0x1;
	_ =	shalt  }
.Lfunc_end2:
_tile_overlayer_lowered:
.L_overlay_start_2:
0x1fe: {  	(tag) =	ssettag $0x2  }
0x1ff: {  	s0 =	rddreg [dreg:$0x0];
	s2 =	stileid.u32  }
0x200: {  	s1 =	rddreg [dreg:$0x1];
	p0 =	sne.s32 s2, $0x0  }
0x201: {  	s3 =	rddreg [dreg:$0x2];
	[bflag:$0x3] =	sbarrier.arrive $0xFFFF;
	s2 =	simm.s32 @!p0 $0x1C07  }
0x202: {  	[timem:s3], [sflag:s2] =	dma.local @!p0 [hbm:s0], s1  }
0x203: {  	s0 =	simm.s32 @!p0 $0x7  }
0x204: {  	_ =	swait.ge @!p0 [sflag:s0], s1  }
0x205: {  	s1 =	ssub.s32 @!p0 $0x0, s1;
	[sflag:s0] =	ssyncset.done @!p0 $0x0  }
0x206: {  	[sflag:s0] =	ssyncadd.s32 @!p0 s1  }
0x207: {  	[bflag:$0x3] =	sbarrier.arrive $0xFFFF  }
0x208: {  	_ =	shalt  }

</sc_bundles>
